<compile_context>
chip_gen: v7x
topology: tpu7x:2x2x1
jax: 0.10.2.dev20260603
libtpu: 0.0.44.dev20260713+nightly
codegen_flags: <defaults>
</compile_context>

<pallas_src>
import functools

import jax
import jax.numpy as jnp
from jax import lax
from jax.experimental import pallas as pl
from jax.experimental.pallas import tpu as pltpu
from jax.experimental.pallas import tpu_sc as plsc

D = 64
K = 20
NC = 2
NS = 16
NW = NC * NS
S = 16
L = 16
NV = D // L
WR = 2 * D


def _body(c_hbm, x_hbm, n_hbm, win, wout, pos_out, neg_out,
          cidx, xidx, nidx, crow0, crow1, xrow0, xrow1, nrow0, nrow1,
          posv, negv, sem0, sem1, *, bw, nchunk):
    wid = lax.axis_index("s") * NC + lax.axis_index("c")
    base = wid * bw
    iota = lax.iota(jnp.int32, L)
    lane15 = iota == (L - 1)
    crow = (crow0, crow1)
    xrow = (xrow0, xrow1)
    nrow = (nrow0, nrow1)
    sems = (sem0, sem1)

    pltpu.sync_copy(c_hbm.at[pl.ds(base, bw)], cidx)
    pltpu.sync_copy(x_hbm.at[pl.ds(base, bw)], xidx)
    pltpu.sync_copy(n_hbm.at[pl.ds(base * K, bw * K)], nidx)

    def issue(i, buf):
        pltpu.async_copy(win.at[cidx.at[pl.ds(i * S, S)]], crow[buf], sems[buf])
        pltpu.async_copy(wout.at[xidx.at[pl.ds(i * S, S)]], xrow[buf], sems[buf])
        pltpu.async_copy(wout.at[nidx.at[pl.ds(i * S * K, S * K)]], nrow[buf],
                         sems[buf])

    def drain(buf):
        pltpu.make_async_copy(
            win.at[cidx.at[pl.ds(0, S)]], crow[buf], sems[buf]).wait()
        pltpu.make_async_copy(
            wout.at[xidx.at[pl.ds(0, S)]], xrow[buf], sems[buf]).wait()
        pltpu.make_async_copy(
            wout.at[nidx.at[pl.ds(0, S * K)]], nrow[buf], sems[buf]).wait()

    def compute(i, buf):
        @plsc.parallel_loop(0, S, 1, unroll=2)
        def bstep(bb):
            c = [crow[buf][bb, pl.ds(j * L, L)] for j in range(NV)]
            x = [xrow[buf][bb, pl.ds(j * L, L)] for j in range(NV)]
            m = (c[0] * x[0] + c[1] * x[1]) + (c[2] * x[2] + c[3] * x[3])
            cum = plsc.cumsum(m)
            gpos = i * S + bb
            plsc.store_scatter(posv, [jnp.full((L,), gpos, jnp.int32)], cum,
                               mask=lane15)
            for k in range(K):
                n = [nrow[buf][bb * K + k, pl.ds(j * L, L)] for j in range(NV)]
                m = (c[0] * n[0] + c[1] * n[1]) + (c[2] * n[2] + c[3] * n[3])
                cum = plsc.cumsum(m)
                plsc.store_scatter(
                    negv, [jnp.full((L,), gpos * K + k, jnp.int32)], cum,
                    mask=lane15)

    issue(0, 0)

    def pair(p, carry):
        i0 = 2 * p
        issue(i0 + 1, 1)
        drain(0)
        compute(i0, 0)
        issue(jnp.minimum(i0 + 2, nchunk - 1), 0)
        drain(1)
        compute(i0 + 1, 1)
        return carry

    lax.fori_loop(0, nchunk // 2, pair, 0)
    drain(0)
    pltpu.sync_copy(posv, pos_out.at[pl.ds(base, bw)])
    pltpu.sync_copy(negv, neg_out.at[pl.ds(base * K, bw * K)])


def kernel(center_words, context_words, negative_words, W_in, W_out):
    b = center_words.shape[0]
    bw = b // NW
    nchunk = bw // S
    mesh = plsc.VectorSubcoreMesh(core_axis_name="c", subcore_axis_name="s")
    k = pl.kernel(
        functools.partial(_body, bw=bw, nchunk=nchunk),
        out_type=(jax.ShapeDtypeStruct((b,), jnp.float32),
                  jax.ShapeDtypeStruct((b * K,), jnp.float32)),
        mesh=mesh,
        compiler_params=pltpu.CompilerParams(
            needs_layout_passes=False, use_tc_tiling_on_sc=False),
        scratch_types=[
            pltpu.VMEM((bw,), jnp.int32),
            pltpu.VMEM((bw,), jnp.int32),
            pltpu.VMEM((bw * K,), jnp.int32),
            pltpu.VMEM((S, WR), jnp.float32),
            pltpu.VMEM((S, WR), jnp.float32),
            pltpu.VMEM((S, WR), jnp.float32),
            pltpu.VMEM((S, WR), jnp.float32),
            pltpu.VMEM((S * K, WR), jnp.float32),
            pltpu.VMEM((S * K, WR), jnp.float32),
            pltpu.VMEM((bw,), jnp.float32),
            pltpu.VMEM((bw * K,), jnp.float32),
            pltpu.SemaphoreType.DMA,
            pltpu.SemaphoreType.DMA,
        ],
    )
    nflat = negative_words.astype(jnp.int32).reshape(-1)
    wpi = jnp.pad(W_in, ((0, 0), (0, D)))
    wpo = jnp.pad(W_out, ((0, 0), (0, D)))
    pos, neg = k(center_words.astype(jnp.int32),
                 context_words.astype(jnp.int32),
                 nflat, wpi, wpo)
    return pos, neg.reshape(b, K)

# --- scband reference (transcript-rebuilt; emitter-appended) ---
"""Pipeline reference for scband-skip-gram-model-16784732193345 (READ-ONLY COPY).

The authoritative reference and input builder live on the scoring server;
editing this copy changes nothing except your own understanding.
"""

import jax, jax.numpy as jnp
import numpy as np

VOCAB = 1000000
DIM = 64
B = 16384
KNEG = 20


def setup_inputs(seed: int = 0) -> dict:
    key = jax.random.key(seed)
    k1, k2, k3, k4, k5 = jax.random.split(key, 5)
    center_words = jax.random.randint(k1, (B,), 0, VOCAB)
    context_words = jax.random.randint(k2, (B,), 0, VOCAB)
    negative_words = jax.random.randint(k3, (B, KNEG), 0, VOCAB)
    s = 0.5 / DIM
    W_in = jax.random.uniform(k4, (VOCAB, DIM), minval=-s, maxval=s, dtype=jnp.float32)
    W_out = jax.random.uniform(k5, (VOCAB, DIM), minval=-s, maxval=s, dtype=jnp.float32)
    return {
        "center_words": center_words,
        "context_words": context_words,
        "negative_words": negative_words,
        "W_in": W_in,
        "W_out": W_out,
    }


def reference(center_words, context_words, negative_words, W_in, W_out):
    # input_embeddings(center_words)
    center_embeds = jnp.take(W_in, center_words, axis=0)            # [B, D]
    # output_embeddings(context_words)
    context_embeds = jnp.take(W_out, context_words, axis=0)         # [B, D]
    # output_embeddings(negative_words)
    negative_embeds = jnp.take(W_out, negative_words, axis=0)       # [B, K, D]
    # positive_score = sum(center * context, dim=1)
    positive_score = jnp.sum(center_embeds * context_embeds, axis=1)  # [B]
    # negative_score = bmm(negative_embeds, center.unsqueeze(2)).squeeze(2)
    negative_score = jnp.einsum('bkd,bd->bk', negative_embeds, center_embeds)  # [B, K]
    return (positive_score, negative_score)

if __name__ == "__main__":
    import jax
    _d = setup_inputs()
    print(jax.jit(kernel)(*tuple(_d.values())))

</pallas_src>

<mosaic_0001>
#map = affine_map<(d0, d1) -> (0)>
#map1 = affine_map<(d0, d1) -> (0, 0)>
module attributes {stable_mosaic.version = 14 : i64} {
  func.func @_body(%arg0: i32, %arg1: i32, %arg2: memref<16384xi32, #tpu.memory_space<hbm>>, %arg3: memref<16384xi32, #tpu.memory_space<hbm>>, %arg4: memref<327680xi32, #tpu.memory_space<hbm>>, %arg5: memref<1000000x128xf32, #tpu.memory_space<hbm>>, %arg6: memref<1000000x128xf32, #tpu.memory_space<hbm>>, %arg7: memref<16384xf32, #tpu.memory_space<hbm>>, %arg8: memref<327680xf32, #tpu.memory_space<hbm>>, %arg9: memref<512xi32, #tpu.memory_space<vmem>>, %arg10: memref<512xi32, #tpu.memory_space<vmem>>, %arg11: memref<10240xi32, #tpu.memory_space<vmem>>, %arg12: memref<16x128xf32, #tpu.memory_space<vmem>>, %arg13: memref<16x128xf32, #tpu.memory_space<vmem>>, %arg14: memref<16x128xf32, #tpu.memory_space<vmem>>, %arg15: memref<16x128xf32, #tpu.memory_space<vmem>>, %arg16: memref<320x128xf32, #tpu.memory_space<vmem>>, %arg17: memref<320x128xf32, #tpu.memory_space<vmem>>, %arg18: memref<512xf32, #tpu.memory_space<vmem>>, %arg19: memref<10240xf32, #tpu.memory_space<vmem>>, %arg20: memref<!tpu.dma_semaphore, #tpu.memory_space<semaphore_mem>>, %arg21: memref<!tpu.dma_semaphore, #tpu.memory_space<semaphore_mem>>) attributes {dimension_semantics = [#tpu.dimension_semantics<core_parallel>, #tpu.dimension_semantics<subcore_parallel>], iteration_bounds = array<i64: 2, 16>, scalar_prefetch = 0 : i64, scratch_operands = 13 : i64, tpu.core_type = #tpu.core_type<sc_vector_subcore>, window_params = [{transform_indices = #map}, {transform_indices = #map}, {transform_indices = #map}, {transform_indices = #map1}, {transform_indices = #map1}, {transform_indices = #map}, {transform_indices = #map}]} {
    %mul3A = arith.constant 2 : i32
    %mul3A_0 = arith.muli %arg1, %mul3A : i32
    %add3A = arith.addi %mul3A_0, %arg0 : i32
    %mul3A_1 = arith.constant 512 : i32
    %mul3A_2 = arith.muli %add3A, %mul3A_1 : i32
    %iota3A = tpu.iota {dimensions = array<i32: 0>} : vector<16xi32>
    %eq3A = arith.constant 15 : i32
    %eq3A_3 = vector.broadcast %eq3A : i32 to vector<16xi32>
    %eq3A_4 = arith.cmpi eq, %iota3A, %eq3A_3 : vector<16xi32>
    "tpu.region"() ({
      %run_scoped3A = tpu.sem_alloc : memref<!tpu.dma_semaphore, #tpu.memory_space<semaphore_mem>>
      %dma_start3A_42 = tpu.memref_slice %arg2[%mul3A_2] : memref<16384xi32, #tpu.memory_space<hbm>> -> memref<512xi32, #tpu.memory_space<hbm>>
      %dma_start3A_43 = tpu.memref_slice %arg2[%mul3A_2] : memref<16384xi32, #tpu.memory_space<hbm>> -> memref<512xi32, #tpu.memory_space<hbm>>
      tpu.enqueue_dma source(%dma_start3A_43 : memref<512xi32, #tpu.memory_space<hbm>>) target(%arg9 : memref<512xi32, #tpu.memory_space<vmem>>) target_semaphore(%run_scoped3A : memref<!tpu.dma_semaphore, #tpu.memory_space<semaphore_mem>>)
      %dma_wait3A_44 = tpu.memref_slice %arg2[%mul3A_2] : memref<16384xi32, #tpu.memory_space<hbm>> -> memref<512xi32, #tpu.memory_space<hbm>>
      %dma_wait3A_45 = tpu.memref_slice %arg2[%mul3A_2] : memref<16384xi32, #tpu.memory_space<hbm>> -> memref<512xi32, #tpu.memory_space<hbm>>
      tpu.wait_dma2 semaphore(%run_scoped3A : memref<!tpu.dma_semaphore, #tpu.memory_space<semaphore_mem>>) src(%dma_wait3A_45 : memref<512xi32, #tpu.memory_space<hbm>>) dst(%arg9 : memref<512xi32, #tpu.memory_space<vmem>>)
      tpu.yield
    }) : () -> ()
    "tpu.region"() ({
      %run_scoped3A = tpu.sem_alloc : memref<!tpu.dma_semaphore, #tpu.memory_space<semaphore_mem>>
      %dma_start3A_42 = tpu.memref_slice %arg3[%mul3A_2] : memref<16384xi32, #tpu.memory_space<hbm>> -> memref<512xi32, #tpu.memory_space<hbm>>
      %dma_start3A_43 = tpu.memref_slice %arg3[%mul3A_2] : memref<16384xi32, #tpu.memory_space<hbm>> -> memref<512xi32, #tpu.memory_space<hbm>>
      tpu.enqueue_dma source(%dma_start3A_43 : memref<512xi32, #tpu.memory_space<hbm>>) target(%arg10 : memref<512xi32, #tpu.memory_space<vmem>>) target_semaphore(%run_scoped3A : memref<!tpu.dma_semaphore, #tpu.memory_space<semaphore_mem>>)
      %dma_wait3A_44 = tpu.memref_slice %arg3[%mul3A_2] : memref<16384xi32, #tpu.memory_space<hbm>> -> memref<512xi32, #tpu.memory_space<hbm>>
      %dma_wait3A_45 = tpu.memref_slice %arg3[%mul3A_2] : memref<16384xi32, #tpu.memory_space<hbm>> -> memref<512xi32, #tpu.memory_space<hbm>>
      tpu.wait_dma2 semaphore(%run_scoped3A : memref<!tpu.dma_semaphore, #tpu.memory_space<semaphore_mem>>) src(%dma_wait3A_45 : memref<512xi32, #tpu.memory_space<hbm>>) dst(%arg10 : memref<512xi32, #tpu.memory_space<vmem>>)
      tpu.yield
    }) : () -> ()
    %mul3A_5 = arith.constant 20 : i32
    %mul3A_6 = arith.muli %mul3A_2, %mul3A_5 : i32
    "tpu.region"() ({
      %run_scoped3A = tpu.sem_alloc : memref<!tpu.dma_semaphore, #tpu.memory_space<semaphore_mem>>
      %dma_start3A_42 = tpu.memref_slice %arg4[%mul3A_6] : memref<327680xi32, #tpu.memory_space<hbm>> -> memref<10240xi32, #tpu.memory_space<hbm>>
      %dma_start3A_43 = tpu.memref_slice %arg4[%mul3A_6] : memref<327680xi32, #tpu.memory_space<hbm>> -> memref<10240xi32, #tpu.memory_space<hbm>>
      tpu.enqueue_dma source(%dma_start3A_43 : memref<10240xi32, #tpu.memory_space<hbm>>) target(%arg11 : memref<10240xi32, #tpu.memory_space<vmem>>) target_semaphore(%run_scoped3A : memref<!tpu.dma_semaphore, #tpu.memory_space<semaphore_mem>>)
      %dma_wait3A_44 = tpu.memref_slice %arg4[%mul3A_6] : memref<327680xi32, #tpu.memory_space<hbm>> -> memref<10240xi32, #tpu.memory_space<hbm>>
      %dma_wait3A_45 = tpu.memref_slice %arg4[%mul3A_6] : memref<327680xi32, #tpu.memory_space<hbm>> -> memref<10240xi32, #tpu.memory_space<hbm>>
      tpu.wait_dma2 semaphore(%run_scoped3A : memref<!tpu.dma_semaphore, #tpu.memory_space<semaphore_mem>>) src(%dma_wait3A_45 : memref<10240xi32, #tpu.memory_space<hbm>>) dst(%arg11 : memref<10240xi32, #tpu.memory_space<vmem>>)
      tpu.yield
    }) : () -> ()
    %dma_start3A = arith.constant 0 : i32
    %dma_start3A_7 = tpu.memref_slice %arg9[%dma_start3A] : memref<512xi32, #tpu.memory_space<vmem>> -> memref<16xi32, #tpu.memory_space<vmem>>
    %dma_start3A_8 = arith.constant 0 : i32
    %dma_start3A_9 = arith.constant 0 : i32
    %dma_start3A_10 = tpu.memref_slice %arg5[%dma_start3A_8, %dma_start3A_9] : memref<1000000x128xf32, #tpu.memory_space<hbm>> -> memref<1000000x128xf32, #tpu.memory_space<hbm>>
    tpu.enqueue_indirect_dma source(%dma_start3A_10 : memref<1000000x128xf32, #tpu.memory_space<hbm>>) target(%arg12 : memref<16x128xf32, #tpu.memory_space<vmem>>) offsets(%dma_start3A_7 : memref<16xi32, #tpu.memory_space<vmem>>) semaphore(%arg20 : memref<!tpu.dma_semaphore, #tpu.memory_space<semaphore_mem>>)
    %dma_start3A_11 = arith.constant 0 : i32
    %dma_start3A_12 = tpu.memref_slice %arg10[%dma_start3A_11] : memref<512xi32, #tpu.memory_space<vmem>> -> memref<16xi32, #tpu.memory_space<vmem>>
    %dma_start3A_13 = arith.constant 0 : i32
    %dma_start3A_14 = arith.constant 0 : i32
    %dma_start3A_15 = tpu.memref_slice %arg6[%dma_start3A_13, %dma_start3A_14] : memref<1000000x128xf32, #tpu.memory_space<hbm>> -> memref<1000000x128xf32, #tpu.memory_space<hbm>>
    tpu.enqueue_indirect_dma source(%dma_start3A_15 : memref<1000000x128xf32, #tpu.memory_space<hbm>>) target(%arg14 : memref<16x128xf32, #tpu.memory_space<vmem>>) offsets(%dma_start3A_12 : memref<16xi32, #tpu.memory_space<vmem>>) semaphore(%arg20 : memref<!tpu.dma_semaphore, #tpu.memory_space<semaphore_mem>>)
    %dma_start3A_16 = arith.constant 0 : i32
    %dma_start3A_17 = tpu.memref_slice %arg11[%dma_start3A_16] : memref<10240xi32, #tpu.memory_space<vmem>> -> memref<320xi32, #tpu.memory_space<vmem>>
    %dma_start3A_18 = arith.constant 0 : i32
    %dma_start3A_19 = arith.constant 0 : i32
    %dma_start3A_20 = tpu.memref_slice %arg6[%dma_start3A_18, %dma_start3A_19] : memref<1000000x128xf32, #tpu.memory_space<hbm>> -> memref<1000000x128xf32, #tpu.memory_space<hbm>>
    tpu.enqueue_indirect_dma source(%dma_start3A_20 : memref<1000000x128xf32, #tpu.memory_space<hbm>>) target(%arg16 : memref<320x128xf32, #tpu.memory_space<vmem>>) offsets(%dma_start3A_17 : memref<320xi32, #tpu.memory_space<vmem>>) semaphore(%arg20 : memref<!tpu.dma_semaphore, #tpu.memory_space<semaphore_mem>>)
    %scan3A = arith.constant 0 : i32
    %scan3A_21 = arith.constant 0 : i32
    %scan3A_22 = arith.constant 16 : i32
    %scan3A_23 = arith.addi %scan3A_21, %scan3A_22 : i32
    %scan3A_24 = arith.constant 1 : i32
    scf.for %scan3A_42 = %scan3A_21 to %scan3A_23 step %scan3A_24  : i32 {
      %mul3A_43 = arith.constant 2 : i32
      %mul3A_44 = arith.muli %mul3A_43, %scan3A_42 : i32
      %add3A_45 = arith.constant 1 : i32
      %add3A_46 = arith.addi %mul3A_44, %add3A_45 : i32
      %mul3A_47 = arith.constant 16 : i32
      %mul3A_48 = arith.muli %add3A_46, %mul3A_47 : i32
      %dma_start3A_49 = tpu.memref_slice %arg9[%mul3A_48] : memref<512xi32, #tpu.memory_space<vmem>> -> memref<16xi32, #tpu.memory_space<vmem>>
      %dma_start3A_50 = arith.constant 0 : i32
      %dma_start3A_51 = arith.constant 0 : i32
      %dma_start3A_52 = tpu.memref_slice %arg5[%dma_start3A_50, %dma_start3A_51] : memref<1000000x128xf32, #tpu.memory_space<hbm>> -> memref<1000000x128xf32, #tpu.memory_space<hbm>>
      tpu.enqueue_indirect_dma source(%dma_start3A_52 : memref<1000000x128xf32, #tpu.memory_space<hbm>>) target(%arg13 : memref<16x128xf32, #tpu.memory_space<vmem>>) offsets(%dma_start3A_49 : memref<16xi32, #tpu.memory_space<vmem>>) semaphore(%arg21 : memref<!tpu.dma_semaphore, #tpu.memory_space<semaphore_mem>>)
      %mul3A_53 = arith.constant 16 : i32
      %mul3A_54 = arith.muli %add3A_46, %mul3A_53 : i32
      %dma_start3A_55 = tpu.memref_slice %arg10[%mul3A_54] : memref<512xi32, #tpu.memory_space<vmem>> -> memref<16xi32, #tpu.memory_space<vmem>>
      %dma_start3A_56 = arith.constant 0 : i32
      %dma_start3A_57 = arith.constant 0 : i32
      %dma_start3A_58 = tpu.memref_slice %arg6[%dma_start3A_56, %dma_start3A_57] : memref<1000000x128xf32, #tpu.memory_space<hbm>> -> memref<1000000x128xf32, #tpu.memory_space<hbm>>
      tpu.enqueue_indirect_dma source(%dma_start3A_58 : memref<1000000x128xf32, #tpu.memory_space<hbm>>) target(%arg15 : memref<16x128xf32, #tpu.memory_space<vmem>>) offsets(%dma_start3A_55 : memref<16xi32, #tpu.memory_space<vmem>>) semaphore(%arg21 : memref<!tpu.dma_semaphore, #tpu.memory_space<semaphore_mem>>)
      %mul3A_59 = arith.constant 16 : i32
      %mul3A_60 = arith.muli %add3A_46, %mul3A_59 : i32
      %mul3A_61 = arith.constant 20 : i32
      %mul3A_62 = arith.muli %mul3A_60, %mul3A_61 : i32
      %dma_start3A_63 = tpu.memref_slice %arg11[%mul3A_62] : memref<10240xi32, #tpu.memory_space<vmem>> -> memref<320xi32, #tpu.memory_space<vmem>>
      %dma_start3A_64 = arith.constant 0 : i32
      %dma_start3A_65 = arith.constant 0 : i32
      %dma_start3A_66 = tpu.memref_slice %arg6[%dma_start3A_64, %dma_start3A_65] : memref<1000000x128xf32, #tpu.memory_space<hbm>> -> memref<1000000x128xf32, #tpu.memory_space<hbm>>
      tpu.enqueue_indirect_dma source(%dma_start3A_66 : memref<1000000x128xf32, #tpu.memory_space<hbm>>) target(%arg17 : memref<320x128xf32, #tpu.memory_space<vmem>>) offsets(%dma_start3A_63 : memref<320xi32, #tpu.memory_space<vmem>>) semaphore(%arg21 : memref<!tpu.dma_semaphore, #tpu.memory_space<semaphore_mem>>)
      %dma_wait3A_67 = arith.constant 0 : i32
      %dma_wait3A_68 = tpu.memref_slice %arg9[%dma_wait3A_67] : memref<512xi32, #tpu.memory_space<vmem>> -> memref<16xi32, #tpu.memory_space<vmem>>
      %dma_wait3A_69 = arith.constant 0 : i32
      %dma_wait3A_70 = arith.constant 0 : i32
      %dma_wait3A_71 = tpu.memref_slice %arg5[%dma_wait3A_69, %dma_wait3A_70] : memref<1000000x128xf32, #tpu.memory_space<hbm>> -> memref<1000000x128xf32, #tpu.memory_space<hbm>>
      tpu.wait_indirect_dma semaphore(%arg20 : memref<!tpu.dma_semaphore, #tpu.memory_space<semaphore_mem>>) src(%dma_wait3A_71 : memref<1000000x128xf32, #tpu.memory_space<hbm>>) dst(%arg12 : memref<16x128xf32, #tpu.memory_space<vmem>>)
      %dma_wait3A_72 = arith.constant 0 : i32
      %dma_wait3A_73 = tpu.memref_slice %arg10[%dma_wait3A_72] : memref<512xi32, #tpu.memory_space<vmem>> -> memref<16xi32, #tpu.memory_space<vmem>>
      %dma_wait3A_74 = arith.constant 0 : i32
      %dma_wait3A_75 = arith.constant 0 : i32
      %dma_wait3A_76 = tpu.memref_slice %arg6[%dma_wait3A_74, %dma_wait3A_75] : memref<1000000x128xf32, #tpu.memory_space<hbm>> -> memref<1000000x128xf32, #tpu.memory_space<hbm>>
      tpu.wait_indirect_dma semaphore(%arg20 : memref<!tpu.dma_semaphore, #tpu.memory_space<semaphore_mem>>) src(%dma_wait3A_76 : memref<1000000x128xf32, #tpu.memory_space<hbm>>) dst(%arg14 : memref<16x128xf32, #tpu.memory_space<vmem>>)
      %dma_wait3A_77 = arith.constant 0 : i32
      %dma_wait3A_78 = tpu.memref_slice %arg11[%dma_wait3A_77] : memref<10240xi32, #tpu.memory_space<vmem>> -> memref<320xi32, #tpu.memory_space<vmem>>
      %dma_wait3A_79 = arith.constant 0 : i32
      %dma_wait3A_80 = arith.constant 0 : i32
      %dma_wait3A_81 = tpu.memref_slice %arg6[%dma_wait3A_79, %dma_wait3A_80] : memref<1000000x128xf32, #tpu.memory_space<hbm>> -> memref<1000000x128xf32, #tpu.memory_space<hbm>>
      tpu.wait_indirect_dma semaphore(%arg20 : memref<!tpu.dma_semaphore, #tpu.memory_space<semaphore_mem>>) src(%dma_wait3A_81 : memref<1000000x128xf32, #tpu.memory_space<hbm>>) dst(%arg16 : memref<320x128xf32, #tpu.memory_space<vmem>>)
      %parallel_loop3A = arith.constant 0 : i32
      %parallel_loop3A_82 = arith.constant 16 : i32
      %parallel_loop3A_83 = arith.constant 1 : i32
      scf.for %parallel_loop3A_127 = %parallel_loop3A to %parallel_loop3A_82 step %parallel_loop3A_83  : i32 {
        %parallel_loop3A_128 = arith.index_cast %parallel_loop3A_127 : i32 to index
        %parallel_loop3A_129 = arith.constant 0 : index
        %parallel_loop3A_130 = tpu.vector_load %arg12[%parallel_loop3A_128, %parallel_loop3A_129] {strides = array<i32>} : memref<16x128xf32, #tpu.memory_space<vmem>>, vector<16xf32>,
        %parallel_loop3A_131 = arith.index_cast %parallel_loop3A_127 : i32 to index
        %parallel_loop3A_132 = arith.constant 16 : index
        %parallel_loop3A_133 = tpu.vector_load %arg12[%parallel_loop3A_131, %parallel_loop3A_132] {strides = array<i32>} : memref<16x128xf32, #tpu.memory_space<vmem>>, vector<16xf32>,
        %parallel_loop3A_134 = arith.index_cast %parallel_loop3A_127 : i32 to index
        %parallel_loop3A_135 = arith.constant 32 : index
        %parallel_loop3A_136 = tpu.vector_load %arg12[%parallel_loop3A_134, %parallel_loop3A_135] {strides = array<i32>} : memref<16x128xf32, #tpu.memory_space<vmem>>, vector<16xf32>,
        %parallel_loop3A_137 = arith.index_cast %parallel_loop3A_127 : i32 to index
        %parallel_loop3A_138 = arith.constant 48 : index
        %parallel_loop3A_139 = tpu.vector_load %arg12[%parallel_loop3A_137, %parallel_loop3A_138] {strides = array<i32>} : memref<16x128xf32, #tpu.memory_space<vmem>>, vector<16xf32>,
        %parallel_loop3A_140 = arith.index_cast %parallel_loop3A_127 : i32 to index
        %parallel_loop3A_141 = arith.constant 0 : index
        %parallel_loop3A_142 = tpu.vector_load %arg14[%parallel_loop3A_140, %parallel_loop3A_141] {strides = array<i32>} : memref<16x128xf32, #tpu.memory_space<vmem>>, vector<16xf32>,
        %parallel_loop3A_143 = arith.index_cast %parallel_loop3A_127 : i32 to index
        %parallel_loop3A_144 = arith.constant 16 : index
        %parallel_loop3A_145 = tpu.vector_load %arg14[%parallel_loop3A_143, %parallel_loop3A_144] {strides = array<i32>} : memref<16x128xf32, #tpu.memory_space<vmem>>, vector<16xf32>,
        %parallel_loop3A_146 = arith.index_cast %parallel_loop3A_127 : i32 to index
        %parallel_loop3A_147 = arith.constant 32 : index
        %parallel_loop3A_148 = tpu.vector_load %arg14[%parallel_loop3A_146, %parallel_loop3A_147] {strides = array<i32>} : memref<16x128xf32, #tpu.memory_space<vmem>>, vector<16xf32>,
        %parallel_loop3A_149 = arith.index_cast %parallel_loop3A_127 : i32 to index
        %parallel_loop3A_150 = arith.constant 48 : index
        %parallel_loop3A_151 = tpu.vector_load %arg14[%parallel_loop3A_149, %parallel_loop3A_150] {strides = array<i32>} : memref<16x128xf32, #tpu.memory_space<vmem>>, vector<16xf32>,
        %parallel_loop3A_152 = arith.mulf %parallel_loop3A_130, %parallel_loop3A_142 : vector<16xf32>
        %parallel_loop3A_153 = arith.mulf %parallel_loop3A_133, %parallel_loop3A_145 : vector<16xf32>
        %parallel_loop3A_154 = arith.addf %parallel_loop3A_152, %parallel_loop3A_153 : vector<16xf32>
        %parallel_loop3A_155 = arith.mulf %parallel_loop3A_136, %parallel_loop3A_148 : vector<16xf32>
        %parallel_loop3A_156 = arith.mulf %parallel_loop3A_139, %parallel_loop3A_151 : vector<16xf32>
        %parallel_loop3A_157 = arith.addf %parallel_loop3A_155, %parallel_loop3A_156 : vector<16xf32>
        %parallel_loop3A_158 = arith.addf %parallel_loop3A_154, %parallel_loop3A_157 : vector<16xf32>
        %parallel_loop3A_159 = arith.constant true
        %parallel_loop3A_160 = vector.broadcast %parallel_loop3A_159 : i1 to vector<16xi1>
        %parallel_loop3A_161 = tpu.scan <sum>, %parallel_loop3A_158 masked %parallel_loop3A_160 : vector<16xf32>, vector<16xi1> -> vector<16xf32>
        %parallel_loop3A_162 = arith.constant 16 : i32
        %parallel_loop3A_163 = arith.muli %mul3A_44, %parallel_loop3A_162 : i32
        %parallel_loop3A_164 = arith.addi %parallel_loop3A_163, %parallel_loop3A_127 : i32
        %parallel_loop3A_165 = vector.broadcast %parallel_loop3A_164 : i32 to vector<16xi32>
        tpu.vector_store_idx %arg18[%parallel_loop3A_165], %parallel_loop3A_161 masked %eq3A_4 : memref<512xf32, #tpu.memory_space<vmem>>[vector<16xi32>], vector<16xf32>, vector<16xi1>
        %parallel_loop3A_166 = arith.constant 20 : i32
        %parallel_loop3A_167 = arith.muli %parallel_loop3A_127, %parallel_loop3A_166 : i32
        %parallel_loop3A_168 = arith.constant 0 : i32
        %parallel_loop3A_169 = arith.addi %parallel_loop3A_167, %parallel_loop3A_168 : i32
        %parallel_loop3A_170 = arith.index_cast %parallel_loop3A_169 : i32 to index
        %parallel_loop3A_171 = arith.constant 0 : index
        %parallel_loop3A_172 = tpu.vector_load %arg16[%parallel_loop3A_170, %parallel_loop3A_171] {strides = array<i32>} : memref<320x128xf32, #tpu.memory_space<vmem>>, vector<16xf32>,
        %parallel_loop3A_173 = arith.constant 20 : i32
        %parallel_loop3A_174 = arith.muli %parallel_loop3A_127, %parallel_loop3A_173 : i32
        %parallel_loop3A_175 = arith.constant 0 : i32
        %parallel_loop3A_176 = arith.addi %parallel_loop3A_174, %parallel_loop3A_175 : i32
        %parallel_loop3A_177 = arith.index_cast %parallel_loop3A_176 : i32 to index
        %parallel_loop3A_178 = arith.constant 16 : index
        %parallel_loop3A_179 = tpu.vector_load %arg16[%parallel_loop3A_177, %parallel_loop3A_178] {strides = array<i32>} : memref<320x128xf32, #tpu.memory_space<vmem>>, vector<16xf32>,
        %parallel_loop3A_180 = arith.constant 20 : i32
        %parallel_loop3A_181 = arith.muli %parallel_loop3A_127, %parallel_loop3A_180 : i32
        %parallel_loop3A_182 = arith.constant 0 : i32
        %parallel_loop3A_183 = arith.addi %parallel_loop3A_181, %parallel_loop3A_182 : i32
        %parallel_loop3A_184 = arith.index_cast %parallel_loop3A_183 : i32 to index
        %parallel_loop3A_185 = arith.constant 32 : index
        %parallel_loop3A_186 = tpu.vector_load %arg16[%parallel_loop3A_184, %parallel_loop3A_185] {strides = array<i32>} : memref<320x128xf32, #tpu.memory_space<vmem>>, vector<16xf32>,
        %parallel_loop3A_187 = arith.constant 20 : i32
        %parallel_loop3A_188 = arith.muli %parallel_loop3A_127, %parallel_loop3A_187 : i32
        %parallel_loop3A_189 = arith.constant 0 : i32
        %parallel_loop3A_190 = arith.addi %parallel_loop3A_188, %parallel_loop3A_189 : i32
        %parallel_loop3A_191 = arith.index_cast %parallel_loop3A_190 : i32 to index
        %parallel_loop3A_192 = arith.constant 48 : index
        %parallel_loop3A_193 = tpu.vector_load %arg16[%parallel_loop3A_191, %parallel_loop3A_192] {strides = array<i32>} : memref<320x128xf32, #tpu.memory_space<vmem>>, vector<16xf32>,
        %parallel_loop3A_194 = arith.mulf %parallel_loop3A_130, %parallel_loop3A_172 : vector<16xf32>
        %parallel_loop3A_195 = arith.mulf %parallel_loop3A_133, %parallel_loop3A_179 : vector<16xf32>
        %parallel_loop3A_196 = arith.addf %parallel_loop3A_194, %parallel_loop3A_195 : vector<16xf32>
        %parallel_loop3A_197 = arith.mulf %parallel_loop3A_136, %parallel_loop3A_186 : vector<16xf32>
        %parallel_loop3A_198 = arith.mulf %parallel_loop3A_139, %parallel_loop3A_193 : vector<16xf32>
        %parallel_loop3A_199 = arith.addf %parallel_loop3A_197, %parallel_loop3A_198 : vector<16xf32>
        %parallel_loop3A_200 = arith.addf %parallel_loop3A_196, %parallel_loop3A_199 : vector<16xf32>
        %parallel_loop3A_201 = arith.constant true
        %parallel_loop3A_202 = vector.broadcast %parallel_loop3A_201 : i1 to vector<16xi1>
        %parallel_loop3A_203 = tpu.scan <sum>, %parallel_loop3A_200 masked %parallel_loop3A_202 : vector<16xf32>, vector<16xi1> -> vector<16xf32>
        %parallel_loop3A_204 = arith.constant 20 : i32
        %parallel_loop3A_205 = arith.muli %parallel_loop3A_164, %parallel_loop3A_204 : i32
        %parallel_loop3A_206 = arith.constant 0 : i32
        %parallel_loop3A_207 = arith.addi %parallel_loop3A_205, %parallel_loop3A_206 : i32
        %parallel_loop3A_208 = vector.broadcast %parallel_loop3A_207 : i32 to vector<16xi32>
        tpu.vector_store_idx %arg19[%parallel_loop3A_208], %parallel_loop3A_203 masked %eq3A_4 : memref<10240xf32, #tpu.memory_space<vmem>>[vector<16xi32>], vector<16xf32>, vector<16xi1>
        %parallel_loop3A_209 = arith.constant 20 : i32
        %parallel_loop3A_210 = arith.muli %parallel_loop3A_127, %parallel_loop3A_209 : i32
        %parallel_loop3A_211 = arith.constant 1 : i32
        %parallel_loop3A_212 = arith.addi %parallel_loop3A_210, %parallel_loop3A_211 : i32
        %parallel_loop3A_213 = arith.index_cast %parallel_loop3A_212 : i32 to index
        %parallel_loop3A_214 = arith.constant 0 : index
        %parallel_loop3A_215 = tpu.vector_load %arg16[%parallel_loop3A_213, %parallel_loop3A_214] {strides = array<i32>} : memref<320x128xf32, #tpu.memory_space<vmem>>, vector<16xf32>,
        %parallel_loop3A_216 = arith.constant 20 : i32
        %parallel_loop3A_217 = arith.muli %parallel_loop3A_127, %parallel_loop3A_216 : i32
        %parallel_loop3A_218 = arith.constant 1 : i32
        %parallel_loop3A_219 = arith.addi %parallel_loop3A_217, %parallel_loop3A_218 : i32
        %parallel_loop3A_220 = arith.index_cast %parallel_loop3A_219 : i32 to index
        %parallel_loop3A_221 = arith.constant 16 : index
        %parallel_loop3A_222 = tpu.vector_load %arg16[%parallel_loop3A_220, %parallel_loop3A_221] {strides = array<i32>} : memref<320x128xf32, #tpu.memory_space<vmem>>, vector<16xf32>,
        %parallel_loop3A_223 = arith.constant 20 : i32
        %parallel_loop3A_224 = arith.muli %parallel_loop3A_127, %parallel_loop3A_223 : i32
        %parallel_loop3A_225 = arith.constant 1 : i32
        %parallel_loop3A_226 = arith.addi %parallel_loop3A_224, %parallel_loop3A_225 : i32
        %parallel_loop3A_227 = arith.index_cast %parallel_loop3A_226 : i32 to index
        %parallel_loop3A_228 = arith.constant 32 : index
        %parallel_loop3A_229 = tpu.vector_load %arg16[%parallel_loop3A_227, %parallel_loop3A_228] {strides = array<i32>} : memref<320x128xf32, #tpu.memory_space<vmem>>, vector<16xf32>,
        %parallel_loop3A_230 = arith.constant 20 : i32
        %parallel_loop3A_231 = arith.muli %parallel_loop3A_127, %parallel_loop3A_230 : i32
        %parallel_loop3A_232 = arith.constant 1 : i32
        %parallel_loop3A_233 = arith.addi %parallel_loop3A_231, %parallel_loop3A_232 : i32
        %parallel_loop3A_234 = arith.index_cast %parallel_loop3A_233 : i32 to index
        %parallel_loop3A_235 = arith.constant 48 : index
        %parallel_loop3A_236 = tpu.vector_load %arg16[%parallel_loop3A_234, %parallel_loop3A_235] {strides = array<i32>} : memref<320x128xf32, #tpu.memory_space<vmem>>, vector<16xf32>,
        %parallel_loop3A_237 = arith.mulf %parallel_loop3A_130, %parallel_loop3A_215 : vector<16xf32>
        %parallel_loop3A_238 = arith.mulf %parallel_loop3A_133, %parallel_loop3A_222 : vector<16xf32>
        %parallel_loop3A_239 = arith.addf %parallel_loop3A_237, %parallel_loop3A_238 : vector<16xf32>
        %parallel_loop3A_240 = arith.mulf %parallel_loop3A_136, %parallel_loop3A_229 : vector<16xf32>
        %parallel_loop3A_241 = arith.mulf %parallel_loop3A_139, %parallel_loop3A_236 : vector<16xf32>
        %parallel_loop3A_242 = arith.addf %parallel_loop3A_240, %parallel_loop3A_241 : vector<16xf32>
        %parallel_loop3A_243 = arith.addf %parallel_loop3A_239, %parallel_loop3A_242 : vector<16xf32>
        %parallel_loop3A_244 = arith.constant true
        %parallel_loop3A_245 = vector.broadcast %parallel_loop3A_244 : i1 to vector<16xi1>
        %parallel_loop3A_246 = tpu.scan <sum>, %parallel_loop3A_243 masked %parallel_loop3A_245 : vector<16xf32>, vector<16xi1> -> vector<16xf32>
        %parallel_loop3A_247 = arith.constant 20 : i32
        %parallel_loop3A_248 = arith.muli %parallel_loop3A_164, %parallel_loop3A_247 : i32
        %parallel_loop3A_249 = arith.constant 1 : i32
        %parallel_loop3A_250 = arith.addi %parallel_loop3A_248, %parallel_loop3A_249 : i32
        %parallel_loop3A_251 = vector.broadcast %parallel_loop3A_250 : i32 to vector<16xi32>
        tpu.vector_store_idx %arg19[%parallel_loop3A_251], %parallel_loop3A_246 masked %eq3A_4 : memref<10240xf32, #tpu.memory_space<vmem>>[vector<16xi32>], vector<16xf32>, vector<16xi1>
        %parallel_loop3A_252 = arith.constant 20 : i32
        %parallel_loop3A_253 = arith.muli %parallel_loop3A_127, %parallel_loop3A_252 : i32
        %parallel_loop3A_254 = arith.constant 2 : i32
        %parallel_loop3A_255 = arith.addi %parallel_loop3A_253, %parallel_loop3A_254 : i32
        %parallel_loop3A_256 = arith.index_cast %parallel_loop3A_255 : i32 to index
        %parallel_loop3A_257 = arith.constant 0 : index
        %parallel_loop3A_258 = tpu.vector_load %arg16[%parallel_loop3A_256, %parallel_loop3A_257] {strides = array<i32>} : memref<320x128xf32, #tpu.memory_space<vmem>>, vector<16xf32>,
        %parallel_loop3A_259 = arith.constant 20 : i32
        %parallel_loop3A_260 = arith.muli %parallel_loop3A_127, %parallel_loop3A_259 : i32
        %parallel_loop3A_261 = arith.constant 2 : i32
        %parallel_loop3A_262 = arith.addi %parallel_loop3A_260, %parallel_loop3A_261 : i32
        %parallel_loop3A_263 = arith.index_cast %parallel_loop3A_262 : i32 to index
        %parallel_loop3A_264 = arith.constant 16 : index
        %parallel_loop3A_265 = tpu.vector_load %arg16[%parallel_loop3A_263, %parallel_loop3A_264] {strides = array<i32>} : memref<320x128xf32, #tpu.memory_space<vmem>>, vector<16xf32>,
        %parallel_loop3A_266 = arith.constant 20 : i32
        %parallel_loop3A_267 = arith.muli %parallel_loop3A_127, %parallel_loop3A_266 : i32
        %parallel_loop3A_268 = arith.constant 2 : i32
        %parallel_loop3A_269 = arith.addi %parallel_loop3A_267, %parallel_loop3A_268 : i32
        %parallel_loop3A_270 = arith.index_cast %parallel_loop3A_269 : i32 to index
        %parallel_loop3A_271 = arith.constant 32 : index
        %parallel_loop3A_272 = tpu.vector_load %arg16[%parallel_loop3A_270, %parallel_loop3A_271] {strides = array<i32>} : memref<320x128xf32, #tpu.memory_space<vmem>>, vector<16xf32>,
        %parallel_loop3A_273 = arith.constant 20 : i32
        %parallel_loop3A_274 = arith.muli %parallel_loop3A_127, %parallel_loop3A_273 : i32
        %parallel_loop3A_275 = arith.constant 2 : i32
        %parallel_loop3A_276 = arith.addi %parallel_loop3A_274, %parallel_loop3A_275 : i32
        %parallel_loop3A_277 = arith.index_cast %parallel_loop3A_276 : i32 to index
        %parallel_loop3A_278 = arith.constant 48 : index
        %parallel_loop3A_279 = tpu.vector_load %arg16[%parallel_loop3A_277, %parallel_loop3A_278] {strides = array<i32>} : memref<320x128xf32, #tpu.memory_space<vmem>>, vector<16xf32>,
        %parallel_loop3A_280 = arith.mulf %parallel_loop3A_130, %parallel_loop3A_258 : vector<16xf32>
        %parallel_loop3A_281 = arith.mulf %parallel_loop3A_133, %parallel_loop3A_265 : vector<16xf32>
        %parallel_loop3A_282 = arith.addf %parallel_loop3A_280, %parallel_loop3A_281 : vector<16xf32>
        %parallel_loop3A_283 = arith.mulf %parallel_loop3A_136, %parallel_loop3A_272 : vector<16xf32>
        %parallel_loop3A_284 = arith.mulf %parallel_loop3A_139, %parallel_loop3A_279 : vector<16xf32>
        %parallel_loop3A_285 = arith.addf %parallel_loop3A_283, %parallel_loop3A_284 : vector<16xf32>
        %parallel_loop3A_286 = arith.addf %parallel_loop3A_282, %parallel_loop3A_285 : vector<16xf32>
        %parallel_loop3A_287 = arith.constant true
        %parallel_loop3A_288 = vector.broadcast %parallel_loop3A_287 : i1 to vector<16xi1>
        %parallel_loop3A_289 = tpu.scan <sum>, %parallel_loop3A_286 masked %parallel_loop3A_288 : vector<16xf32>, vector<16xi1> -> vector<16xf32>
        %parallel_loop3A_290 = arith.constant 20 : i32
        %parallel_loop3A_291 = arith.muli %parallel_loop3A_164, %parallel_loop3A_290 : i32
        %parallel_loop3A_292 = arith.constant 2 : i32
        %parallel_loop3A_293 = arith.addi %parallel_loop3A_291, %parallel_loop3A_292 : i32
        %parallel_loop3A_294 = vector.broadcast %parallel_loop3A_293 : i32 to vector<16xi32>
        tpu.vector_store_idx %arg19[%parallel_loop3A_294], %parallel_loop3A_289 masked %eq3A_4 : memref<10240xf32, #tpu.memory_space<vmem>>[vector<16xi32>], vector<16xf32>, vector<16xi1>
        %parallel_loop3A_295 = arith.constant 20 : i32
        %parallel_loop3A_296 = arith.muli %parallel_loop3A_127, %parallel_loop3A_295 : i32
        %parallel_loop3A_297 = arith.constant 3 : i32
        %parallel_loop3A_298 = arith.addi %parallel_loop3A_296, %parallel_loop3A_297 : i32
        %parallel_loop3A_299 = arith.index_cast %parallel_loop3A_298 : i32 to index
        %parallel_loop3A_300 = arith.constant 0 : index
        %parallel_loop3A_301 = tpu.vector_load %arg16[%parallel_loop3A_299, %parallel_loop3A_300] {strides = array<i32>} : memref<320x128xf32, #tpu.memory_space<vmem>>, vector<16xf32>,
        %parallel_loop3A_302 = arith.constant 20 : i32
        %parallel_loop3A_303 = arith.muli %parallel_loop3A_127, %parallel_loop3A_302 : i32
        %parallel_loop3A_304 = arith.constant 3 : i32
        %parallel_loop3A_305 = arith.addi %parallel_loop3A_303, %parallel_loop3A_304 : i32
        %parallel_loop3A_306 = arith.index_cast %parallel_loop3A_305 : i32 to index
        %parallel_loop3A_307 = arith.constant 16 : index
        %parallel_loop3A_308 = tpu.vector_load %arg16[%parallel_loop3A_306, %parallel_loop3A_307] {strides = array<i32>} : memref<320x128xf32, #tpu.memory_space<vmem>>, vector<16xf32>,
        %parallel_loop3A_309 = arith.constant 20 : i32
        %parallel_loop3A_310 = arith.muli %parallel_loop3A_127, %parallel_loop3A_309 : i32
        %parallel_loop3A_311 = arith.constant 3 : i32
        %parallel_loop3A_312 = arith.addi %parallel_loop3A_310, %parallel_loop3A_311 : i32
        %parallel_loop3A_313 = arith.index_cast %parallel_loop3A_312 : i32 to index
        %parallel_loop3A_314 = arith.constant 32 : index
        %parallel_loop3A_315 = tpu.vector_load %arg16[%parallel_loop3A_313, %parallel_loop3A_314] {strides = array<i32>} : memref<320x128xf32, #tpu.memory_space<vmem>>, vector<16xf32>,
        %parallel_loop3A_316 = arith.constant 20 : i32
        %parallel_loop3A_317 = arith.muli %parallel_loop3A_127, %parallel_loop3A_316 : i32
        %parallel_loop3A_318 = arith.constant 3 : i32
        %parallel_loop3A_319 = arith.addi %parallel_loop3A_317, %parallel_loop3A_318 : i32
        %parallel_loop3A_320 = arith.index_cast %parallel_loop3A_319 : i32 to index
        %parallel_loop3A_321 = arith.constant 48 : index
        %parallel_loop3A_322 = tpu.vector_load %arg16[%parallel_loop3A_320, %parallel_loop3A_321] {strides = array<i32>} : memref<320x128xf32, #tpu.memory_space<vmem>>, vector<16xf32>,
        %parallel_loop3A_323 = arith.mulf %parallel_loop3A_130, %parallel_loop3A_301 : vector<16xf32>
        %parallel_loop3A_324 = arith.mulf %parallel_loop3A_133, %parallel_loop3A_308 : vector<16xf32>
        %parallel_loop3A_325 = arith.addf %parallel_loop3A_323, %parallel_loop3A_324 : vector<16xf32>
        %parallel_loop3A_326 = arith.mulf %parallel_loop3A_136, %parallel_loop3A_315 : vector<16xf32>
        %parallel_loop3A_327 = arith.mulf %parallel_loop3A_139, %parallel_loop3A_322 : vector<16xf32>
        %parallel_loop3A_328 = arith.addf %parallel_loop3A_326, %parallel_loop3A_327 : vector<16xf32>
        %parallel_loop3A_329 = arith.addf %parallel_loop3A_325, %parallel_loop3A_328 : vector<16xf32>
        %parallel_loop3A_330 = arith.constant true
        %parallel_loop3A_331 = vector.broadcast %parallel_loop3A_330 : i1 to vector<16xi1>
        %parallel_loop3A_332 = tpu.scan <sum>, %parallel_loop3A_329 masked %parallel_loop3A_331 : vector<16xf32>, vector<16xi1> -> vector<16xf32>
        %parallel_loop3A_333 = arith.constant 20 : i32
        %parallel_loop3A_334 = arith.muli %parallel_loop3A_164, %parallel_loop3A_333 : i32
        %parallel_loop3A_335 = arith.constant 3 : i32
        %parallel_loop3A_336 = arith.addi %parallel_loop3A_334, %parallel_loop3A_335 : i32
        %parallel_loop3A_337 = vector.broadcast %parallel_loop3A_336 : i32 to vector<16xi32>
        tpu.vector_store_idx %arg19[%parallel_loop3A_337], %parallel_loop3A_332 masked %eq3A_4 : memref<10240xf32, #tpu.memory_space<vmem>>[vector<16xi32>], vector<16xf32>, vector<16xi1>
        %parallel_loop3A_338 = arith.constant 20 : i32
        %parallel_loop3A_339 = arith.muli %parallel_loop3A_127, %parallel_loop3A_338 : i32
        %parallel_loop3A_340 = arith.constant 4 : i32
        %parallel_loop3A_341 = arith.addi %parallel_loop3A_339, %parallel_loop3A_340 : i32
        %parallel_loop3A_342 = arith.index_cast %parallel_loop3A_341 : i32 to index
        %parallel_loop3A_343 = arith.constant 0 : index
        %parallel_loop3A_344 = tpu.vector_load %arg16[%parallel_loop3A_342, %parallel_loop3A_343] {strides = array<i32>} : memref<320x128xf32, #tpu.memory_space<vmem>>, vector<16xf32>,
        %parallel_loop3A_345 = arith.constant 20 : i32
        %parallel_loop3A_346 = arith.muli %parallel_loop3A_127, %parallel_loop3A_345 : i32
        %parallel_loop3A_347 = arith.constant 4 : i32
        %parallel_loop3A_348 = arith.addi %parallel_loop3A_346, %parallel_loop3A_347 : i32
        %parallel_loop3A_349 = arith.index_cast %parallel_loop3A_348 : i32 to index
        %parallel_loop3A_350 = arith.constant 16 : index
        %parallel_loop3A_351 = tpu.vector_load %arg16[%parallel_loop3A_349, %parallel_loop3A_350] {strides = array<i32>} : memref<320x128xf32, #tpu.memory_space<vmem>>, vector<16xf32>,
        %parallel_loop3A_352 = arith.constant 20 : i32
        %parallel_loop3A_353 = arith.muli %parallel_loop3A_127, %parallel_loop3A_352 : i32
        %parallel_loop3A_354 = arith.constant 4 : i32
        %parallel_loop3A_355 = arith.addi %parallel_loop3A_353, %parallel_loop3A_354 : i32
        %parallel_loop3A_356 = arith.index_cast %parallel_loop3A_355 : i32 to index
        %parallel_loop3A_357 = arith.constant 32 : index
        %parallel_loop3A_358 = tpu.vector_load %arg16[%parallel_loop3A_356, %parallel_loop3A_357] {strides = array<i32>} : memref<320x128xf32, #tpu.memory_space<vmem>>, vector<16xf32>,
        %parallel_loop3A_359 = arith.constant 20 : i32
        %parallel_loop3A_360 = arith.muli %parallel_loop3A_127, %parallel_loop3A_359 : i32
        %parallel_loop3A_361 = arith.constant 4 : i32
        %parallel_loop3A_362 = arith.addi %parallel_loop3A_360, %parallel_loop3A_361 : i32
        %parallel_loop3A_363 = arith.index_cast %parallel_loop3A_362 : i32 to index
        %parallel_loop3A_364 = arith.constant 48 : index
        %parallel_loop3A_365 = tpu.vector_load %arg16[%parallel_loop3A_363, %parallel_loop3A_364] {strides = array<i32>} : memref<320x128xf32, #tpu.memory_space<vmem>>, vector<16xf32>,
        %parallel_loop3A_366 = arith.mulf %parallel_loop3A_130, %parallel_loop3A_344 : vector<16xf32>
        %parallel_loop3A_367 = arith.mulf %parallel_loop3A_133, %parallel_loop3A_351 : vector<16xf32>
        %parallel_loop3A_368 = arith.addf %parallel_loop3A_366, %parallel_loop3A_367 : vector<16xf32>
        %parallel_loop3A_369 = arith.mulf %parallel_loop3A_136, %parallel_loop3A_358 : vector<16xf32>
        %parallel_loop3A_370 = arith.mulf %parallel_loop3A_139, %parallel_loop3A_365 : vector<16xf32>
        %parallel_loop3A_371 = arith.addf %parallel_loop3A_369, %parallel_loop3A_370 : vector<16xf32>
        %parallel_loop3A_372 = arith.addf %parallel_loop3A_368, %parallel_loop3A_371 : vector<16xf32>
        %parallel_loop3A_373 = arith.constant true
        %parallel_loop3A_374 = vector.broadcast %parallel_loop3A_373 : i1 to vector<16xi1>
        %parallel_loop3A_375 = tpu.scan <sum>, %parallel_loop3A_372 masked %parallel_loop3A_374 : vector<16xf32>, vector<16xi1> -> vector<16xf32>
        %parallel_loop3A_376 = arith.constant 20 : i32
        %parallel_loop3A_377 = arith.muli %parallel_loop3A_164, %parallel_loop3A_376 : i32
        %parallel_loop3A_378 = arith.constant 4 : i32
        %parallel_loop3A_379 = arith.addi %parallel_loop3A_377, %parallel_loop3A_378 : i32
        %parallel_loop3A_380 = vector.broadcast %parallel_loop3A_379 : i32 to vector<16xi32>
        tpu.vector_store_idx %arg19[%parallel_loop3A_380], %parallel_loop3A_375 masked %eq3A_4 : memref<10240xf32, #tpu.memory_space<vmem>>[vector<16xi32>], vector<16xf32>, vector<16xi1>
        %parallel_loop3A_381 = arith.constant 20 : i32
        %parallel_loop3A_382 = arith.muli %parallel_loop3A_127, %parallel_loop3A_381 : i32
        %parallel_loop3A_383 = arith.constant 5 : i32
        %parallel_loop3A_384 = arith.addi %parallel_loop3A_382, %parallel_loop3A_383 : i32
        %parallel_loop3A_385 = arith.index_cast %parallel_loop3A_384 : i32 to index
        %parallel_loop3A_386 = arith.constant 0 : index
        %parallel_loop3A_387 = tpu.vector_load %arg16[%parallel_loop3A_385, %parallel_loop3A_386] {strides = array<i32>} : memref<320x128xf32, #tpu.memory_space<vmem>>, vector<16xf32>,
        %parallel_loop3A_388 = arith.constant 20 : i32
        %parallel_loop3A_389 = arith.muli %parallel_loop3A_127, %parallel_loop3A_388 : i32
        %parallel_loop3A_390 = arith.constant 5 : i32
        %parallel_loop3A_391 = arith.addi %parallel_loop3A_389, %parallel_loop3A_390 : i32
        %parallel_loop3A_392 = arith.index_cast %parallel_loop3A_391 : i32 to index
        %parallel_loop3A_393 = arith.constant 16 : index
        %parallel_loop3A_394 = tpu.vector_load %arg16[%parallel_loop3A_392, %parallel_loop3A_393] {strides = array<i32>} : memref<320x128xf32, #tpu.memory_space<vmem>>, vector<16xf32>,
        %parallel_loop3A_395 = arith.constant 20 : i32
        %parallel_loop3A_396 = arith.muli %parallel_loop3A_127, %parallel_loop3A_395 : i32
        %parallel_loop3A_397 = arith.constant 5 : i32
        %parallel_loop3A_398 = arith.addi %parallel_loop3A_396, %parallel_loop3A_397 : i32
        %parallel_loop3A_399 = arith.index_cast %parallel_loop3A_398 : i32 to index
        %parallel_loop3A_400 = arith.constant 32 : index
        %parallel_loop3A_401 = tpu.vector_load %arg16[%parallel_loop3A_399, %parallel_loop3A_400] {strides = array<i32>} : memref<320x128xf32, #tpu.memory_space<vmem>>, vector<16xf32>,
        %parallel_loop3A_402 = arith.constant 20 : i32
        %parallel_loop3A_403 = arith.muli %parallel_loop3A_127, %parallel_loop3A_402 : i32
        %parallel_loop3A_404 = arith.constant 5 : i32
        %parallel_loop3A_405 = arith.addi %parallel_loop3A_403, %parallel_loop3A_404 : i32
        %parallel_loop3A_406 = arith.index_cast %parallel_loop3A_405 : i32 to index
        %parallel_loop3A_407 = arith.constant 48 : index
        %parallel_loop3A_408 = tpu.vector_load %arg16[%parallel_loop3A_406, %parallel_loop3A_407] {strides = array<i32>} : memref<320x128xf32, #tpu.memory_space<vmem>>, vector<16xf32>,
        %parallel_loop3A_409 = arith.mulf %parallel_loop3A_130, %parallel_loop3A_387 : vector<16xf32>
        %parallel_loop3A_410 = arith.mulf %parallel_loop3A_133, %parallel_loop3A_394 : vector<16xf32>
        %parallel_loop3A_411 = arith.addf %parallel_loop3A_409, %parallel_loop3A_410 : vector<16xf32>
        %parallel_loop3A_412 = arith.mulf %parallel_loop3A_136, %parallel_loop3A_401 : vector<16xf32>
        %parallel_loop3A_413 = arith.mulf %parallel_loop3A_139, %parallel_loop3A_408 : vector<16xf32>
        %parallel_loop3A_414 = arith.addf %parallel_loop3A_412, %parallel_loop3A_413 : vector<16xf32>
        %parallel_loop3A_415 = arith.addf %parallel_loop3A_411, %parallel_loop3A_414 : vector<16xf32>
        %parallel_loop3A_416 = arith.constant true
        %parallel_loop3A_417 = vector.broadcast %parallel_loop3A_416 : i1 to vector<16xi1>
        %parallel_loop3A_418 = tpu.scan <sum>, %parallel_loop3A_415 masked %parallel_loop3A_417 : vector<16xf32>, vector<16xi1> -> vector<16xf32>
        %parallel_loop3A_419 = arith.constant 20 : i32
        %parallel_loop3A_420 = arith.muli %parallel_loop3A_164, %parallel_loop3A_419 : i32
        %parallel_loop3A_421 = arith.constant 5 : i32
        %parallel_loop3A_422 = arith.addi %parallel_loop3A_420, %parallel_loop3A_421 : i32
        %parallel_loop3A_423 = vector.broadcast %parallel_loop3A_422 : i32 to vector<16xi32>
        tpu.vector_store_idx %arg19[%parallel_loop3A_423], %parallel_loop3A_418 masked %eq3A_4 : memref<10240xf32, #tpu.memory_space<vmem>>[vector<16xi32>], vector<16xf32>, vector<16xi1>
        %parallel_loop3A_424 = arith.constant 20 : i32
        %parallel_loop3A_425 = arith.muli %parallel_loop3A_127, %parallel_loop3A_424 : i32
        %parallel_loop3A_426 = arith.constant 6 : i32
        %parallel_loop3A_427 = arith.addi %parallel_loop3A_425, %parallel_loop3A_426 : i32
        %parallel_loop3A_428 = arith.index_cast %parallel_loop3A_427 : i32 to index
        %parallel_loop3A_429 = arith.constant 0 : index
        %parallel_loop3A_430 = tpu.vector_load %arg16[%parallel_loop3A_428, %parallel_loop3A_429] {strides = array<i32>} : memref<320x128xf32, #tpu.memory_space<vmem>>, vector<16xf32>,
        %parallel_loop3A_431 = arith.constant 20 : i32
        %parallel_loop3A_432 = arith.muli %parallel_loop3A_127, %parallel_loop3A_431 : i32
        %parallel_loop3A_433 = arith.constant 6 : i32
        %parallel_loop3A_434 = arith.addi %parallel_loop3A_432, %parallel_loop3A_433 : i32
        %parallel_loop3A_435 = arith.index_cast %parallel_loop3A_434 : i32 to index
        %parallel_loop3A_436 = arith.constant 16 : index
        %parallel_loop3A_437 = tpu.vector_load %arg16[%parallel_loop3A_435, %parallel_loop3A_436] {strides = array<i32>} : memref<320x128xf32, #tpu.memory_space<vmem>>, vector<16xf32>,
        %parallel_loop3A_438 = arith.constant 20 : i32
        %parallel_loop3A_439 = arith.muli %parallel_loop3A_127, %parallel_loop3A_438 : i32
        %parallel_loop3A_440 = arith.constant 6 : i32
        %parallel_loop3A_441 = arith.addi %parallel_loop3A_439, %parallel_loop3A_440 : i32
        %parallel_loop3A_442 = arith.index_cast %parallel_loop3A_441 : i32 to index
        %parallel_loop3A_443 = arith.constant 32 : index
        %parallel_loop3A_444 = tpu.vector_load %arg16[%parallel_loop3A_442, %parallel_loop3A_443] {strides = array<i32>} : memref<320x128xf32, #tpu.memory_space<vmem>>, vector<16xf32>,
        %parallel_loop3A_445 = arith.constant 20 : i32
        %parallel_loop3A_446 = arith.muli %parallel_loop3A_127, %parallel_loop3A_445 : i32
        %parallel_loop3A_447 = arith.constant 6 : i32
        %parallel_loop3A_448 = arith.addi %parallel_loop3A_446, %parallel_loop3A_447 : i32
        %parallel_loop3A_449 = arith.index_cast %parallel_loop3A_448 : i32 to index
        %parallel_loop3A_450 = arith.constant 48 : index
        %parallel_loop3A_451 = tpu.vector_load %arg16[%parallel_loop3A_449, %parallel_loop3A_450] {strides = array<i32>} : memref<320x128xf32, #tpu.memory_space<vmem>>, vector<16xf32>,
        %parallel_loop3A_452 = arith.mulf %parallel_loop3A_130, %parallel_loop3A_430 : vector<16xf32>
        %parallel_loop3A_453 = arith.mulf %parallel_loop3A_133, %parallel_loop3A_437 : vector<16xf32>
        %parallel_loop3A_454 = arith.addf %parallel_loop3A_452, %parallel_loop3A_453 : vector<16xf32>
        %parallel_loop3A_455 = arith.mulf %parallel_loop3A_136, %parallel_loop3A_444 : vector<16xf32>
        %parallel_loop3A_456 = arith.mulf %parallel_loop3A_139, %parallel_loop3A_451 : vector<16xf32>
        %parallel_loop3A_457 = arith.addf %parallel_loop3A_455, %parallel_loop3A_456 : vector<16xf32>
        %parallel_loop3A_458 = arith.addf %parallel_loop3A_454, %parallel_loop3A_457 : vector<16xf32>
        %parallel_loop3A_459 = arith.constant true
        %parallel_loop3A_460 = vector.broadcast %parallel_loop3A_459 : i1 to vector<16xi1>
        %parallel_loop3A_461 = tpu.scan <sum>, %parallel_loop3A_458 masked %parallel_loop3A_460 : vector<16xf32>, vector<16xi1> -> vector<16xf32>
        %parallel_loop3A_462 = arith.constant 20 : i32
        %parallel_loop3A_463 = arith.muli %parallel_loop3A_164, %parallel_loop3A_462 : i32
        %parallel_loop3A_464 = arith.constant 6 : i32
        %parallel_loop3A_465 = arith.addi %parallel_loop3A_463, %parallel_loop3A_464 : i32
        %parallel_loop3A_466 = vector.broadcast %parallel_loop3A_465 : i32 to vector<16xi32>
        tpu.vector_store_idx %arg19[%parallel_loop3A_466], %parallel_loop3A_461 masked %eq3A_4 : memref<10240xf32, #tpu.memory_space<vmem>>[vector<16xi32>], vector<16xf32>, vector<16xi1>
        %parallel_loop3A_467 = arith.constant 20 : i32
        %parallel_loop3A_468 = arith.muli %parallel_loop3A_127, %parallel_loop3A_467 : i32
        %parallel_loop3A_469 = arith.constant 7 : i32
        %parallel_loop3A_470 = arith.addi %parallel_loop3A_468, %parallel_loop3A_469 : i32
        %parallel_loop3A_471 = arith.index_cast %parallel_loop3A_470 : i32 to index
        %parallel_loop3A_472 = arith.constant 0 : index
        %parallel_loop3A_473 = tpu.vector_load %arg16[%parallel_loop3A_471, %parallel_loop3A_472] {strides = array<i32>} : memref<320x128xf32, #tpu.memory_space<vmem>>, vector<16xf32>,
        %parallel_loop3A_474 = arith.constant 20 : i32
        %parallel_loop3A_475 = arith.muli %parallel_loop3A_127, %parallel_loop3A_474 : i32
        %parallel_loop3A_476 = arith.constant 7 : i32
        %parallel_loop3A_477 = arith.addi %parallel_loop3A_475, %parallel_loop3A_476 : i32
        %parallel_loop3A_478 = arith.index_cast %parallel_loop3A_477 : i32 to index
        %parallel_loop3A_479 = arith.constant 16 : index
        %parallel_loop3A_480 = tpu.vector_load %arg16[%parallel_loop3A_478, %parallel_loop3A_479] {strides = array<i32>} : memref<320x128xf32, #tpu.memory_space<vmem>>, vector<16xf32>,
        %parallel_loop3A_481 = arith.constant 20 : i32
        %parallel_loop3A_482 = arith.muli %parallel_loop3A_127, %parallel_loop3A_481 : i32
        %parallel_loop3A_483 = arith.constant 7 : i32
        %parallel_loop3A_484 = arith.addi %parallel_loop3A_482, %parallel_loop3A_483 : i32
        %parallel_loop3A_485 = arith.index_cast %parallel_loop3A_484 : i32 to index
        %parallel_loop3A_486 = arith.constant 32 : index
        %parallel_loop3A_487 = tpu.vector_load %arg16[%parallel_loop3A_485, %parallel_loop3A_486] {strides = array<i32>} : memref<320x128xf32, #tpu.memory_space<vmem>>, vector<16xf32>,
        %parallel_loop3A_488 = arith.constant 20 : i32
        %parallel_loop3A_489 = arith.muli %parallel_loop3A_127, %parallel_loop3A_488 : i32
        %parallel_loop3A_490 = arith.constant 7 : i32
        %parallel_loop3A_491 = arith.addi %parallel_loop3A_489, %parallel_loop3A_490 : i32
        %parallel_loop3A_492 = arith.index_cast %parallel_loop3A_491 : i32 to index
        %parallel_loop3A_493 = arith.constant 48 : index
        %parallel_loop3A_494 = tpu.vector_load %arg16[%parallel_loop3A_492, %parallel_loop3A_493] {strides = array<i32>} : memref<320x128xf32, #tpu.memory_space<vmem>>, vector<16xf32>,
        %parallel_loop3A_495 = arith.mulf %parallel_loop3A_130, %parallel_loop3A_473 : vector<16xf32>
        %parallel_loop3A_496 = arith.mulf %parallel_loop3A_133, %parallel_loop3A_480 : vector<16xf32>
        %parallel_loop3A_497 = arith.addf %parallel_loop3A_495, %parallel_loop3A_496 : vector<16xf32>
        %parallel_loop3A_498 = arith.mulf %parallel_loop3A_136, %parallel_loop3A_487 : vector<16xf32>
        %parallel_loop3A_499 = arith.mulf %parallel_loop3A_139, %parallel_loop3A_494 : vector<16xf32>
        %parallel_loop3A_500 = arith.addf %parallel_loop3A_498, %parallel_loop3A_499 : vector<16xf32>
        %parallel_loop3A_501 = arith.addf %parallel_loop3A_497, %parallel_loop3A_500 : vector<16xf32>
        %parallel_loop3A_502 = arith.constant true
        %parallel_loop3A_503 = vector.broadcast %parallel_loop3A_502 : i1 to vector<16xi1>
        %parallel_loop3A_504 = tpu.scan <sum>, %parallel_loop3A_501 masked %parallel_loop3A_503 : vector<16xf32>, vector<16xi1> -> vector<16xf32>
        %parallel_loop3A_505 = arith.constant 20 : i32
        %parallel_loop3A_506 = arith.muli %parallel_loop3A_164, %parallel_loop3A_505 : i32
        %parallel_loop3A_507 = arith.constant 7 : i32
        %parallel_loop3A_508 = arith.addi %parallel_loop3A_506, %parallel_loop3A_507 : i32
        %parallel_loop3A_509 = vector.broadcast %parallel_loop3A_508 : i32 to vector<16xi32>
        tpu.vector_store_idx %arg19[%parallel_loop3A_509], %parallel_loop3A_504 masked %eq3A_4 : memref<10240xf32, #tpu.memory_space<vmem>>[vector<16xi32>], vector<16xf32>, vector<16xi1>
        %parallel_loop3A_510 = arith.constant 20 : i32
        %parallel_loop3A_511 = arith.muli %parallel_loop3A_127, %parallel_loop3A_510 : i32
        %parallel_loop3A_512 = arith.constant 8 : i32
        %parallel_loop3A_513 = arith.addi %parallel_loop3A_511, %parallel_loop3A_512 : i32
        %parallel_loop3A_514 = arith.index_cast %parallel_loop3A_513 : i32 to index
        %parallel_loop3A_515 = arith.constant 0 : index
        %parallel_loop3A_516 = tpu.vector_load %arg16[%parallel_loop3A_514, %parallel_loop3A_515] {strides = array<i32>} : memref<320x128xf32, #tpu.memory_space<vmem>>, vector<16xf32>,
        %parallel_loop3A_517 = arith.constant 20 : i32
        %parallel_loop3A_518 = arith.muli %parallel_loop3A_127, %parallel_loop3A_517 : i32
        %parallel_loop3A_519 = arith.constant 8 : i32
        %parallel_loop3A_520 = arith.addi %parallel_loop3A_518, %parallel_loop3A_519 : i32
        %parallel_loop3A_521 = arith.index_cast %parallel_loop3A_520 : i32 to index
        %parallel_loop3A_522 = arith.constant 16 : index
        %parallel_loop3A_523 = tpu.vector_load %arg16[%parallel_loop3A_521, %parallel_loop3A_522] {strides = array<i32>} : memref<320x128xf32, #tpu.memory_space<vmem>>, vector<16xf32>,
        %parallel_loop3A_524 = arith.constant 20 : i32
        %parallel_loop3A_525 = arith.muli %parallel_loop3A_127, %parallel_loop3A_524 : i32
        %parallel_loop3A_526 = arith.constant 8 : i32
        %parallel_loop3A_527 = arith.addi %parallel_loop3A_525, %parallel_loop3A_526 : i32
        %parallel_loop3A_528 = arith.index_cast %parallel_loop3A_527 : i32 to index
        %parallel_loop3A_529 = arith.constant 32 : index
        %parallel_loop3A_530 = tpu.vector_load %arg16[%parallel_loop3A_528, %parallel_loop3A_529] {strides = array<i32>} : memref<320x128xf32, #tpu.memory_space<vmem>>, vector<16xf32>,
        %parallel_loop3A_531 = arith.constant 20 : i32
        %parallel_loop3A_532 = arith.muli %parallel_loop3A_127, %parallel_loop3A_531 : i32
        %parallel_loop3A_533 = arith.constant 8 : i32
        %parallel_loop3A_534 = arith.addi %parallel_loop3A_532, %parallel_loop3A_533 : i32
        %parallel_loop3A_535 = arith.index_cast %parallel_loop3A_534 : i32 to index
        %parallel_loop3A_536 = arith.constant 48 : index
        %parallel_loop3A_537 = tpu.vector_load %arg16[%parallel_loop3A_535, %parallel_loop3A_536] {strides = array<i32>} : memref<320x128xf32, #tpu.memory_space<vmem>>, vector<16xf32>,
        %parallel_loop3A_538 = arith.mulf %parallel_loop3A_130, %parallel_loop3A_516 : vector<16xf32>
        %parallel_loop3A_539 = arith.mulf %parallel_loop3A_133, %parallel_loop3A_523 : vector<16xf32>
        %parallel_loop3A_540 = arith.addf %parallel_loop3A_538, %parallel_loop3A_539 : vector<16xf32>
        %parallel_loop3A_541 = arith.mulf %parallel_loop3A_136, %parallel_loop3A_530 : vector<16xf32>
        %parallel_loop3A_542 = arith.mulf %parallel_loop3A_139, %parallel_loop3A_537 : vector<16xf32>
        %parallel_loop3A_543 = arith.addf %parallel_loop3A_541, %parallel_loop3A_542 : vector<16xf32>
        %parallel_loop3A_544 = arith.addf %parallel_loop3A_540, %parallel_loop3A_543 : vector<16xf32>
        %parallel_loop3A_545 = arith.constant true
        %parallel_loop3A_546 = vector.broadcast %parallel_loop3A_545 : i1 to vector<16xi1>
        %parallel_loop3A_547 = tpu.scan <sum>, %parallel_loop3A_544 masked %parallel_loop3A_546 : vector<16xf32>, vector<16xi1> -> vector<16xf32>
        %parallel_loop3A_548 = arith.constant 20 : i32
        %parallel_loop3A_549 = arith.muli %parallel_loop3A_164, %parallel_loop3A_548 : i32
        %parallel_loop3A_550 = arith.constant 8 : i32
        %parallel_loop3A_551 = arith.addi %parallel_loop3A_549, %parallel_loop3A_550 : i32
        %parallel_loop3A_552 = vector.broadcast %parallel_loop3A_551 : i32 to vector<16xi32>
        tpu.vector_store_idx %arg19[%parallel_loop3A_552], %parallel_loop3A_547 masked %eq3A_4 : memref<10240xf32, #tpu.memory_space<vmem>>[vector<16xi32>], vector<16xf32>, vector<16xi1>
        %parallel_loop3A_553 = arith.constant 20 : i32
        %parallel_loop3A_554 = arith.muli %parallel_loop3A_127, %parallel_loop3A_553 : i32
        %parallel_loop3A_555 = arith.constant 9 : i32
        %parallel_loop3A_556 = arith.addi %parallel_loop3A_554, %parallel_loop3A_555 : i32
        %parallel_loop3A_557 = arith.index_cast %parallel_loop3A_556 : i32 to index
        %parallel_loop3A_558 = arith.constant 0 : index
        %parallel_loop3A_559 = tpu.vector_load %arg16[%parallel_loop3A_557, %parallel_loop3A_558] {strides = array<i32>} : memref<320x128xf32, #tpu.memory_space<vmem>>, vector<16xf32>,
        %parallel_loop3A_560 = arith.constant 20 : i32
        %parallel_loop3A_561 = arith.muli %parallel_loop3A_127, %parallel_loop3A_560 : i32
        %parallel_loop3A_562 = arith.constant 9 : i32
        %parallel_loop3A_563 = arith.addi %parallel_loop3A_561, %parallel_loop3A_562 : i32
        %parallel_loop3A_564 = arith.index_cast %parallel_loop3A_563 : i32 to index
        %parallel_loop3A_565 = arith.constant 16 : index
        %parallel_loop3A_566 = tpu.vector_load %arg16[%parallel_loop3A_564, %parallel_loop3A_565] {strides = array<i32>} : memref<320x128xf32, #tpu.memory_space<vmem>>, vector<16xf32>,
        %parallel_loop3A_567 = arith.constant 20 : i32
        %parallel_loop3A_568 = arith.muli %parallel_loop3A_127, %parallel_loop3A_567 : i32
        %parallel_loop3A_569 = arith.constant 9 : i32
        %parallel_loop3A_570 = arith.addi %parallel_loop3A_568, %parallel_loop3A_569 : i32
        %parallel_loop3A_571 = arith.index_cast %parallel_loop3A_570 : i32 to index
        %parallel_loop3A_572 = arith.constant 32 : index
        %parallel_loop3A_573 = tpu.vector_load %arg16[%parallel_loop3A_571, %parallel_loop3A_572] {strides = array<i32>} : memref<320x128xf32, #tpu.memory_space<vmem>>, vector<16xf32>,
        %parallel_loop3A_574 = arith.constant 20 : i32
        %parallel_loop3A_575 = arith.muli %parallel_loop3A_127, %parallel_loop3A_574 : i32
        %parallel_loop3A_576 = arith.constant 9 : i32
        %parallel_loop3A_577 = arith.addi %parallel_loop3A_575, %parallel_loop3A_576 : i32
        %parallel_loop3A_578 = arith.index_cast %parallel_loop3A_577 : i32 to index
        %parallel_loop3A_579 = arith.constant 48 : index
        %parallel_loop3A_580 = tpu.vector_load %arg16[%parallel_loop3A_578, %parallel_loop3A_579] {strides = array<i32>} : memref<320x128xf32, #tpu.memory_space<vmem>>, vector<16xf32>,
        %parallel_loop3A_581 = arith.mulf %parallel_loop3A_130, %parallel_loop3A_559 : vector<16xf32>
        %parallel_loop3A_582 = arith.mulf %parallel_loop3A_133, %parallel_loop3A_566 : vector<16xf32>
        %parallel_loop3A_583 = arith.addf %parallel_loop3A_581, %parallel_loop3A_582 : vector<16xf32>
        %parallel_loop3A_584 = arith.mulf %parallel_loop3A_136, %parallel_loop3A_573 : vector<16xf32>
        %parallel_loop3A_585 = arith.mulf %parallel_loop3A_139, %parallel_loop3A_580 : vector<16xf32>
        %parallel_loop3A_586 = arith.addf %parallel_loop3A_584, %parallel_loop3A_585 : vector<16xf32>
        %parallel_loop3A_587 = arith.addf %parallel_loop3A_583, %parallel_loop3A_586 : vector<16xf32>
        %parallel_loop3A_588 = arith.constant true
        %parallel_loop3A_589 = vector.broadcast %parallel_loop3A_588 : i1 to vector<16xi1>
        %parallel_loop3A_590 = tpu.scan <sum>, %parallel_loop3A_587 masked %parallel_loop3A_589 : vector<16xf32>, vector<16xi1> -> vector<16xf32>
        %parallel_loop3A_591 = arith.constant 20 : i32
        %parallel_loop3A_592 = arith.muli %parallel_loop3A_164, %parallel_loop3A_591 : i32
        %parallel_loop3A_593 = arith.constant 9 : i32
        %parallel_loop3A_594 = arith.addi %parallel_loop3A_592, %parallel_loop3A_593 : i32
        %parallel_loop3A_595 = vector.broadcast %parallel_loop3A_594 : i32 to vector<16xi32>
        tpu.vector_store_idx %arg19[%parallel_loop3A_595], %parallel_loop3A_590 masked %eq3A_4 : memref<10240xf32, #tpu.memory_space<vmem>>[vector<16xi32>], vector<16xf32>, vector<16xi1>
        %parallel_loop3A_596 = arith.constant 20 : i32
        %parallel_loop3A_597 = arith.muli %parallel_loop3A_127, %parallel_loop3A_596 : i32
        %parallel_loop3A_598 = arith.constant 10 : i32
        %parallel_loop3A_599 = arith.addi %parallel_loop3A_597, %parallel_loop3A_598 : i32
        %parallel_loop3A_600 = arith.index_cast %parallel_loop3A_599 : i32 to index
        %parallel_loop3A_601 = arith.constant 0 : index
        %parallel_loop3A_602 = tpu.vector_load %arg16[%parallel_loop3A_600, %parallel_loop3A_601] {strides = array<i32>} : memref<320x128xf32, #tpu.memory_space<vmem>>, vector<16xf32>,
        %parallel_loop3A_603 = arith.constant 20 : i32
        %parallel_loop3A_604 = arith.muli %parallel_loop3A_127, %parallel_loop3A_603 : i32
        %parallel_loop3A_605 = arith.constant 10 : i32
        %parallel_loop3A_606 = arith.addi %parallel_loop3A_604, %parallel_loop3A_605 : i32
        %parallel_loop3A_607 = arith.index_cast %parallel_loop3A_606 : i32 to index
        %parallel_loop3A_608 = arith.constant 16 : index
        %parallel_loop3A_609 = tpu.vector_load %arg16[%parallel_loop3A_607, %parallel_loop3A_608] {strides = array<i32>} : memref<320x128xf32, #tpu.memory_space<vmem>>, vector<16xf32>,
        %parallel_loop3A_610 = arith.constant 20 : i32
        %parallel_loop3A_611 = arith.muli %parallel_loop3A_127, %parallel_loop3A_610 : i32
        %parallel_loop3A_612 = arith.constant 10 : i32
        %parallel_loop3A_613 = arith.addi %parallel_loop3A_611, %parallel_loop3A_612 : i32
        %parallel_loop3A_614 = arith.index_cast %parallel_loop3A_613 : i32 to index
        %parallel_loop3A_615 = arith.constant 32 : index
        %parallel_loop3A_616 = tpu.vector_load %arg16[%parallel_loop3A_614, %parallel_loop3A_615] {strides = array<i32>} : memref<320x128xf32, #tpu.memory_space<vmem>>, vector<16xf32>,
        %parallel_loop3A_617 = arith.constant 20 : i32
        %parallel_loop3A_618 = arith.muli %parallel_loop3A_127, %parallel_loop3A_617 : i32
        %parallel_loop3A_619 = arith.constant 10 : i32
        %parallel_loop3A_620 = arith.addi %parallel_loop3A_618, %parallel_loop3A_619 : i32
        %parallel_loop3A_621 = arith.index_cast %parallel_loop3A_620 : i32 to index
        %parallel_loop3A_622 = arith.constant 48 : index
        %parallel_loop3A_623 = tpu.vector_load %arg16[%parallel_loop3A_621, %parallel_loop3A_622] {strides = array<i32>} : memref<320x128xf32, #tpu.memory_space<vmem>>, vector<16xf32>,
        %parallel_loop3A_624 = arith.mulf %parallel_loop3A_130, %parallel_loop3A_602 : vector<16xf32>
        %parallel_loop3A_625 = arith.mulf %parallel_loop3A_133, %parallel_loop3A_609 : vector<16xf32>
        %parallel_loop3A_626 = arith.addf %parallel_loop3A_624, %parallel_loop3A_625 : vector<16xf32>
        %parallel_loop3A_627 = arith.mulf %parallel_loop3A_136, %parallel_loop3A_616 : vector<16xf32>
        %parallel_loop3A_628 = arith.mulf %parallel_loop3A_139, %parallel_loop3A_623 : vector<16xf32>
        %parallel_loop3A_629 = arith.addf %parallel_loop3A_627, %parallel_loop3A_628 : vector<16xf32>
        %parallel_loop3A_630 = arith.addf %parallel_loop3A_626, %parallel_loop3A_629 : vector<16xf32>
        %parallel_loop3A_631 = arith.constant true
        %parallel_loop3A_632 = vector.broadcast %parallel_loop3A_631 : i1 to vector<16xi1>
        %parallel_loop3A_633 = tpu.scan <sum>, %parallel_loop3A_630 masked %parallel_loop3A_632 : vector<16xf32>, vector<16xi1> -> vector<16xf32>
        %parallel_loop3A_634 = arith.constant 20 : i32
        %parallel_loop3A_635 = arith.muli %parallel_loop3A_164, %parallel_loop3A_634 : i32
        %parallel_loop3A_636 = arith.constant 10 : i32
        %parallel_loop3A_637 = arith.addi %parallel_loop3A_635, %parallel_loop3A_636 : i32
        %parallel_loop3A_638 = vector.broadcast %parallel_loop3A_637 : i32 to vector<16xi32>
        tpu.vector_store_idx %arg19[%parallel_loop3A_638], %parallel_loop3A_633 masked %eq3A_4 : memref<10240xf32, #tpu.memory_space<vmem>>[vector<16xi32>], vector<16xf32>, vector<16xi1>
        %parallel_loop3A_639 = arith.constant 20 : i32
        %parallel_loop3A_640 = arith.muli %parallel_loop3A_127, %parallel_loop3A_639 : i32
        %parallel_loop3A_641 = arith.constant 11 : i32
        %parallel_loop3A_642 = arith.addi %parallel_loop3A_640, %parallel_loop3A_641 : i32
        %parallel_loop3A_643 = arith.index_cast %parallel_loop3A_642 : i32 to index
        %parallel_loop3A_644 = arith.constant 0 : index
        %parallel_loop3A_645 = tpu.vector_load %arg16[%parallel_loop3A_643, %parallel_loop3A_644] {strides = array<i32>} : memref<320x128xf32, #tpu.memory_space<vmem>>, vector<16xf32>,
        %parallel_loop3A_646 = arith.constant 20 : i32
        %parallel_loop3A_647 = arith.muli %parallel_loop3A_127, %parallel_loop3A_646 : i32
        %parallel_loop3A_648 = arith.constant 11 : i32
        %parallel_loop3A_649 = arith.addi %parallel_loop3A_647, %parallel_loop3A_648 : i32
        %parallel_loop3A_650 = arith.index_cast %parallel_loop3A_649 : i32 to index
        %parallel_loop3A_651 = arith.constant 16 : index
        %parallel_loop3A_652 = tpu.vector_load %arg16[%parallel_loop3A_650, %parallel_loop3A_651] {strides = array<i32>} : memref<320x128xf32, #tpu.memory_space<vmem>>, vector<16xf32>,
        %parallel_loop3A_653 = arith.constant 20 : i32
        %parallel_loop3A_654 = arith.muli %parallel_loop3A_127, %parallel_loop3A_653 : i32
        %parallel_loop3A_655 = arith.constant 11 : i32
        %parallel_loop3A_656 = arith.addi %parallel_loop3A_654, %parallel_loop3A_655 : i32
        %parallel_loop3A_657 = arith.index_cast %parallel_loop3A_656 : i32 to index
        %parallel_loop3A_658 = arith.constant 32 : index
        %parallel_loop3A_659 = tpu.vector_load %arg16[%parallel_loop3A_657, %parallel_loop3A_658] {strides = array<i32>} : memref<320x128xf32, #tpu.memory_space<vmem>>, vector<16xf32>,
        %parallel_loop3A_660 = arith.constant 20 : i32
        %parallel_loop3A_661 = arith.muli %parallel_loop3A_127, %parallel_loop3A_660 : i32
        %parallel_loop3A_662 = arith.constant 11 : i32
        %parallel_loop3A_663 = arith.addi %parallel_loop3A_661, %parallel_loop3A_662 : i32
        %parallel_loop3A_664 = arith.index_cast %parallel_loop3A_663 : i32 to index
        %parallel_loop3A_665 = arith.constant 48 : index
        %parallel_loop3A_666 = tpu.vector_load %arg16[%parallel_loop3A_664, %parallel_loop3A_665] {strides = array<i32>} : memref<320x128xf32, #tpu.memory_space<vmem>>, vector<16xf32>,
        %parallel_loop3A_667 = arith.mulf %parallel_loop3A_130, %parallel_loop3A_645 : vector<16xf32>
        %parallel_loop3A_668 = arith.mulf %parallel_loop3A_133, %parallel_loop3A_652 : vector<16xf32>
        %parallel_loop3A_669 = arith.addf %parallel_loop3A_667, %parallel_loop3A_668 : vector<16xf32>
        %parallel_loop3A_670 = arith.mulf %parallel_loop3A_136, %parallel_loop3A_659 : vector<16xf32>
        %parallel_loop3A_671 = arith.mulf %parallel_loop3A_139, %parallel_loop3A_666 : vector<16xf32>
        %parallel_loop3A_672 = arith.addf %parallel_loop3A_670, %parallel_loop3A_671 : vector<16xf32>
        %parallel_loop3A_673 = arith.addf %parallel_loop3A_669, %parallel_loop3A_672 : vector<16xf32>
        %parallel_loop3A_674 = arith.constant true
        %parallel_loop3A_675 = vector.broadcast %parallel_loop3A_674 : i1 to vector<16xi1>
        %parallel_loop3A_676 = tpu.scan <sum>, %parallel_loop3A_673 masked %parallel_loop3A_675 : vector<16xf32>, vector<16xi1> -> vector<16xf32>
        %parallel_loop3A_677 = arith.constant 20 : i32
        %parallel_loop3A_678 = arith.muli %parallel_loop3A_164, %parallel_loop3A_677 : i32
        %parallel_loop3A_679 = arith.constant 11 : i32
        %parallel_loop3A_680 = arith.addi %parallel_loop3A_678, %parallel_loop3A_679 : i32
        %parallel_loop3A_681 = vector.broadcast %parallel_loop3A_680 : i32 to vector<16xi32>
        tpu.vector_store_idx %arg19[%parallel_loop3A_681], %parallel_loop3A_676 masked %eq3A_4 : memref<10240xf32, #tpu.memory_space<vmem>>[vector<16xi32>], vector<16xf32>, vector<16xi1>
        %parallel_loop3A_682 = arith.constant 20 : i32
        %parallel_loop3A_683 = arith.muli %parallel_loop3A_127, %parallel_loop3A_682 : i32
        %parallel_loop3A_684 = arith.constant 12 : i32
        %parallel_loop3A_685 = arith.addi %parallel_loop3A_683, %parallel_loop3A_684 : i32
        %parallel_loop3A_686 = arith.index_cast %parallel_loop3A_685 : i32 to index
        %parallel_loop3A_687 = arith.constant 0 : index
        %parallel_loop3A_688 = tpu.vector_load %arg16[%parallel_loop3A_686, %parallel_loop3A_687] {strides = array<i32>} : memref<320x128xf32, #tpu.memory_space<vmem>>, vector<16xf32>,
        %parallel_loop3A_689 = arith.constant 20 : i32
        %parallel_loop3A_690 = arith.muli %parallel_loop3A_127, %parallel_loop3A_689 : i32
        %parallel_loop3A_691 = arith.constant 12 : i32
        %parallel_loop3A_692 = arith.addi %parallel_loop3A_690, %parallel_loop3A_691 : i32
        %parallel_loop3A_693 = arith.index_cast %parallel_loop3A_692 : i32 to index
        %parallel_loop3A_694 = arith.constant 16 : index
        %parallel_loop3A_695 = tpu.vector_load %arg16[%parallel_loop3A_693, %parallel_loop3A_694] {strides = array<i32>} : memref<320x128xf32, #tpu.memory_space<vmem>>, vector<16xf32>,
        %parallel_loop3A_696 = arith.constant 20 : i32
        %parallel_loop3A_697 = arith.muli %parallel_loop3A_127, %parallel_loop3A_696 : i32
        %parallel_loop3A_698 = arith.constant 12 : i32
        %parallel_loop3A_699 = arith.addi %parallel_loop3A_697, %parallel_loop3A_698 : i32
        %parallel_loop3A_700 = arith.index_cast %parallel_loop3A_699 : i32 to index
        %parallel_loop3A_701 = arith.constant 32 : index
        %parallel_loop3A_702 = tpu.vector_load %arg16[%parallel_loop3A_700, %parallel_loop3A_701] {strides = array<i32>} : memref<320x128xf32, #tpu.memory_space<vmem>>, vector<16xf32>,
        %parallel_loop3A_703 = arith.constant 20 : i32
        %parallel_loop3A_704 = arith.muli %parallel_loop3A_127, %parallel_loop3A_703 : i32
        %parallel_loop3A_705 = arith.constant 12 : i32
        %parallel_loop3A_706 = arith.addi %parallel_loop3A_704, %parallel_loop3A_705 : i32
        %parallel_loop3A_707 = arith.index_cast %parallel_loop3A_706 : i32 to index
        %parallel_loop3A_708 = arith.constant 48 : index
        %parallel_loop3A_709 = tpu.vector_load %arg16[%parallel_loop3A_707, %parallel_loop3A_708] {strides = array<i32>} : memref<320x128xf32, #tpu.memory_space<vmem>>, vector<16xf32>,
        %parallel_loop3A_710 = arith.mulf %parallel_loop3A_130, %parallel_loop3A_688 : vector<16xf32>
        %parallel_loop3A_711 = arith.mulf %parallel_loop3A_133, %parallel_loop3A_695 : vector<16xf32>
        %parallel_loop3A_712 = arith.addf %parallel_loop3A_710, %parallel_loop3A_711 : vector<16xf32>
        %parallel_loop3A_713 = arith.mulf %parallel_loop3A_136, %parallel_loop3A_702 : vector<16xf32>
        %parallel_loop3A_714 = arith.mulf %parallel_loop3A_139, %parallel_loop3A_709 : vector<16xf32>
        %parallel_loop3A_715 = arith.addf %parallel_loop3A_713, %parallel_loop3A_714 : vector<16xf32>
        %parallel_loop3A_716 = arith.addf %parallel_loop3A_712, %parallel_loop3A_715 : vector<16xf32>
        %parallel_loop3A_717 = arith.constant true
        %parallel_loop3A_718 = vector.broadcast %parallel_loop3A_717 : i1 to vector<16xi1>
        %parallel_loop3A_719 = tpu.scan <sum>, %parallel_loop3A_716 masked %parallel_loop3A_718 : vector<16xf32>, vector<16xi1> -> vector<16xf32>
        %parallel_loop3A_720 = arith.constant 20 : i32
        %parallel_loop3A_721 = arith.muli %parallel_loop3A_164, %parallel_loop3A_720 : i32
        %parallel_loop3A_722 = arith.constant 12 : i32
        %parallel_loop3A_723 = arith.addi %parallel_loop3A_721, %parallel_loop3A_722 : i32
        %parallel_loop3A_724 = vector.broadcast %parallel_loop3A_723 : i32 to vector<16xi32>
        tpu.vector_store_idx %arg19[%parallel_loop3A_724], %parallel_loop3A_719 masked %eq3A_4 : memref<10240xf32, #tpu.memory_space<vmem>>[vector<16xi32>], vector<16xf32>, vector<16xi1>
        %parallel_loop3A_725 = arith.constant 20 : i32
        %parallel_loop3A_726 = arith.muli %parallel_loop3A_127, %parallel_loop3A_725 : i32
        %parallel_loop3A_727 = arith.constant 13 : i32
        %parallel_loop3A_728 = arith.addi %parallel_loop3A_726, %parallel_loop3A_727 : i32
        %parallel_loop3A_729 = arith.index_cast %parallel_loop3A_728 : i32 to index
        %parallel_loop3A_730 = arith.constant 0 : index
        %parallel_loop3A_731 = tpu.vector_load %arg16[%parallel_loop3A_729, %parallel_loop3A_730] {strides = array<i32>} : memref<320x128xf32, #tpu.memory_space<vmem>>, vector<16xf32>,
        %parallel_loop3A_732 = arith.constant 20 : i32
        %parallel_loop3A_733 = arith.muli %parallel_loop3A_127, %parallel_loop3A_732 : i32
        %parallel_loop3A_734 = arith.constant 13 : i32
        %parallel_loop3A_735 = arith.addi %parallel_loop3A_733, %parallel_loop3A_734 : i32
        %parallel_loop3A_736 = arith.index_cast %parallel_loop3A_735 : i32 to index
        %parallel_loop3A_737 = arith.constant 16 : index
        %parallel_loop3A_738 = tpu.vector_load %arg16[%parallel_loop3A_736, %parallel_loop3A_737] {strides = array<i32>} : memref<320x128xf32, #tpu.memory_space<vmem>>, vector<16xf32>,
        %parallel_loop3A_739 = arith.constant 20 : i32
        %parallel_loop3A_740 = arith.muli %parallel_loop3A_127, %parallel_loop3A_739 : i32
        %parallel_loop3A_741 = arith.constant 13 : i32
        %parallel_loop3A_742 = arith.addi %parallel_loop3A_740, %parallel_loop3A_741 : i32
        %parallel_loop3A_743 = arith.index_cast %parallel_loop3A_742 : i32 to index
        %parallel_loop3A_744 = arith.constant 32 : index
        %parallel_loop3A_745 = tpu.vector_load %arg16[%parallel_loop3A_743, %parallel_loop3A_744] {strides = array<i32>} : memref<320x128xf32, #tpu.memory_space<vmem>>, vector<16xf32>,
        %parallel_loop3A_746 = arith.constant 20 : i32
        %parallel_loop3A_747 = arith.muli %parallel_loop3A_127, %parallel_loop3A_746 : i32
        %parallel_loop3A_748 = arith.constant 13 : i32
        %parallel_loop3A_749 = arith.addi %parallel_loop3A_747, %parallel_loop3A_748 : i32
        %parallel_loop3A_750 = arith.index_cast %parallel_loop3A_749 : i32 to index
        %parallel_loop3A_751 = arith.constant 48 : index
        %parallel_loop3A_752 = tpu.vector_load %arg16[%parallel_loop3A_750, %parallel_loop3A_751] {strides = array<i32>} : memref<320x128xf32, #tpu.memory_space<vmem>>, vector<16xf32>,
        %parallel_loop3A_753 = arith.mulf %parallel_loop3A_130, %parallel_loop3A_731 : vector<16xf32>
        %parallel_loop3A_754 = arith.mulf %parallel_loop3A_133, %parallel_loop3A_738 : vector<16xf32>
        %parallel_loop3A_755 = arith.addf %parallel_loop3A_753, %parallel_loop3A_754 : vector<16xf32>
        %parallel_loop3A_756 = arith.mulf %parallel_loop3A_136, %parallel_loop3A_745 : vector<16xf32>
        %parallel_loop3A_757 = arith.mulf %parallel_loop3A_139, %parallel_loop3A_752 : vector<16xf32>
        %parallel_loop3A_758 = arith.addf %parallel_loop3A_756, %parallel_loop3A_757 : vector<16xf32>
        %parallel_loop3A_759 = arith.addf %parallel_loop3A_755, %parallel_loop3A_758 : vector<16xf32>
        %parallel_loop3A_760 = arith.constant true
        %parallel_loop3A_761 = vector.broadcast %parallel_loop3A_760 : i1 to vector<16xi1>
        %parallel_loop3A_762 = tpu.scan <sum>, %parallel_loop3A_759 masked %parallel_loop3A_761 : vector<16xf32>, vector<16xi1> -> vector<16xf32>
        %parallel_loop3A_763 = arith.constant 20 : i32
        %parallel_loop3A_764 = arith.muli %parallel_loop3A_164, %parallel_loop3A_763 : i32
        %parallel_loop3A_765 = arith.constant 13 : i32
        %parallel_loop3A_766 = arith.addi %parallel_loop3A_764, %parallel_loop3A_765 : i32
        %parallel_loop3A_767 = vector.broadcast %parallel_loop3A_766 : i32 to vector<16xi32>
        tpu.vector_store_idx %arg19[%parallel_loop3A_767], %parallel_loop3A_762 masked %eq3A_4 : memref<10240xf32, #tpu.memory_space<vmem>>[vector<16xi32>], vector<16xf32>, vector<16xi1>
        %parallel_loop3A_768 = arith.constant 20 : i32
        %parallel_loop3A_769 = arith.muli %parallel_loop3A_127, %parallel_loop3A_768 : i32
        %parallel_loop3A_770 = arith.constant 14 : i32
        %parallel_loop3A_771 = arith.addi %parallel_loop3A_769, %parallel_loop3A_770 : i32
        %parallel_loop3A_772 = arith.index_cast %parallel_loop3A_771 : i32 to index
        %parallel_loop3A_773 = arith.constant 0 : index
        %parallel_loop3A_774 = tpu.vector_load %arg16[%parallel_loop3A_772, %parallel_loop3A_773] {strides = array<i32>} : memref<320x128xf32, #tpu.memory_space<vmem>>, vector<16xf32>,
        %parallel_loop3A_775 = arith.constant 20 : i32
        %parallel_loop3A_776 = arith.muli %parallel_loop3A_127, %parallel_loop3A_775 : i32
        %parallel_loop3A_777 = arith.constant 14 : i32
        %parallel_loop3A_778 = arith.addi %parallel_loop3A_776, %parallel_loop3A_777 : i32
        %parallel_loop3A_779 = arith.index_cast %parallel_loop3A_778 : i32 to index
        %parallel_loop3A_780 = arith.constant 16 : index
        %parallel_loop3A_781 = tpu.vector_load %arg16[%parallel_loop3A_779, %parallel_loop3A_780] {strides = array<i32>} : memref<320x128xf32, #tpu.memory_space<vmem>>, vector<16xf32>,
        %parallel_loop3A_782 = arith.constant 20 : i32
        %parallel_loop3A_783 = arith.muli %parallel_loop3A_127, %parallel_loop3A_782 : i32
        %parallel_loop3A_784 = arith.constant 14 : i32
        %parallel_loop3A_785 = arith.addi %parallel_loop3A_783, %parallel_loop3A_784 : i32
        %parallel_loop3A_786 = arith.index_cast %parallel_loop3A_785 : i32 to index
        %parallel_loop3A_787 = arith.constant 32 : index
        %parallel_loop3A_788 = tpu.vector_load %arg16[%parallel_loop3A_786, %parallel_loop3A_787] {strides = array<i32>} : memref<320x128xf32, #tpu.memory_space<vmem>>, vector<16xf32>,
        %parallel_loop3A_789 = arith.constant 20 : i32
        %parallel_loop3A_790 = arith.muli %parallel_loop3A_127, %parallel_loop3A_789 : i32
        %parallel_loop3A_791 = arith.constant 14 : i32
        %parallel_loop3A_792 = arith.addi %parallel_loop3A_790, %parallel_loop3A_791 : i32
        %parallel_loop3A_793 = arith.index_cast %parallel_loop3A_792 : i32 to index
        %parallel_loop3A_794 = arith.constant 48 : index
        %parallel_loop3A_795 = tpu.vector_load %arg16[%parallel_loop3A_793, %parallel_loop3A_794] {strides = array<i32>} : memref<320x128xf32, #tpu.memory_space<vmem>>, vector<16xf32>,
        %parallel_loop3A_796 = arith.mulf %parallel_loop3A_130, %parallel_loop3A_774 : vector<16xf32>
        %parallel_loop3A_797 = arith.mulf %parallel_loop3A_133, %parallel_loop3A_781 : vector<16xf32>
        %parallel_loop3A_798 = arith.addf %parallel_loop3A_796, %parallel_loop3A_797 : vector<16xf32>
        %parallel_loop3A_799 = arith.mulf %parallel_loop3A_136, %parallel_loop3A_788 : vector<16xf32>
        %parallel_loop3A_800 = arith.mulf %parallel_loop3A_139, %parallel_loop3A_795 : vector<16xf32>
        %parallel_loop3A_801 = arith.addf %parallel_loop3A_799, %parallel_loop3A_800 : vector<16xf32>
        %parallel_loop3A_802 = arith.addf %parallel_loop3A_798, %parallel_loop3A_801 : vector<16xf32>
        %parallel_loop3A_803 = arith.constant true
        %parallel_loop3A_804 = vector.broadcast %parallel_loop3A_803 : i1 to vector<16xi1>
        %parallel_loop3A_805 = tpu.scan <sum>, %parallel_loop3A_802 masked %parallel_loop3A_804 : vector<16xf32>, vector<16xi1> -> vector<16xf32>
        %parallel_loop3A_806 = arith.constant 20 : i32
        %parallel_loop3A_807 = arith.muli %parallel_loop3A_164, %parallel_loop3A_806 : i32
        %parallel_loop3A_808 = arith.constant 14 : i32
        %parallel_loop3A_809 = arith.addi %parallel_loop3A_807, %parallel_loop3A_808 : i32
        %parallel_loop3A_810 = vector.broadcast %parallel_loop3A_809 : i32 to vector<16xi32>
        tpu.vector_store_idx %arg19[%parallel_loop3A_810], %parallel_loop3A_805 masked %eq3A_4 : memref<10240xf32, #tpu.memory_space<vmem>>[vector<16xi32>], vector<16xf32>, vector<16xi1>
        %parallel_loop3A_811 = arith.constant 20 : i32
        %parallel_loop3A_812 = arith.muli %parallel_loop3A_127, %parallel_loop3A_811 : i32
        %parallel_loop3A_813 = arith.constant 15 : i32
        %parallel_loop3A_814 = arith.addi %parallel_loop3A_812, %parallel_loop3A_813 : i32
        %parallel_loop3A_815 = arith.index_cast %parallel_loop3A_814 : i32 to index
        %parallel_loop3A_816 = arith.constant 0 : index
        %parallel_loop3A_817 = tpu.vector_load %arg16[%parallel_loop3A_815, %parallel_loop3A_816] {strides = array<i32>} : memref<320x128xf32, #tpu.memory_space<vmem>>, vector<16xf32>,
        %parallel_loop3A_818 = arith.constant 20 : i32
        %parallel_loop3A_819 = arith.muli %parallel_loop3A_127, %parallel_loop3A_818 : i32
        %parallel_loop3A_820 = arith.constant 15 : i32
        %parallel_loop3A_821 = arith.addi %parallel_loop3A_819, %parallel_loop3A_820 : i32
        %parallel_loop3A_822 = arith.index_cast %parallel_loop3A_821 : i32 to index
        %parallel_loop3A_823 = arith.constant 16 : index
        %parallel_loop3A_824 = tpu.vector_load %arg16[%parallel_loop3A_822, %parallel_loop3A_823] {strides = array<i32>} : memref<320x128xf32, #tpu.memory_space<vmem>>, vector<16xf32>,
        %parallel_loop3A_825 = arith.constant 20 : i32
        %parallel_loop3A_826 = arith.muli %parallel_loop3A_127, %parallel_loop3A_825 : i32
        %parallel_loop3A_827 = arith.constant 15 : i32
        %parallel_loop3A_828 = arith.addi %parallel_loop3A_826, %parallel_loop3A_827 : i32
        %parallel_loop3A_829 = arith.index_cast %parallel_loop3A_828 : i32 to index
        %parallel_loop3A_830 = arith.constant 32 : index
        %parallel_loop3A_831 = tpu.vector_load %arg16[%parallel_loop3A_829, %parallel_loop3A_830] {strides = array<i32>} : memref<320x128xf32, #tpu.memory_space<vmem>>, vector<16xf32>,
        %parallel_loop3A_832 = arith.constant 20 : i32
        %parallel_loop3A_833 = arith.muli %parallel_loop3A_127, %parallel_loop3A_832 : i32
        %parallel_loop3A_834 = arith.constant 15 : i32
        %parallel_loop3A_835 = arith.addi %parallel_loop3A_833, %parallel_loop3A_834 : i32
        %parallel_loop3A_836 = arith.index_cast %parallel_loop3A_835 : i32 to index
        %parallel_loop3A_837 = arith.constant 48 : index
        %parallel_loop3A_838 = tpu.vector_load %arg16[%parallel_loop3A_836, %parallel_loop3A_837] {strides = array<i32>} : memref<320x128xf32, #tpu.memory_space<vmem>>, vector<16xf32>,
        %parallel_loop3A_839 = arith.mulf %parallel_loop3A_130, %parallel_loop3A_817 : vector<16xf32>
        %parallel_loop3A_840 = arith.mulf %parallel_loop3A_133, %parallel_loop3A_824 : vector<16xf32>
        %parallel_loop3A_841 = arith.addf %parallel_loop3A_839, %parallel_loop3A_840 : vector<16xf32>
        %parallel_loop3A_842 = arith.mulf %parallel_loop3A_136, %parallel_loop3A_831 : vector<16xf32>
        %parallel_loop3A_843 = arith.mulf %parallel_loop3A_139, %parallel_loop3A_838 : vector<16xf32>
        %parallel_loop3A_844 = arith.addf %parallel_loop3A_842, %parallel_loop3A_843 : vector<16xf32>
        %parallel_loop3A_845 = arith.addf %parallel_loop3A_841, %parallel_loop3A_844 : vector<16xf32>
        %parallel_loop3A_846 = arith.constant true
        %parallel_loop3A_847 = vector.broadcast %parallel_loop3A_846 : i1 to vector<16xi1>
        %parallel_loop3A_848 = tpu.scan <sum>, %parallel_loop3A_845 masked %parallel_loop3A_847 : vector<16xf32>, vector<16xi1> -> vector<16xf32>
        %parallel_loop3A_849 = arith.constant 20 : i32
        %parallel_loop3A_850 = arith.muli %parallel_loop3A_164, %parallel_loop3A_849 : i32
        %parallel_loop3A_851 = arith.constant 15 : i32
        %parallel_loop3A_852 = arith.addi %parallel_loop3A_850, %parallel_loop3A_851 : i32
        %parallel_loop3A_853 = vector.broadcast %parallel_loop3A_852 : i32 to vector<16xi32>
        tpu.vector_store_idx %arg19[%parallel_loop3A_853], %parallel_loop3A_848 masked %eq3A_4 : memref<10240xf32, #tpu.memory_space<vmem>>[vector<16xi32>], vector<16xf32>, vector<16xi1>
        %parallel_loop3A_854 = arith.constant 20 : i32
        %parallel_loop3A_855 = arith.muli %parallel_loop3A_127, %parallel_loop3A_854 : i32
        %parallel_loop3A_856 = arith.constant 16 : i32
        %parallel_loop3A_857 = arith.addi %parallel_loop3A_855, %parallel_loop3A_856 : i32
        %parallel_loop3A_858 = arith.index_cast %parallel_loop3A_857 : i32 to index
        %parallel_loop3A_859 = arith.constant 0 : index
        %parallel_loop3A_860 = tpu.vector_load %arg16[%parallel_loop3A_858, %parallel_loop3A_859] {strides = array<i32>} : memref<320x128xf32, #tpu.memory_space<vmem>>, vector<16xf32>,
        %parallel_loop3A_861 = arith.constant 20 : i32
        %parallel_loop3A_862 = arith.muli %parallel_loop3A_127, %parallel_loop3A_861 : i32
        %parallel_loop3A_863 = arith.constant 16 : i32
        %parallel_loop3A_864 = arith.addi %parallel_loop3A_862, %parallel_loop3A_863 : i32
        %parallel_loop3A_865 = arith.index_cast %parallel_loop3A_864 : i32 to index
        %parallel_loop3A_866 = arith.constant 16 : index
        %parallel_loop3A_867 = tpu.vector_load %arg16[%parallel_loop3A_865, %parallel_loop3A_866] {strides = array<i32>} : memref<320x128xf32, #tpu.memory_space<vmem>>, vector<16xf32>,
        %parallel_loop3A_868 = arith.constant 20 : i32
        %parallel_loop3A_869 = arith.muli %parallel_loop3A_127, %parallel_loop3A_868 : i32
        %parallel_loop3A_870 = arith.constant 16 : i32
        %parallel_loop3A_871 = arith.addi %parallel_loop3A_869, %parallel_loop3A_870 : i32
        %parallel_loop3A_872 = arith.index_cast %parallel_loop3A_871 : i32 to index
        %parallel_loop3A_873 = arith.constant 32 : index
        %parallel_loop3A_874 = tpu.vector_load %arg16[%parallel_loop3A_872, %parallel_loop3A_873] {strides = array<i32>} : memref<320x128xf32, #tpu.memory_space<vmem>>, vector<16xf32>,
        %parallel_loop3A_875 = arith.constant 20 : i32
        %parallel_loop3A_876 = arith.muli %parallel_loop3A_127, %parallel_loop3A_875 : i32
        %parallel_loop3A_877 = arith.constant 16 : i32
        %parallel_loop3A_878 = arith.addi %parallel_loop3A_876, %parallel_loop3A_877 : i32
        %parallel_loop3A_879 = arith.index_cast %parallel_loop3A_878 : i32 to index
        %parallel_loop3A_880 = arith.constant 48 : index
        %parallel_loop3A_881 = tpu.vector_load %arg16[%parallel_loop3A_879, %parallel_loop3A_880] {strides = array<i32>} : memref<320x128xf32, #tpu.memory_space<vmem>>, vector<16xf32>,
        %parallel_loop3A_882 = arith.mulf %parallel_loop3A_130, %parallel_loop3A_860 : vector<16xf32>
        %parallel_loop3A_883 = arith.mulf %parallel_loop3A_133, %parallel_loop3A_867 : vector<16xf32>
        %parallel_loop3A_884 = arith.addf %parallel_loop3A_882, %parallel_loop3A_883 : vector<16xf32>
        %parallel_loop3A_885 = arith.mulf %parallel_loop3A_136, %parallel_loop3A_874 : vector<16xf32>
        %parallel_loop3A_886 = arith.mulf %parallel_loop3A_139, %parallel_loop3A_881 : vector<16xf32>
        %parallel_loop3A_887 = arith.addf %parallel_loop3A_885, %parallel_loop3A_886 : vector<16xf32>
        %parallel_loop3A_888 = arith.addf %parallel_loop3A_884, %parallel_loop3A_887 : vector<16xf32>
        %parallel_loop3A_889 = arith.constant true
        %parallel_loop3A_890 = vector.broadcast %parallel_loop3A_889 : i1 to vector<16xi1>
        %parallel_loop3A_891 = tpu.scan <sum>, %parallel_loop3A_888 masked %parallel_loop3A_890 : vector<16xf32>, vector<16xi1> -> vector<16xf32>
        %parallel_loop3A_892 = arith.constant 20 : i32
        %parallel_loop3A_893 = arith.muli %parallel_loop3A_164, %parallel_loop3A_892 : i32
        %parallel_loop3A_894 = arith.constant 16 : i32
        %parallel_loop3A_895 = arith.addi %parallel_loop3A_893, %parallel_loop3A_894 : i32
        %parallel_loop3A_896 = vector.broadcast %parallel_loop3A_895 : i32 to vector<16xi32>
        tpu.vector_store_idx %arg19[%parallel_loop3A_896], %parallel_loop3A_891 masked %eq3A_4 : memref<10240xf32, #tpu.memory_space<vmem>>[vector<16xi32>], vector<16xf32>, vector<16xi1>
        %parallel_loop3A_897 = arith.constant 20 : i32
        %parallel_loop3A_898 = arith.muli %parallel_loop3A_127, %parallel_loop3A_897 : i32
        %parallel_loop3A_899 = arith.constant 17 : i32
        %parallel_loop3A_900 = arith.addi %parallel_loop3A_898, %parallel_loop3A_899 : i32
        %parallel_loop3A_901 = arith.index_cast %parallel_loop3A_900 : i32 to index
        %parallel_loop3A_902 = arith.constant 0 : index
        %parallel_loop3A_903 = tpu.vector_load %arg16[%parallel_loop3A_901, %parallel_loop3A_902] {strides = array<i32>} : memref<320x128xf32, #tpu.memory_space<vmem>>, vector<16xf32>,
        %parallel_loop3A_904 = arith.constant 20 : i32
        %parallel_loop3A_905 = arith.muli %parallel_loop3A_127, %parallel_loop3A_904 : i32
        %parallel_loop3A_906 = arith.constant 17 : i32
        %parallel_loop3A_907 = arith.addi %parallel_loop3A_905, %parallel_loop3A_906 : i32
        %parallel_loop3A_908 = arith.index_cast %parallel_loop3A_907 : i32 to index
        %parallel_loop3A_909 = arith.constant 16 : index
        %parallel_loop3A_910 = tpu.vector_load %arg16[%parallel_loop3A_908, %parallel_loop3A_909] {strides = array<i32>} : memref<320x128xf32, #tpu.memory_space<vmem>>, vector<16xf32>,
        %parallel_loop3A_911 = arith.constant 20 : i32
        %parallel_loop3A_912 = arith.muli %parallel_loop3A_127, %parallel_loop3A_911 : i32
        %parallel_loop3A_913 = arith.constant 17 : i32
        %parallel_loop3A_914 = arith.addi %parallel_loop3A_912, %parallel_loop3A_913 : i32
        %parallel_loop3A_915 = arith.index_cast %parallel_loop3A_914 : i32 to index
        %parallel_loop3A_916 = arith.constant 32 : index
        %parallel_loop3A_917 = tpu.vector_load %arg16[%parallel_loop3A_915, %parallel_loop3A_916] {strides = array<i32>} : memref<320x128xf32, #tpu.memory_space<vmem>>, vector<16xf32>,
        %parallel_loop3A_918 = arith.constant 20 : i32
        %parallel_loop3A_919 = arith.muli %parallel_loop3A_127, %parallel_loop3A_918 : i32
        %parallel_loop3A_920 = arith.constant 17 : i32
        %parallel_loop3A_921 = arith.addi %parallel_loop3A_919, %parallel_loop3A_920 : i32
        %parallel_loop3A_922 = arith.index_cast %parallel_loop3A_921 : i32 to index
        %parallel_loop3A_923 = arith.constant 48 : index
        %parallel_loop3A_924 = tpu.vector_load %arg16[%parallel_loop3A_922, %parallel_loop3A_923] {strides = array<i32>} : memref<320x128xf32, #tpu.memory_space<vmem>>, vector<16xf32>,
        %parallel_loop3A_925 = arith.mulf %parallel_loop3A_130, %parallel_loop3A_903 : vector<16xf32>
        %parallel_loop3A_926 = arith.mulf %parallel_loop3A_133, %parallel_loop3A_910 : vector<16xf32>
        %parallel_loop3A_927 = arith.addf %parallel_loop3A_925, %parallel_loop3A_926 : vector<16xf32>
        %parallel_loop3A_928 = arith.mulf %parallel_loop3A_136, %parallel_loop3A_917 : vector<16xf32>
        %parallel_loop3A_929 = arith.mulf %parallel_loop3A_139, %parallel_loop3A_924 : vector<16xf32>
        %parallel_loop3A_930 = arith.addf %parallel_loop3A_928, %parallel_loop3A_929 : vector<16xf32>
        %parallel_loop3A_931 = arith.addf %parallel_loop3A_927, %parallel_loop3A_930 : vector<16xf32>
        %parallel_loop3A_932 = arith.constant true
        %parallel_loop3A_933 = vector.broadcast %parallel_loop3A_932 : i1 to vector<16xi1>
        %parallel_loop3A_934 = tpu.scan <sum>, %parallel_loop3A_931 masked %parallel_loop3A_933 : vector<16xf32>, vector<16xi1> -> vector<16xf32>
        %parallel_loop3A_935 = arith.constant 20 : i32
        %parallel_loop3A_936 = arith.muli %parallel_loop3A_164, %parallel_loop3A_935 : i32
        %parallel_loop3A_937 = arith.constant 17 : i32
        %parallel_loop3A_938 = arith.addi %parallel_loop3A_936, %parallel_loop3A_937 : i32
        %parallel_loop3A_939 = vector.broadcast %parallel_loop3A_938 : i32 to vector<16xi32>
        tpu.vector_store_idx %arg19[%parallel_loop3A_939], %parallel_loop3A_934 masked %eq3A_4 : memref<10240xf32, #tpu.memory_space<vmem>>[vector<16xi32>], vector<16xf32>, vector<16xi1>
        %parallel_loop3A_940 = arith.constant 20 : i32
        %parallel_loop3A_941 = arith.muli %parallel_loop3A_127, %parallel_loop3A_940 : i32
        %parallel_loop3A_942 = arith.constant 18 : i32
        %parallel_loop3A_943 = arith.addi %parallel_loop3A_941, %parallel_loop3A_942 : i32
        %parallel_loop3A_944 = arith.index_cast %parallel_loop3A_943 : i32 to index
        %parallel_loop3A_945 = arith.constant 0 : index
        %parallel_loop3A_946 = tpu.vector_load %arg16[%parallel_loop3A_944, %parallel_loop3A_945] {strides = array<i32>} : memref<320x128xf32, #tpu.memory_space<vmem>>, vector<16xf32>,
        %parallel_loop3A_947 = arith.constant 20 : i32
        %parallel_loop3A_948 = arith.muli %parallel_loop3A_127, %parallel_loop3A_947 : i32
        %parallel_loop3A_949 = arith.constant 18 : i32
        %parallel_loop3A_950 = arith.addi %parallel_loop3A_948, %parallel_loop3A_949 : i32
        %parallel_loop3A_951 = arith.index_cast %parallel_loop3A_950 : i32 to index
        %parallel_loop3A_952 = arith.constant 16 : index
        %parallel_loop3A_953 = tpu.vector_load %arg16[%parallel_loop3A_951, %parallel_loop3A_952] {strides = array<i32>} : memref<320x128xf32, #tpu.memory_space<vmem>>, vector<16xf32>,
        %parallel_loop3A_954 = arith.constant 20 : i32
        %parallel_loop3A_955 = arith.muli %parallel_loop3A_127, %parallel_loop3A_954 : i32
        %parallel_loop3A_956 = arith.constant 18 : i32
        %parallel_loop3A_957 = arith.addi %parallel_loop3A_955, %parallel_loop3A_956 : i32
        %parallel_loop3A_958 = arith.index_cast %parallel_loop3A_957 : i32 to index
        %parallel_loop3A_959 = arith.constant 32 : index
        %parallel_loop3A_960 = tpu.vector_load %arg16[%parallel_loop3A_958, %parallel_loop3A_959] {strides = array<i32>} : memref<320x128xf32, #tpu.memory_space<vmem>>, vector<16xf32>,
        %parallel_loop3A_961 = arith.constant 20 : i32
        %parallel_loop3A_962 = arith.muli %parallel_loop3A_127, %parallel_loop3A_961 : i32
        %parallel_loop3A_963 = arith.constant 18 : i32
        %parallel_loop3A_964 = arith.addi %parallel_loop3A_962, %parallel_loop3A_963 : i32
        %parallel_loop3A_965 = arith.index_cast %parallel_loop3A_964 : i32 to index
        %parallel_loop3A_966 = arith.constant 48 : index
        %parallel_loop3A_967 = tpu.vector_load %arg16[%parallel_loop3A_965, %parallel_loop3A_966] {strides = array<i32>} : memref<320x128xf32, #tpu.memory_space<vmem>>, vector<16xf32>,
        %parallel_loop3A_968 = arith.mulf %parallel_loop3A_130, %parallel_loop3A_946 : vector<16xf32>
        %parallel_loop3A_969 = arith.mulf %parallel_loop3A_133, %parallel_loop3A_953 : vector<16xf32>
        %parallel_loop3A_970 = arith.addf %parallel_loop3A_968, %parallel_loop3A_969 : vector<16xf32>
        %parallel_loop3A_971 = arith.mulf %parallel_loop3A_136, %parallel_loop3A_960 : vector<16xf32>
        %parallel_loop3A_972 = arith.mulf %parallel_loop3A_139, %parallel_loop3A_967 : vector<16xf32>
        %parallel_loop3A_973 = arith.addf %parallel_loop3A_971, %parallel_loop3A_972 : vector<16xf32>
        %parallel_loop3A_974 = arith.addf %parallel_loop3A_970, %parallel_loop3A_973 : vector<16xf32>
        %parallel_loop3A_975 = arith.constant true
        %parallel_loop3A_976 = vector.broadcast %parallel_loop3A_975 : i1 to vector<16xi1>
        %parallel_loop3A_977 = tpu.scan <sum>, %parallel_loop3A_974 masked %parallel_loop3A_976 : vector<16xf32>, vector<16xi1> -> vector<16xf32>
        %parallel_loop3A_978 = arith.constant 20 : i32
        %parallel_loop3A_979 = arith.muli %parallel_loop3A_164, %parallel_loop3A_978 : i32
        %parallel_loop3A_980 = arith.constant 18 : i32
        %parallel_loop3A_981 = arith.addi %parallel_loop3A_979, %parallel_loop3A_980 : i32
        %parallel_loop3A_982 = vector.broadcast %parallel_loop3A_981 : i32 to vector<16xi32>
        tpu.vector_store_idx %arg19[%parallel_loop3A_982], %parallel_loop3A_977 masked %eq3A_4 : memref<10240xf32, #tpu.memory_space<vmem>>[vector<16xi32>], vector<16xf32>, vector<16xi1>
        %parallel_loop3A_983 = arith.constant 20 : i32
        %parallel_loop3A_984 = arith.muli %parallel_loop3A_127, %parallel_loop3A_983 : i32
        %parallel_loop3A_985 = arith.constant 19 : i32
        %parallel_loop3A_986 = arith.addi %parallel_loop3A_984, %parallel_loop3A_985 : i32
        %parallel_loop3A_987 = arith.index_cast %parallel_loop3A_986 : i32 to index
        %parallel_loop3A_988 = arith.constant 0 : index
        %parallel_loop3A_989 = tpu.vector_load %arg16[%parallel_loop3A_987, %parallel_loop3A_988] {strides = array<i32>} : memref<320x128xf32, #tpu.memory_space<vmem>>, vector<16xf32>,
        %parallel_loop3A_990 = arith.constant 20 : i32
        %parallel_loop3A_991 = arith.muli %parallel_loop3A_127, %parallel_loop3A_990 : i32
        %parallel_loop3A_992 = arith.constant 19 : i32
        %parallel_loop3A_993 = arith.addi %parallel_loop3A_991, %parallel_loop3A_992 : i32
        %parallel_loop3A_994 = arith.index_cast %parallel_loop3A_993 : i32 to index
        %parallel_loop3A_995 = arith.constant 16 : index
        %parallel_loop3A_996 = tpu.vector_load %arg16[%parallel_loop3A_994, %parallel_loop3A_995] {strides = array<i32>} : memref<320x128xf32, #tpu.memory_space<vmem>>, vector<16xf32>,
        %parallel_loop3A_997 = arith.constant 20 : i32
        %parallel_loop3A_998 = arith.muli %parallel_loop3A_127, %parallel_loop3A_997 : i32
        %parallel_loop3A_999 = arith.constant 19 : i32
        %parallel_loop3A_1000 = arith.addi %parallel_loop3A_998, %parallel_loop3A_999 : i32
        %parallel_loop3A_1001 = arith.index_cast %parallel_loop3A_1000 : i32 to index
        %parallel_loop3A_1002 = arith.constant 32 : index
        %parallel_loop3A_1003 = tpu.vector_load %arg16[%parallel_loop3A_1001, %parallel_loop3A_1002] {strides = array<i32>} : memref<320x128xf32, #tpu.memory_space<vmem>>, vector<16xf32>,
        %parallel_loop3A_1004 = arith.constant 20 : i32
        %parallel_loop3A_1005 = arith.muli %parallel_loop3A_127, %parallel_loop3A_1004 : i32
        %parallel_loop3A_1006 = arith.constant 19 : i32
        %parallel_loop3A_1007 = arith.addi %parallel_loop3A_1005, %parallel_loop3A_1006 : i32
        %parallel_loop3A_1008 = arith.index_cast %parallel_loop3A_1007 : i32 to index
        %parallel_loop3A_1009 = arith.constant 48 : index
        %parallel_loop3A_1010 = tpu.vector_load %arg16[%parallel_loop3A_1008, %parallel_loop3A_1009] {strides = array<i32>} : memref<320x128xf32, #tpu.memory_space<vmem>>, vector<16xf32>,
        %parallel_loop3A_1011 = arith.mulf %parallel_loop3A_130, %parallel_loop3A_989 : vector<16xf32>
        %parallel_loop3A_1012 = arith.mulf %parallel_loop3A_133, %parallel_loop3A_996 : vector<16xf32>
        %parallel_loop3A_1013 = arith.addf %parallel_loop3A_1011, %parallel_loop3A_1012 : vector<16xf32>
        %parallel_loop3A_1014 = arith.mulf %parallel_loop3A_136, %parallel_loop3A_1003 : vector<16xf32>
        %parallel_loop3A_1015 = arith.mulf %parallel_loop3A_139, %parallel_loop3A_1010 : vector<16xf32>
        %parallel_loop3A_1016 = arith.addf %parallel_loop3A_1014, %parallel_loop3A_1015 : vector<16xf32>
        %parallel_loop3A_1017 = arith.addf %parallel_loop3A_1013, %parallel_loop3A_1016 : vector<16xf32>
        %parallel_loop3A_1018 = arith.constant true
        %parallel_loop3A_1019 = vector.broadcast %parallel_loop3A_1018 : i1 to vector<16xi1>
        %parallel_loop3A_1020 = tpu.scan <sum>, %parallel_loop3A_1017 masked %parallel_loop3A_1019 : vector<16xf32>, vector<16xi1> -> vector<16xf32>
        %parallel_loop3A_1021 = arith.constant 20 : i32
        %parallel_loop3A_1022 = arith.muli %parallel_loop3A_164, %parallel_loop3A_1021 : i32
        %parallel_loop3A_1023 = arith.constant 19 : i32
        %parallel_loop3A_1024 = arith.addi %parallel_loop3A_1022, %parallel_loop3A_1023 : i32
        %parallel_loop3A_1025 = vector.broadcast %parallel_loop3A_1024 : i32 to vector<16xi32>
        tpu.vector_store_idx %arg19[%parallel_loop3A_1025], %parallel_loop3A_1020 masked %eq3A_4 : memref<10240xf32, #tpu.memory_space<vmem>>[vector<16xi32>], vector<16xf32>, vector<16xi1>
      } {sc.loop_unroll_factor = 2 : i64, sc.parallel_access}
      %add3A_84 = arith.constant 2 : i32
      %add3A_85 = arith.addi %mul3A_44, %add3A_84 : i32
      %min3A = arith.constant 31 : i32
      %min3A_86 = arith.minsi %add3A_85, %min3A : i32
      %mul3A_87 = arith.constant 16 : i32
      %mul3A_88 = arith.muli %min3A_86, %mul3A_87 : i32
      %dma_start3A_89 = tpu.memref_slice %arg9[%mul3A_88] : memref<512xi32, #tpu.memory_space<vmem>> -> memref<16xi32, #tpu.memory_space<vmem>>
      %dma_start3A_90 = arith.constant 0 : i32
      %dma_start3A_91 = arith.constant 0 : i32
      %dma_start3A_92 = tpu.memref_slice %arg5[%dma_start3A_90, %dma_start3A_91] : memref<1000000x128xf32, #tpu.memory_space<hbm>> -> memref<1000000x128xf32, #tpu.memory_space<hbm>>
      tpu.enqueue_indirect_dma source(%dma_start3A_92 : memref<1000000x128xf32, #tpu.memory_space<hbm>>) target(%arg12 : memref<16x128xf32, #tpu.memory_space<vmem>>) offsets(%dma_start3A_89 : memref<16xi32, #tpu.memory_space<vmem>>) semaphore(%arg20 : memref<!tpu.dma_semaphore, #tpu.memory_space<semaphore_mem>>)
      %mul3A_93 = arith.constant 16 : i32
      %mul3A_94 = arith.muli %min3A_86, %mul3A_93 : i32
      %dma_start3A_95 = tpu.memref_slice %arg10[%mul3A_94] : memref<512xi32, #tpu.memory_space<vmem>> -> memref<16xi32, #tpu.memory_space<vmem>>
      %dma_start3A_96 = arith.constant 0 : i32
      %dma_start3A_97 = arith.constant 0 : i32
      %dma_start3A_98 = tpu.memref_slice %arg6[%dma_start3A_96, %dma_start3A_97] : memref<1000000x128xf32, #tpu.memory_space<hbm>> -> memref<1000000x128xf32, #tpu.memory_space<hbm>>
      tpu.enqueue_indirect_dma source(%dma_start3A_98 : memref<1000000x128xf32, #tpu.memory_space<hbm>>) target(%arg14 : memref<16x128xf32, #tpu.memory_space<vmem>>) offsets(%dma_start3A_95 : memref<16xi32, #tpu.memory_space<vmem>>) semaphore(%arg20 : memref<!tpu.dma_semaphore, #tpu.memory_space<semaphore_mem>>)
      %mul3A_99 = arith.constant 16 : i32
      %mul3A_100 = arith.muli %min3A_86, %mul3A_99 : i32
      %mul3A_101 = arith.constant 20 : i32
      %mul3A_102 = arith.muli %mul3A_100, %mul3A_101 : i32
      %dma_start3A_103 = tpu.memref_slice %arg11[%mul3A_102] : memref<10240xi32, #tpu.memory_space<vmem>> -> memref<320xi32, #tpu.memory_space<vmem>>
      %dma_start3A_104 = arith.constant 0 : i32
      %dma_start3A_105 = arith.constant 0 : i32
      %dma_start3A_106 = tpu.memref_slice %arg6[%dma_start3A_104, %dma_start3A_105] : memref<1000000x128xf32, #tpu.memory_space<hbm>> -> memref<1000000x128xf32, #tpu.memory_space<hbm>>
      tpu.enqueue_indirect_dma source(%dma_start3A_106 : memref<1000000x128xf32, #tpu.memory_space<hbm>>) target(%arg16 : memref<320x128xf32, #tpu.memory_space<vmem>>) offsets(%dma_start3A_103 : memref<320xi32, #tpu.memory_space<vmem>>) semaphore(%arg20 : memref<!tpu.dma_semaphore, #tpu.memory_space<semaphore_mem>>)
      %dma_wait3A_107 = arith.constant 0 : i32
      %dma_wait3A_108 = tpu.memref_slice %arg9[%dma_wait3A_107] : memref<512xi32, #tpu.memory_space<vmem>> -> memref<16xi32, #tpu.memory_space<vmem>>
      %dma_wait3A_109 = arith.constant 0 : i32
      %dma_wait3A_110 = arith.constant 0 : i32
      %dma_wait3A_111 = tpu.memref_slice %arg5[%dma_wait3A_109, %dma_wait3A_110] : memref<1000000x128xf32, #tpu.memory_space<hbm>> -> memref<1000000x128xf32, #tpu.memory_space<hbm>>
      tpu.wait_indirect_dma semaphore(%arg21 : memref<!tpu.dma_semaphore, #tpu.memory_space<semaphore_mem>>) src(%dma_wait3A_111 : memref<1000000x128xf32, #tpu.memory_space<hbm>>) dst(%arg13 : memref<16x128xf32, #tpu.memory_space<vmem>>)
      %dma_wait3A_112 = arith.constant 0 : i32
      %dma_wait3A_113 = tpu.memref_slice %arg10[%dma_wait3A_112] : memref<512xi32, #tpu.memory_space<vmem>> -> memref<16xi32, #tpu.memory_space<vmem>>
      %dma_wait3A_114 = arith.constant 0 : i32
      %dma_wait3A_115 = arith.constant 0 : i32
      %dma_wait3A_116 = tpu.memref_slice %arg6[%dma_wait3A_114, %dma_wait3A_115] : memref<1000000x128xf32, #tpu.memory_space<hbm>> -> memref<1000000x128xf32, #tpu.memory_space<hbm>>
      tpu.wait_indirect_dma semaphore(%arg21 : memref<!tpu.dma_semaphore, #tpu.memory_space<semaphore_mem>>) src(%dma_wait3A_116 : memref<1000000x128xf32, #tpu.memory_space<hbm>>) dst(%arg15 : memref<16x128xf32, #tpu.memory_space<vmem>>)
      %dma_wait3A_117 = arith.constant 0 : i32
      %dma_wait3A_118 = tpu.memref_slice %arg11[%dma_wait3A_117] : memref<10240xi32, #tpu.memory_space<vmem>> -> memref<320xi32, #tpu.memory_space<vmem>>
      %dma_wait3A_119 = arith.constant 0 : i32
      %dma_wait3A_120 = arith.constant 0 : i32
      %dma_wait3A_121 = tpu.memref_slice %arg6[%dma_wait3A_119, %dma_wait3A_120] : memref<1000000x128xf32, #tpu.memory_space<hbm>> -> memref<1000000x128xf32, #tpu.memory_space<hbm>>
      tpu.wait_indirect_dma semaphore(%arg21 : memref<!tpu.dma_semaphore, #tpu.memory_space<semaphore_mem>>) src(%dma_wait3A_121 : memref<1000000x128xf32, #tpu.memory_space<hbm>>) dst(%arg17 : memref<320x128xf32, #tpu.memory_space<vmem>>)
      %add3A_122 = arith.constant 1 : i32
      %add3A_123 = arith.addi %mul3A_44, %add3A_122 : i32
      %parallel_loop3A_124 = arith.constant 0 : i32
      %parallel_loop3A_125 = arith.constant 16 : i32
      %parallel_loop3A_126 = arith.constant 1 : i32
      scf.for %parallel_loop3A_127 = %parallel_loop3A_124 to %parallel_loop3A_125 step %parallel_loop3A_126  : i32 {
        %parallel_loop3A_128 = arith.index_cast %parallel_loop3A_127 : i32 to index
        %parallel_loop3A_129 = arith.constant 0 : index
        %parallel_loop3A_130 = tpu.vector_load %arg13[%parallel_loop3A_128, %parallel_loop3A_129] {strides = array<i32>} : memref<16x128xf32, #tpu.memory_space<vmem>>, vector<16xf32>,
        %parallel_loop3A_131 = arith.index_cast %parallel_loop3A_127 : i32 to index
        %parallel_loop3A_132 = arith.constant 16 : index
        %parallel_loop3A_133 = tpu.vector_load %arg13[%parallel_loop3A_131, %parallel_loop3A_132] {strides = array<i32>} : memref<16x128xf32, #tpu.memory_space<vmem>>, vector<16xf32>,
        %parallel_loop3A_134 = arith.index_cast %parallel_loop3A_127 : i32 to index
        %parallel_loop3A_135 = arith.constant 32 : index
        %parallel_loop3A_136 = tpu.vector_load %arg13[%parallel_loop3A_134, %parallel_loop3A_135] {strides = array<i32>} : memref<16x128xf32, #tpu.memory_space<vmem>>, vector<16xf32>,
        %parallel_loop3A_137 = arith.index_cast %parallel_loop3A_127 : i32 to index
        %parallel_loop3A_138 = arith.constant 48 : index
        %parallel_loop3A_139 = tpu.vector_load %arg13[%parallel_loop3A_137, %parallel_loop3A_138] {strides = array<i32>} : memref<16x128xf32, #tpu.memory_space<vmem>>, vector<16xf32>,
        %parallel_loop3A_140 = arith.index_cast %parallel_loop3A_127 : i32 to index
        %parallel_loop3A_141 = arith.constant 0 : index
        %parallel_loop3A_142 = tpu.vector_load %arg15[%parallel_loop3A_140, %parallel_loop3A_141] {strides = array<i32>} : memref<16x128xf32, #tpu.memory_space<vmem>>, vector<16xf32>,
        %parallel_loop3A_143 = arith.index_cast %parallel_loop3A_127 : i32 to index
        %parallel_loop3A_144 = arith.constant 16 : index
        %parallel_loop3A_145 = tpu.vector_load %arg15[%parallel_loop3A_143, %parallel_loop3A_144] {strides = array<i32>} : memref<16x128xf32, #tpu.memory_space<vmem>>, vector<16xf32>,
        %parallel_loop3A_146 = arith.index_cast %parallel_loop3A_127 : i32 to index
        %parallel_loop3A_147 = arith.constant 32 : index
        %parallel_loop3A_148 = tpu.vector_load %arg15[%parallel_loop3A_146, %parallel_loop3A_147] {strides = array<i32>} : memref<16x128xf32, #tpu.memory_space<vmem>>, vector<16xf32>,
        %parallel_loop3A_149 = arith.index_cast %parallel_loop3A_127 : i32 to index
        %parallel_loop3A_150 = arith.constant 48 : index
        %parallel_loop3A_151 = tpu.vector_load %arg15[%parallel_loop3A_149, %parallel_loop3A_150] {strides = array<i32>} : memref<16x128xf32, #tpu.memory_space<vmem>>, vector<16xf32>,
        %parallel_loop3A_152 = arith.mulf %parallel_loop3A_130, %parallel_loop3A_142 : vector<16xf32>
        %parallel_loop3A_153 = arith.mulf %parallel_loop3A_133, %parallel_loop3A_145 : vector<16xf32>
        %parallel_loop3A_154 = arith.addf %parallel_loop3A_152, %parallel_loop3A_153 : vector<16xf32>
        %parallel_loop3A_155 = arith.mulf %parallel_loop3A_136, %parallel_loop3A_148 : vector<16xf32>
        %parallel_loop3A_156 = arith.mulf %parallel_loop3A_139, %parallel_loop3A_151 : vector<16xf32>
        %parallel_loop3A_157 = arith.addf %parallel_loop3A_155, %parallel_loop3A_156 : vector<16xf32>
        %parallel_loop3A_158 = arith.addf %parallel_loop3A_154, %parallel_loop3A_157 : vector<16xf32>
        %parallel_loop3A_159 = arith.constant true
        %parallel_loop3A_160 = vector.broadcast %parallel_loop3A_159 : i1 to vector<16xi1>
        %parallel_loop3A_161 = tpu.scan <sum>, %parallel_loop3A_158 masked %parallel_loop3A_160 : vector<16xf32>, vector<16xi1> -> vector<16xf32>
        %parallel_loop3A_162 = arith.constant 16 : i32
        %parallel_loop3A_163 = arith.muli %add3A_123, %parallel_loop3A_162 : i32
        %parallel_loop3A_164 = arith.addi %parallel_loop3A_163, %parallel_loop3A_127 : i32
        %parallel_loop3A_165 = vector.broadcast %parallel_loop3A_164 : i32 to vector<16xi32>
        tpu.vector_store_idx %arg18[%parallel_loop3A_165], %parallel_loop3A_161 masked %eq3A_4 : memref<512xf32, #tpu.memory_space<vmem>>[vector<16xi32>], vector<16xf32>, vector<16xi1>
        %parallel_loop3A_166 = arith.constant 20 : i32
        %parallel_loop3A_167 = arith.muli %parallel_loop3A_127, %parallel_loop3A_166 : i32
        %parallel_loop3A_168 = arith.constant 0 : i32
        %parallel_loop3A_169 = arith.addi %parallel_loop3A_167, %parallel_loop3A_168 : i32
        %parallel_loop3A_170 = arith.index_cast %parallel_loop3A_169 : i32 to index
        %parallel_loop3A_171 = arith.constant 0 : index
        %parallel_loop3A_172 = tpu.vector_load %arg17[%parallel_loop3A_170, %parallel_loop3A_171] {strides = array<i32>} : memref<320x128xf32, #tpu.memory_space<vmem>>, vector<16xf32>,
        %parallel_loop3A_173 = arith.constant 20 : i32
        %parallel_loop3A_174 = arith.muli %parallel_loop3A_127, %parallel_loop3A_173 : i32
        %parallel_loop3A_175 = arith.constant 0 : i32
        %parallel_loop3A_176 = arith.addi %parallel_loop3A_174, %parallel_loop3A_175 : i32
        %parallel_loop3A_177 = arith.index_cast %parallel_loop3A_176 : i32 to index
        %parallel_loop3A_178 = arith.constant 16 : index
        %parallel_loop3A_179 = tpu.vector_load %arg17[%parallel_loop3A_177, %parallel_loop3A_178] {strides = array<i32>} : memref<320x128xf32, #tpu.memory_space<vmem>>, vector<16xf32>,
        %parallel_loop3A_180 = arith.constant 20 : i32
        %parallel_loop3A_181 = arith.muli %parallel_loop3A_127, %parallel_loop3A_180 : i32
        %parallel_loop3A_182 = arith.constant 0 : i32
        %parallel_loop3A_183 = arith.addi %parallel_loop3A_181, %parallel_loop3A_182 : i32
        %parallel_loop3A_184 = arith.index_cast %parallel_loop3A_183 : i32 to index
        %parallel_loop3A_185 = arith.constant 32 : index
        %parallel_loop3A_186 = tpu.vector_load %arg17[%parallel_loop3A_184, %parallel_loop3A_185] {strides = array<i32>} : memref<320x128xf32, #tpu.memory_space<vmem>>, vector<16xf32>,
        %parallel_loop3A_187 = arith.constant 20 : i32
        %parallel_loop3A_188 = arith.muli %parallel_loop3A_127, %parallel_loop3A_187 : i32
        %parallel_loop3A_189 = arith.constant 0 : i32
        %parallel_loop3A_190 = arith.addi %parallel_loop3A_188, %parallel_loop3A_189 : i32
        %parallel_loop3A_191 = arith.index_cast %parallel_loop3A_190 : i32 to index
        %parallel_loop3A_192 = arith.constant 48 : index
        %parallel_loop3A_193 = tpu.vector_load %arg17[%parallel_loop3A_191, %parallel_loop3A_192] {strides = array<i32>} : memref<320x128xf32, #tpu.memory_space<vmem>>, vector<16xf32>,
        %parallel_loop3A_194 = arith.mulf %parallel_loop3A_130, %parallel_loop3A_172 : vector<16xf32>
        %parallel_loop3A_195 = arith.mulf %parallel_loop3A_133, %parallel_loop3A_179 : vector<16xf32>
        %parallel_loop3A_196 = arith.addf %parallel_loop3A_194, %parallel_loop3A_195 : vector<16xf32>
        %parallel_loop3A_197 = arith.mulf %parallel_loop3A_136, %parallel_loop3A_186 : vector<16xf32>
        %parallel_loop3A_198 = arith.mulf %parallel_loop3A_139, %parallel_loop3A_193 : vector<16xf32>
        %parallel_loop3A_199 = arith.addf %parallel_loop3A_197, %parallel_loop3A_198 : vector<16xf32>
        %parallel_loop3A_200 = arith.addf %parallel_loop3A_196, %parallel_loop3A_199 : vector<16xf32>
        %parallel_loop3A_201 = arith.constant true
        %parallel_loop3A_202 = vector.broadcast %parallel_loop3A_201 : i1 to vector<16xi1>
        %parallel_loop3A_203 = tpu.scan <sum>, %parallel_loop3A_200 masked %parallel_loop3A_202 : vector<16xf32>, vector<16xi1> -> vector<16xf32>
        %parallel_loop3A_204 = arith.constant 20 : i32
        %parallel_loop3A_205 = arith.muli %parallel_loop3A_164, %parallel_loop3A_204 : i32
        %parallel_loop3A_206 = arith.constant 0 : i32
        %parallel_loop3A_207 = arith.addi %parallel_loop3A_205, %parallel_loop3A_206 : i32
        %parallel_loop3A_208 = vector.broadcast %parallel_loop3A_207 : i32 to vector<16xi32>
        tpu.vector_store_idx %arg19[%parallel_loop3A_208], %parallel_loop3A_203 masked %eq3A_4 : memref<10240xf32, #tpu.memory_space<vmem>>[vector<16xi32>], vector<16xf32>, vector<16xi1>
        %parallel_loop3A_209 = arith.constant 20 : i32
        %parallel_loop3A_210 = arith.muli %parallel_loop3A_127, %parallel_loop3A_209 : i32
        %parallel_loop3A_211 = arith.constant 1 : i32
        %parallel_loop3A_212 = arith.addi %parallel_loop3A_210, %parallel_loop3A_211 : i32
        %parallel_loop3A_213 = arith.index_cast %parallel_loop3A_212 : i32 to index
        %parallel_loop3A_214 = arith.constant 0 : index
        %parallel_loop3A_215 = tpu.vector_load %arg17[%parallel_loop3A_213, %parallel_loop3A_214] {strides = array<i32>} : memref<320x128xf32, #tpu.memory_space<vmem>>, vector<16xf32>,
        %parallel_loop3A_216 = arith.constant 20 : i32
        %parallel_loop3A_217 = arith.muli %parallel_loop3A_127, %parallel_loop3A_216 : i32
        %parallel_loop3A_218 = arith.constant 1 : i32
        %parallel_loop3A_219 = arith.addi %parallel_loop3A_217, %parallel_loop3A_218 : i32
        %parallel_loop3A_220 = arith.index_cast %parallel_loop3A_219 : i32 to index
        %parallel_loop3A_221 = arith.constant 16 : index
        %parallel_loop3A_222 = tpu.vector_load %arg17[%parallel_loop3A_220, %parallel_loop3A_221] {strides = array<i32>} : memref<320x128xf32, #tpu.memory_space<vmem>>, vector<16xf32>,
        %parallel_loop3A_223 = arith.constant 20 : i32
        %parallel_loop3A_224 = arith.muli %parallel_loop3A_127, %parallel_loop3A_223 : i32
        %parallel_loop3A_225 = arith.constant 1 : i32
        %parallel_loop3A_226 = arith.addi %parallel_loop3A_224, %parallel_loop3A_225 : i32
        %parallel_loop3A_227 = arith.index_cast %parallel_loop3A_226 : i32 to index
        %parallel_loop3A_228 = arith.constant 32 : index
        %parallel_loop3A_229 = tpu.vector_load %arg17[%parallel_loop3A_227, %parallel_loop3A_228] {strides = array<i32>} : memref<320x128xf32, #tpu.memory_space<vmem>>, vector<16xf32>,
        %parallel_loop3A_230 = arith.constant 20 : i32
        %parallel_loop3A_231 = arith.muli %parallel_loop3A_127, %parallel_loop3A_230 : i32
        %parallel_loop3A_232 = arith.constant 1 : i32
        %parallel_loop3A_233 = arith.addi %parallel_loop3A_231, %parallel_loop3A_232 : i32
        %parallel_loop3A_234 = arith.index_cast %parallel_loop3A_233 : i32 to index
        %parallel_loop3A_235 = arith.constant 48 : index
        %parallel_loop3A_236 = tpu.vector_load %arg17[%parallel_loop3A_234, %parallel_loop3A_235] {strides = array<i32>} : memref<320x128xf32, #tpu.memory_space<vmem>>, vector<16xf32>,
        %parallel_loop3A_237 = arith.mulf %parallel_loop3A_130, %parallel_loop3A_215 : vector<16xf32>
        %parallel_loop3A_238 = arith.mulf %parallel_loop3A_133, %parallel_loop3A_222 : vector<16xf32>
        %parallel_loop3A_239 = arith.addf %parallel_loop3A_237, %parallel_loop3A_238 : vector<16xf32>
        %parallel_loop3A_240 = arith.mulf %parallel_loop3A_136, %parallel_loop3A_229 : vector<16xf32>
        %parallel_loop3A_241 = arith.mulf %parallel_loop3A_139, %parallel_loop3A_236 : vector<16xf32>
        %parallel_loop3A_242 = arith.addf %parallel_loop3A_240, %parallel_loop3A_241 : vector<16xf32>
        %parallel_loop3A_243 = arith.addf %parallel_loop3A_239, %parallel_loop3A_242 : vector<16xf32>
        %parallel_loop3A_244 = arith.constant true
        %parallel_loop3A_245 = vector.broadcast %parallel_loop3A_244 : i1 to vector<16xi1>
        %parallel_loop3A_246 = tpu.scan <sum>, %parallel_loop3A_243 masked %parallel_loop3A_245 : vector<16xf32>, vector<16xi1> -> vector<16xf32>
        %parallel_loop3A_247 = arith.constant 20 : i32
        %parallel_loop3A_248 = arith.muli %parallel_loop3A_164, %parallel_loop3A_247 : i32
        %parallel_loop3A_249 = arith.constant 1 : i32
        %parallel_loop3A_250 = arith.addi %parallel_loop3A_248, %parallel_loop3A_249 : i32
        %parallel_loop3A_251 = vector.broadcast %parallel_loop3A_250 : i32 to vector<16xi32>
        tpu.vector_store_idx %arg19[%parallel_loop3A_251], %parallel_loop3A_246 masked %eq3A_4 : memref<10240xf32, #tpu.memory_space<vmem>>[vector<16xi32>], vector<16xf32>, vector<16xi1>
        %parallel_loop3A_252 = arith.constant 20 : i32
        %parallel_loop3A_253 = arith.muli %parallel_loop3A_127, %parallel_loop3A_252 : i32
        %parallel_loop3A_254 = arith.constant 2 : i32
        %parallel_loop3A_255 = arith.addi %parallel_loop3A_253, %parallel_loop3A_254 : i32
        %parallel_loop3A_256 = arith.index_cast %parallel_loop3A_255 : i32 to index
        %parallel_loop3A_257 = arith.constant 0 : index
        %parallel_loop3A_258 = tpu.vector_load %arg17[%parallel_loop3A_256, %parallel_loop3A_257] {strides = array<i32>} : memref<320x128xf32, #tpu.memory_space<vmem>>, vector<16xf32>,
        %parallel_loop3A_259 = arith.constant 20 : i32
        %parallel_loop3A_260 = arith.muli %parallel_loop3A_127, %parallel_loop3A_259 : i32
        %parallel_loop3A_261 = arith.constant 2 : i32
        %parallel_loop3A_262 = arith.addi %parallel_loop3A_260, %parallel_loop3A_261 : i32
        %parallel_loop3A_263 = arith.index_cast %parallel_loop3A_262 : i32 to index
        %parallel_loop3A_264 = arith.constant 16 : index
        %parallel_loop3A_265 = tpu.vector_load %arg17[%parallel_loop3A_263, %parallel_loop3A_264] {strides = array<i32>} : memref<320x128xf32, #tpu.memory_space<vmem>>, vector<16xf32>,
        %parallel_loop3A_266 = arith.constant 20 : i32
        %parallel_loop3A_267 = arith.muli %parallel_loop3A_127, %parallel_loop3A_266 : i32
        %parallel_loop3A_268 = arith.constant 2 : i32
        %parallel_loop3A_269 = arith.addi %parallel_loop3A_267, %parallel_loop3A_268 : i32
        %parallel_loop3A_270 = arith.index_cast %parallel_loop3A_269 : i32 to index
        %parallel_loop3A_271 = arith.constant 32 : index
        %parallel_loop3A_272 = tpu.vector_load %arg17[%parallel_loop3A_270, %parallel_loop3A_271] {strides = array<i32>} : memref<320x128xf32, #tpu.memory_space<vmem>>, vector<16xf32>,
        %parallel_loop3A_273 = arith.constant 20 : i32
        %parallel_loop3A_274 = arith.muli %parallel_loop3A_127, %parallel_loop3A_273 : i32
        %parallel_loop3A_275 = arith.constant 2 : i32
        %parallel_loop3A_276 = arith.addi %parallel_loop3A_274, %parallel_loop3A_275 : i32
        %parallel_loop3A_277 = arith.index_cast %parallel_loop3A_276 : i32 to index
        %parallel_loop3A_278 = arith.constant 48 : index
        %parallel_loop3A_279 = tpu.vector_load %arg17[%parallel_loop3A_277, %parallel_loop3A_278] {strides = array<i32>} : memref<320x128xf32, #tpu.memory_space<vmem>>, vector<16xf32>,
        %parallel_loop3A_280 = arith.mulf %parallel_loop3A_130, %parallel_loop3A_258 : vector<16xf32>
        %parallel_loop3A_281 = arith.mulf %parallel_loop3A_133, %parallel_loop3A_265 : vector<16xf32>
        %parallel_loop3A_282 = arith.addf %parallel_loop3A_280, %parallel_loop3A_281 : vector<16xf32>
        %parallel_loop3A_283 = arith.mulf %parallel_loop3A_136, %parallel_loop3A_272 : vector<16xf32>
        %parallel_loop3A_284 = arith.mulf %parallel_loop3A_139, %parallel_loop3A_279 : vector<16xf32>
        %parallel_loop3A_285 = arith.addf %parallel_loop3A_283, %parallel_loop3A_284 : vector<16xf32>
        %parallel_loop3A_286 = arith.addf %parallel_loop3A_282, %parallel_loop3A_285 : vector<16xf32>
        %parallel_loop3A_287 = arith.constant true
        %parallel_loop3A_288 = vector.broadcast %parallel_loop3A_287 : i1 to vector<16xi1>
        %parallel_loop3A_289 = tpu.scan <sum>, %parallel_loop3A_286 masked %parallel_loop3A_288 : vector<16xf32>, vector<16xi1> -> vector<16xf32>
        %parallel_loop3A_290 = arith.constant 20 : i32
        %parallel_loop3A_291 = arith.muli %parallel_loop3A_164, %parallel_loop3A_290 : i32
        %parallel_loop3A_292 = arith.constant 2 : i32
        %parallel_loop3A_293 = arith.addi %parallel_loop3A_291, %parallel_loop3A_292 : i32
        %parallel_loop3A_294 = vector.broadcast %parallel_loop3A_293 : i32 to vector<16xi32>
        tpu.vector_store_idx %arg19[%parallel_loop3A_294], %parallel_loop3A_289 masked %eq3A_4 : memref<10240xf32, #tpu.memory_space<vmem>>[vector<16xi32>], vector<16xf32>, vector<16xi1>
        %parallel_loop3A_295 = arith.constant 20 : i32
        %parallel_loop3A_296 = arith.muli %parallel_loop3A_127, %parallel_loop3A_295 : i32
        %parallel_loop3A_297 = arith.constant 3 : i32
        %parallel_loop3A_298 = arith.addi %parallel_loop3A_296, %parallel_loop3A_297 : i32
        %parallel_loop3A_299 = arith.index_cast %parallel_loop3A_298 : i32 to index
        %parallel_loop3A_300 = arith.constant 0 : index
        %parallel_loop3A_301 = tpu.vector_load %arg17[%parallel_loop3A_299, %parallel_loop3A_300] {strides = array<i32>} : memref<320x128xf32, #tpu.memory_space<vmem>>, vector<16xf32>,
        %parallel_loop3A_302 = arith.constant 20 : i32
        %parallel_loop3A_303 = arith.muli %parallel_loop3A_127, %parallel_loop3A_302 : i32
        %parallel_loop3A_304 = arith.constant 3 : i32
        %parallel_loop3A_305 = arith.addi %parallel_loop3A_303, %parallel_loop3A_304 : i32
        %parallel_loop3A_306 = arith.index_cast %parallel_loop3A_305 : i32 to index
        %parallel_loop3A_307 = arith.constant 16 : index
        %parallel_loop3A_308 = tpu.vector_load %arg17[%parallel_loop3A_306, %parallel_loop3A_307] {strides = array<i32>} : memref<320x128xf32, #tpu.memory_space<vmem>>, vector<16xf32>,
        %parallel_loop3A_309 = arith.constant 20 : i32
        %parallel_loop3A_310 = arith.muli %parallel_loop3A_127, %parallel_loop3A_309 : i32
        %parallel_loop3A_311 = arith.constant 3 : i32
        %parallel_loop3A_312 = arith.addi %parallel_loop3A_310, %parallel_loop3A_311 : i32
        %parallel_loop3A_313 = arith.index_cast %parallel_loop3A_312 : i32 to index
        %parallel_loop3A_314 = arith.constant 32 : index
        %parallel_loop3A_315 = tpu.vector_load %arg17[%parallel_loop3A_313, %parallel_loop3A_314] {strides = array<i32>} : memref<320x128xf32, #tpu.memory_space<vmem>>, vector<16xf32>,
        %parallel_loop3A_316 = arith.constant 20 : i32
        %parallel_loop3A_317 = arith.muli %parallel_loop3A_127, %parallel_loop3A_316 : i32
        %parallel_loop3A_318 = arith.constant 3 : i32
        %parallel_loop3A_319 = arith.addi %parallel_loop3A_317, %parallel_loop3A_318 : i32
        %parallel_loop3A_320 = arith.index_cast %parallel_loop3A_319 : i32 to index
        %parallel_loop3A_321 = arith.constant 48 : index
        %parallel_loop3A_322 = tpu.vector_load %arg17[%parallel_loop3A_320, %parallel_loop3A_321] {strides = array<i32>} : memref<320x128xf32, #tpu.memory_space<vmem>>, vector<16xf32>,
        %parallel_loop3A_323 = arith.mulf %parallel_loop3A_130, %parallel_loop3A_301 : vector<16xf32>
        %parallel_loop3A_324 = arith.mulf %parallel_loop3A_133, %parallel_loop3A_308 : vector<16xf32>
        %parallel_loop3A_325 = arith.addf %parallel_loop3A_323, %parallel_loop3A_324 : vector<16xf32>
        %parallel_loop3A_326 = arith.mulf %parallel_loop3A_136, %parallel_loop3A_315 : vector<16xf32>
        %parallel_loop3A_327 = arith.mulf %parallel_loop3A_139, %parallel_loop3A_322 : vector<16xf32>
        %parallel_loop3A_328 = arith.addf %parallel_loop3A_326, %parallel_loop3A_327 : vector<16xf32>
        %parallel_loop3A_329 = arith.addf %parallel_loop3A_325, %parallel_loop3A_328 : vector<16xf32>
        %parallel_loop3A_330 = arith.constant true
        %parallel_loop3A_331 = vector.broadcast %parallel_loop3A_330 : i1 to vector<16xi1>
        %parallel_loop3A_332 = tpu.scan <sum>, %parallel_loop3A_329 masked %parallel_loop3A_331 : vector<16xf32>, vector<16xi1> -> vector<16xf32>
        %parallel_loop3A_333 = arith.constant 20 : i32
        %parallel_loop3A_334 = arith.muli %parallel_loop3A_164, %parallel_loop3A_333 : i32
        %parallel_loop3A_335 = arith.constant 3 : i32
        %parallel_loop3A_336 = arith.addi %parallel_loop3A_334, %parallel_loop3A_335 : i32
        %parallel_loop3A_337 = vector.broadcast %parallel_loop3A_336 : i32 to vector<16xi32>
        tpu.vector_store_idx %arg19[%parallel_loop3A_337], %parallel_loop3A_332 masked %eq3A_4 : memref<10240xf32, #tpu.memory_space<vmem>>[vector<16xi32>], vector<16xf32>, vector<16xi1>
        %parallel_loop3A_338 = arith.constant 20 : i32
        %parallel_loop3A_339 = arith.muli %parallel_loop3A_127, %parallel_loop3A_338 : i32
        %parallel_loop3A_340 = arith.constant 4 : i32
        %parallel_loop3A_341 = arith.addi %parallel_loop3A_339, %parallel_loop3A_340 : i32
        %parallel_loop3A_342 = arith.index_cast %parallel_loop3A_341 : i32 to index
        %parallel_loop3A_343 = arith.constant 0 : index
        %parallel_loop3A_344 = tpu.vector_load %arg17[%parallel_loop3A_342, %parallel_loop3A_343] {strides = array<i32>} : memref<320x128xf32, #tpu.memory_space<vmem>>, vector<16xf32>,
        %parallel_loop3A_345 = arith.constant 20 : i32
        %parallel_loop3A_346 = arith.muli %parallel_loop3A_127, %parallel_loop3A_345 : i32
        %parallel_loop3A_347 = arith.constant 4 : i32
        %parallel_loop3A_348 = arith.addi %parallel_loop3A_346, %parallel_loop3A_347 : i32
        %parallel_loop3A_349 = arith.index_cast %parallel_loop3A_348 : i32 to index
        %parallel_loop3A_350 = arith.constant 16 : index
        %parallel_loop3A_351 = tpu.vector_load %arg17[%parallel_loop3A_349, %parallel_loop3A_350] {strides = array<i32>} : memref<320x128xf32, #tpu.memory_space<vmem>>, vector<16xf32>,
        %parallel_loop3A_352 = arith.constant 20 : i32
        %parallel_loop3A_353 = arith.muli %parallel_loop3A_127, %parallel_loop3A_352 : i32
        %parallel_loop3A_354 = arith.constant 4 : i32
        %parallel_loop3A_355 = arith.addi %parallel_loop3A_353, %parallel_loop3A_354 : i32
        %parallel_loop3A_356 = arith.index_cast %parallel_loop3A_355 : i32 to index
        %parallel_loop3A_357 = arith.constant 32 : index
        %parallel_loop3A_358 = tpu.vector_load %arg17[%parallel_loop3A_356, %parallel_loop3A_357] {strides = array<i32>} : memref<320x128xf32, #tpu.memory_space<vmem>>, vector<16xf32>,
        %parallel_loop3A_359 = arith.constant 20 : i32
        %parallel_loop3A_360 = arith.muli %parallel_loop3A_127, %parallel_loop3A_359 : i32
        %parallel_loop3A_361 = arith.constant 4 : i32
        %parallel_loop3A_362 = arith.addi %parallel_loop3A_360, %parallel_loop3A_361 : i32
        %parallel_loop3A_363 = arith.index_cast %parallel_loop3A_362 : i32 to index
        %parallel_loop3A_364 = arith.constant 48 : index
        %parallel_loop3A_365 = tpu.vector_load %arg17[%parallel_loop3A_363, %parallel_loop3A_364] {strides = array<i32>} : memref<320x128xf32, #tpu.memory_space<vmem>>, vector<16xf32>,
        %parallel_loop3A_366 = arith.mulf %parallel_loop3A_130, %parallel_loop3A_344 : vector<16xf32>
        %parallel_loop3A_367 = arith.mulf %parallel_loop3A_133, %parallel_loop3A_351 : vector<16xf32>
        %parallel_loop3A_368 = arith.addf %parallel_loop3A_366, %parallel_loop3A_367 : vector<16xf32>
        %parallel_loop3A_369 = arith.mulf %parallel_loop3A_136, %parallel_loop3A_358 : vector<16xf32>
        %parallel_loop3A_370 = arith.mulf %parallel_loop3A_139, %parallel_loop3A_365 : vector<16xf32>
        %parallel_loop3A_371 = arith.addf %parallel_loop3A_369, %parallel_loop3A_370 : vector<16xf32>
        %parallel_loop3A_372 = arith.addf %parallel_loop3A_368, %parallel_loop3A_371 : vector<16xf32>
        %parallel_loop3A_373 = arith.constant true
        %parallel_loop3A_374 = vector.broadcast %parallel_loop3A_373 : i1 to vector<16xi1>
        %parallel_loop3A_375 = tpu.scan <sum>, %parallel_loop3A_372 masked %parallel_loop3A_374 : vector<16xf32>, vector<16xi1> -> vector<16xf32>
        %parallel_loop3A_376 = arith.constant 20 : i32
        %parallel_loop3A_377 = arith.muli %parallel_loop3A_164, %parallel_loop3A_376 : i32
        %parallel_loop3A_378 = arith.constant 4 : i32
        %parallel_loop3A_379 = arith.addi %parallel_loop3A_377, %parallel_loop3A_378 : i32
        %parallel_loop3A_380 = vector.broadcast %parallel_loop3A_379 : i32 to vector<16xi32>
        tpu.vector_store_idx %arg19[%parallel_loop3A_380], %parallel_loop3A_375 masked %eq3A_4 : memref<10240xf32, #tpu.memory_space<vmem>>[vector<16xi32>], vector<16xf32>, vector<16xi1>
        %parallel_loop3A_381 = arith.constant 20 : i32
        %parallel_loop3A_382 = arith.muli %parallel_loop3A_127, %parallel_loop3A_381 : i32
        %parallel_loop3A_383 = arith.constant 5 : i32
        %parallel_loop3A_384 = arith.addi %parallel_loop3A_382, %parallel_loop3A_383 : i32
        %parallel_loop3A_385 = arith.index_cast %parallel_loop3A_384 : i32 to index
        %parallel_loop3A_386 = arith.constant 0 : index
        %parallel_loop3A_387 = tpu.vector_load %arg17[%parallel_loop3A_385, %parallel_loop3A_386] {strides = array<i32>} : memref<320x128xf32, #tpu.memory_space<vmem>>, vector<16xf32>,
        %parallel_loop3A_388 = arith.constant 20 : i32
        %parallel_loop3A_389 = arith.muli %parallel_loop3A_127, %parallel_loop3A_388 : i32
        %parallel_loop3A_390 = arith.constant 5 : i32
        %parallel_loop3A_391 = arith.addi %parallel_loop3A_389, %parallel_loop3A_390 : i32
        %parallel_loop3A_392 = arith.index_cast %parallel_loop3A_391 : i32 to index
        %parallel_loop3A_393 = arith.constant 16 : index
        %parallel_loop3A_394 = tpu.vector_load %arg17[%parallel_loop3A_392, %parallel_loop3A_393] {strides = array<i32>} : memref<320x128xf32, #tpu.memory_space<vmem>>, vector<16xf32>,
        %parallel_loop3A_395 = arith.constant 20 : i32
        %parallel_loop3A_396 = arith.muli %parallel_loop3A_127, %parallel_loop3A_395 : i32
        %parallel_loop3A_397 = arith.constant 5 : i32
        %parallel_loop3A_398 = arith.addi %parallel_loop3A_396, %parallel_loop3A_397 : i32
        %parallel_loop3A_399 = arith.index_cast %parallel_loop3A_398 : i32 to index
        %parallel_loop3A_400 = arith.constant 32 : index
        %parallel_loop3A_401 = tpu.vector_load %arg17[%parallel_loop3A_399, %parallel_loop3A_400] {strides = array<i32>} : memref<320x128xf32, #tpu.memory_space<vmem>>, vector<16xf32>,
        %parallel_loop3A_402 = arith.constant 20 : i32
        %parallel_loop3A_403 = arith.muli %parallel_loop3A_127, %parallel_loop3A_402 : i32
        %parallel_loop3A_404 = arith.constant 5 : i32
        %parallel_loop3A_405 = arith.addi %parallel_loop3A_403, %parallel_loop3A_404 : i32
        %parallel_loop3A_406 = arith.index_cast %parallel_loop3A_405 : i32 to index
        %parallel_loop3A_407 = arith.constant 48 : index
        %parallel_loop3A_408 = tpu.vector_load %arg17[%parallel_loop3A_406, %parallel_loop3A_407] {strides = array<i32>} : memref<320x128xf32, #tpu.memory_space<vmem>>, vector<16xf32>,
        %parallel_loop3A_409 = arith.mulf %parallel_loop3A_130, %parallel_loop3A_387 : vector<16xf32>
        %parallel_loop3A_410 = arith.mulf %parallel_loop3A_133, %parallel_loop3A_394 : vector<16xf32>
        %parallel_loop3A_411 = arith.addf %parallel_loop3A_409, %parallel_loop3A_410 : vector<16xf32>
        %parallel_loop3A_412 = arith.mulf %parallel_loop3A_136, %parallel_loop3A_401 : vector<16xf32>
        %parallel_loop3A_413 = arith.mulf %parallel_loop3A_139, %parallel_loop3A_408 : vector<16xf32>
        %parallel_loop3A_414 = arith.addf %parallel_loop3A_412, %parallel_loop3A_413 : vector<16xf32>
        %parallel_loop3A_415 = arith.addf %parallel_loop3A_411, %parallel_loop3A_414 : vector<16xf32>
        %parallel_loop3A_416 = arith.constant true
        %parallel_loop3A_417 = vector.broadcast %parallel_loop3A_416 : i1 to vector<16xi1>
        %parallel_loop3A_418 = tpu.scan <sum>, %parallel_loop3A_415 masked %parallel_loop3A_417 : vector<16xf32>, vector<16xi1> -> vector<16xf32>
        %parallel_loop3A_419 = arith.constant 20 : i32
        %parallel_loop3A_420 = arith.muli %parallel_loop3A_164, %parallel_loop3A_419 : i32
        %parallel_loop3A_421 = arith.constant 5 : i32
        %parallel_loop3A_422 = arith.addi %parallel_loop3A_420, %parallel_loop3A_421 : i32
        %parallel_loop3A_423 = vector.broadcast %parallel_loop3A_422 : i32 to vector<16xi32>
        tpu.vector_store_idx %arg19[%parallel_loop3A_423], %parallel_loop3A_418 masked %eq3A_4 : memref<10240xf32, #tpu.memory_space<vmem>>[vector<16xi32>], vector<16xf32>, vector<16xi1>
        %parallel_loop3A_424 = arith.constant 20 : i32
        %parallel_loop3A_425 = arith.muli %parallel_loop3A_127, %parallel_loop3A_424 : i32
        %parallel_loop3A_426 = arith.constant 6 : i32
        %parallel_loop3A_427 = arith.addi %parallel_loop3A_425, %parallel_loop3A_426 : i32
        %parallel_loop3A_428 = arith.index_cast %parallel_loop3A_427 : i32 to index
        %parallel_loop3A_429 = arith.constant 0 : index
        %parallel_loop3A_430 = tpu.vector_load %arg17[%parallel_loop3A_428, %parallel_loop3A_429] {strides = array<i32>} : memref<320x128xf32, #tpu.memory_space<vmem>>, vector<16xf32>,
        %parallel_loop3A_431 = arith.constant 20 : i32
        %parallel_loop3A_432 = arith.muli %parallel_loop3A_127, %parallel_loop3A_431 : i32
        %parallel_loop3A_433 = arith.constant 6 : i32
        %parallel_loop3A_434 = arith.addi %parallel_loop3A_432, %parallel_loop3A_433 : i32
        %parallel_loop3A_435 = arith.index_cast %parallel_loop3A_434 : i32 to index
        %parallel_loop3A_436 = arith.constant 16 : index
        %parallel_loop3A_437 = tpu.vector_load %arg17[%parallel_loop3A_435, %parallel_loop3A_436] {strides = array<i32>} : memref<320x128xf32, #tpu.memory_space<vmem>>, vector<16xf32>,
        %parallel_loop3A_438 = arith.constant 20 : i32
        %parallel_loop3A_439 = arith.muli %parallel_loop3A_127, %parallel_loop3A_438 : i32
        %parallel_loop3A_440 = arith.constant 6 : i32
        %parallel_loop3A_441 = arith.addi %parallel_loop3A_439, %parallel_loop3A_440 : i32
        %parallel_loop3A_442 = arith.index_cast %parallel_loop3A_441 : i32 to index
        %parallel_loop3A_443 = arith.constant 32 : index
        %parallel_loop3A_444 = tpu.vector_load %arg17[%parallel_loop3A_442, %parallel_loop3A_443] {strides = array<i32>} : memref<320x128xf32, #tpu.memory_space<vmem>>, vector<16xf32>,
        %parallel_loop3A_445 = arith.constant 20 : i32
        %parallel_loop3A_446 = arith.muli %parallel_loop3A_127, %parallel_loop3A_445 : i32
        %parallel_loop3A_447 = arith.constant 6 : i32
        %parallel_loop3A_448 = arith.addi %parallel_loop3A_446, %parallel_loop3A_447 : i32
        %parallel_loop3A_449 = arith.index_cast %parallel_loop3A_448 : i32 to index
        %parallel_loop3A_450 = arith.constant 48 : index
        %parallel_loop3A_451 = tpu.vector_load %arg17[%parallel_loop3A_449, %parallel_loop3A_450] {strides = array<i32>} : memref<320x128xf32, #tpu.memory_space<vmem>>, vector<16xf32>,
        %parallel_loop3A_452 = arith.mulf %parallel_loop3A_130, %parallel_loop3A_430 : vector<16xf32>
        %parallel_loop3A_453 = arith.mulf %parallel_loop3A_133, %parallel_loop3A_437 : vector<16xf32>
        %parallel_loop3A_454 = arith.addf %parallel_loop3A_452, %parallel_loop3A_453 : vector<16xf32>
        %parallel_loop3A_455 = arith.mulf %parallel_loop3A_136, %parallel_loop3A_444 : vector<16xf32>
        %parallel_loop3A_456 = arith.mulf %parallel_loop3A_139, %parallel_loop3A_451 : vector<16xf32>
        %parallel_loop3A_457 = arith.addf %parallel_loop3A_455, %parallel_loop3A_456 : vector<16xf32>
        %parallel_loop3A_458 = arith.addf %parallel_loop3A_454, %parallel_loop3A_457 : vector<16xf32>
        %parallel_loop3A_459 = arith.constant true
        %parallel_loop3A_460 = vector.broadcast %parallel_loop3A_459 : i1 to vector<16xi1>
        %parallel_loop3A_461 = tpu.scan <sum>, %parallel_loop3A_458 masked %parallel_loop3A_460 : vector<16xf32>, vector<16xi1> -> vector<16xf32>
        %parallel_loop3A_462 = arith.constant 20 : i32
        %parallel_loop3A_463 = arith.muli %parallel_loop3A_164, %parallel_loop3A_462 : i32
        %parallel_loop3A_464 = arith.constant 6 : i32
        %parallel_loop3A_465 = arith.addi %parallel_loop3A_463, %parallel_loop3A_464 : i32
        %parallel_loop3A_466 = vector.broadcast %parallel_loop3A_465 : i32 to vector<16xi32>
        tpu.vector_store_idx %arg19[%parallel_loop3A_466], %parallel_loop3A_461 masked %eq3A_4 : memref<10240xf32, #tpu.memory_space<vmem>>[vector<16xi32>], vector<16xf32>, vector<16xi1>
        %parallel_loop3A_467 = arith.constant 20 : i32
        %parallel_loop3A_468 = arith.muli %parallel_loop3A_127, %parallel_loop3A_467 : i32
        %parallel_loop3A_469 = arith.constant 7 : i32
        %parallel_loop3A_470 = arith.addi %parallel_loop3A_468, %parallel_loop3A_469 : i32
        %parallel_loop3A_471 = arith.index_cast %parallel_loop3A_470 : i32 to index
        %parallel_loop3A_472 = arith.constant 0 : index
        %parallel_loop3A_473 = tpu.vector_load %arg17[%parallel_loop3A_471, %parallel_loop3A_472] {strides = array<i32>} : memref<320x128xf32, #tpu.memory_space<vmem>>, vector<16xf32>,
        %parallel_loop3A_474 = arith.constant 20 : i32
        %parallel_loop3A_475 = arith.muli %parallel_loop3A_127, %parallel_loop3A_474 : i32
        %parallel_loop3A_476 = arith.constant 7 : i32
        %parallel_loop3A_477 = arith.addi %parallel_loop3A_475, %parallel_loop3A_476 : i32
        %parallel_loop3A_478 = arith.index_cast %parallel_loop3A_477 : i32 to index
        %parallel_loop3A_479 = arith.constant 16 : index
        %parallel_loop3A_480 = tpu.vector_load %arg17[%parallel_loop3A_478, %parallel_loop3A_479] {strides = array<i32>} : memref<320x128xf32, #tpu.memory_space<vmem>>, vector<16xf32>,
        %parallel_loop3A_481 = arith.constant 20 : i32
        %parallel_loop3A_482 = arith.muli %parallel_loop3A_127, %parallel_loop3A_481 : i32
        %parallel_loop3A_483 = arith.constant 7 : i32
        %parallel_loop3A_484 = arith.addi %parallel_loop3A_482, %parallel_loop3A_483 : i32
        %parallel_loop3A_485 = arith.index_cast %parallel_loop3A_484 : i32 to index
        %parallel_loop3A_486 = arith.constant 32 : index
        %parallel_loop3A_487 = tpu.vector_load %arg17[%parallel_loop3A_485, %parallel_loop3A_486] {strides = array<i32>} : memref<320x128xf32, #tpu.memory_space<vmem>>, vector<16xf32>,
        %parallel_loop3A_488 = arith.constant 20 : i32
        %parallel_loop3A_489 = arith.muli %parallel_loop3A_127, %parallel_loop3A_488 : i32
        %parallel_loop3A_490 = arith.constant 7 : i32
        %parallel_loop3A_491 = arith.addi %parallel_loop3A_489, %parallel_loop3A_490 : i32
        %parallel_loop3A_492 = arith.index_cast %parallel_loop3A_491 : i32 to index
        %parallel_loop3A_493 = arith.constant 48 : index
        %parallel_loop3A_494 = tpu.vector_load %arg17[%parallel_loop3A_492, %parallel_loop3A_493] {strides = array<i32>} : memref<320x128xf32, #tpu.memory_space<vmem>>, vector<16xf32>,
        %parallel_loop3A_495 = arith.mulf %parallel_loop3A_130, %parallel_loop3A_473 : vector<16xf32>
        %parallel_loop3A_496 = arith.mulf %parallel_loop3A_133, %parallel_loop3A_480 : vector<16xf32>
        %parallel_loop3A_497 = arith.addf %parallel_loop3A_495, %parallel_loop3A_496 : vector<16xf32>
        %parallel_loop3A_498 = arith.mulf %parallel_loop3A_136, %parallel_loop3A_487 : vector<16xf32>
        %parallel_loop3A_499 = arith.mulf %parallel_loop3A_139, %parallel_loop3A_494 : vector<16xf32>
        %parallel_loop3A_500 = arith.addf %parallel_loop3A_498, %parallel_loop3A_499 : vector<16xf32>
        %parallel_loop3A_501 = arith.addf %parallel_loop3A_497, %parallel_loop3A_500 : vector<16xf32>
        %parallel_loop3A_502 = arith.constant true
        %parallel_loop3A_503 = vector.broadcast %parallel_loop3A_502 : i1 to vector<16xi1>
        %parallel_loop3A_504 = tpu.scan <sum>, %parallel_loop3A_501 masked %parallel_loop3A_503 : vector<16xf32>, vector<16xi1> -> vector<16xf32>
        %parallel_loop3A_505 = arith.constant 20 : i32
        %parallel_loop3A_506 = arith.muli %parallel_loop3A_164, %parallel_loop3A_505 : i32
        %parallel_loop3A_507 = arith.constant 7 : i32
        %parallel_loop3A_508 = arith.addi %parallel_loop3A_506, %parallel_loop3A_507 : i32
        %parallel_loop3A_509 = vector.broadcast %parallel_loop3A_508 : i32 to vector<16xi32>
        tpu.vector_store_idx %arg19[%parallel_loop3A_509], %parallel_loop3A_504 masked %eq3A_4 : memref<10240xf32, #tpu.memory_space<vmem>>[vector<16xi32>], vector<16xf32>, vector<16xi1>
        %parallel_loop3A_510 = arith.constant 20 : i32
        %parallel_loop3A_511 = arith.muli %parallel_loop3A_127, %parallel_loop3A_510 : i32
        %parallel_loop3A_512 = arith.constant 8 : i32
        %parallel_loop3A_513 = arith.addi %parallel_loop3A_511, %parallel_loop3A_512 : i32
        %parallel_loop3A_514 = arith.index_cast %parallel_loop3A_513 : i32 to index
        %parallel_loop3A_515 = arith.constant 0 : index
        %parallel_loop3A_516 = tpu.vector_load %arg17[%parallel_loop3A_514, %parallel_loop3A_515] {strides = array<i32>} : memref<320x128xf32, #tpu.memory_space<vmem>>, vector<16xf32>,
        %parallel_loop3A_517 = arith.constant 20 : i32
        %parallel_loop3A_518 = arith.muli %parallel_loop3A_127, %parallel_loop3A_517 : i32
        %parallel_loop3A_519 = arith.constant 8 : i32
        %parallel_loop3A_520 = arith.addi %parallel_loop3A_518, %parallel_loop3A_519 : i32
        %parallel_loop3A_521 = arith.index_cast %parallel_loop3A_520 : i32 to index
        %parallel_loop3A_522 = arith.constant 16 : index
        %parallel_loop3A_523 = tpu.vector_load %arg17[%parallel_loop3A_521, %parallel_loop3A_522] {strides = array<i32>} : memref<320x128xf32, #tpu.memory_space<vmem>>, vector<16xf32>,
        %parallel_loop3A_524 = arith.constant 20 : i32
        %parallel_loop3A_525 = arith.muli %parallel_loop3A_127, %parallel_loop3A_524 : i32
        %parallel_loop3A_526 = arith.constant 8 : i32
        %parallel_loop3A_527 = arith.addi %parallel_loop3A_525, %parallel_loop3A_526 : i32
        %parallel_loop3A_528 = arith.index_cast %parallel_loop3A_527 : i32 to index
        %parallel_loop3A_529 = arith.constant 32 : index
        %parallel_loop3A_530 = tpu.vector_load %arg17[%parallel_loop3A_528, %parallel_loop3A_529] {strides = array<i32>} : memref<320x128xf32, #tpu.memory_space<vmem>>, vector<16xf32>,
        %parallel_loop3A_531 = arith.constant 20 : i32
        %parallel_loop3A_532 = arith.muli %parallel_loop3A_127, %parallel_loop3A_531 : i32
        %parallel_loop3A_533 = arith.constant 8 : i32
        %parallel_loop3A_534 = arith.addi %parallel_loop3A_532, %parallel_loop3A_533 : i32
        %parallel_loop3A_535 = arith.index_cast %parallel_loop3A_534 : i32 to index
        %parallel_loop3A_536 = arith.constant 48 : index
        %parallel_loop3A_537 = tpu.vector_load %arg17[%parallel_loop3A_535, %parallel_loop3A_536] {strides = array<i32>} : memref<320x128xf32, #tpu.memory_space<vmem>>, vector<16xf32>,
        %parallel_loop3A_538 = arith.mulf %parallel_loop3A_130, %parallel_loop3A_516 : vector<16xf32>
        %parallel_loop3A_539 = arith.mulf %parallel_loop3A_133, %parallel_loop3A_523 : vector<16xf32>
        %parallel_loop3A_540 = arith.addf %parallel_loop3A_538, %parallel_loop3A_539 : vector<16xf32>
        %parallel_loop3A_541 = arith.mulf %parallel_loop3A_136, %parallel_loop3A_530 : vector<16xf32>
        %parallel_loop3A_542 = arith.mulf %parallel_loop3A_139, %parallel_loop3A_537 : vector<16xf32>
        %parallel_loop3A_543 = arith.addf %parallel_loop3A_541, %parallel_loop3A_542 : vector<16xf32>
        %parallel_loop3A_544 = arith.addf %parallel_loop3A_540, %parallel_loop3A_543 : vector<16xf32>
        %parallel_loop3A_545 = arith.constant true
        %parallel_loop3A_546 = vector.broadcast %parallel_loop3A_545 : i1 to vector<16xi1>
        %parallel_loop3A_547 = tpu.scan <sum>, %parallel_loop3A_544 masked %parallel_loop3A_546 : vector<16xf32>, vector<16xi1> -> vector<16xf32>
        %parallel_loop3A_548 = arith.constant 20 : i32
        %parallel_loop3A_549 = arith.muli %parallel_loop3A_164, %parallel_loop3A_548 : i32
        %parallel_loop3A_550 = arith.constant 8 : i32
        %parallel_loop3A_551 = arith.addi %parallel_loop3A_549, %parallel_loop3A_550 : i32
        %parallel_loop3A_552 = vector.broadcast %parallel_loop3A_551 : i32 to vector<16xi32>
        tpu.vector_store_idx %arg19[%parallel_loop3A_552], %parallel_loop3A_547 masked %eq3A_4 : memref<10240xf32, #tpu.memory_space<vmem>>[vector<16xi32>], vector<16xf32>, vector<16xi1>
        %parallel_loop3A_553 = arith.constant 20 : i32
        %parallel_loop3A_554 = arith.muli %parallel_loop3A_127, %parallel_loop3A_553 : i32
        %parallel_loop3A_555 = arith.constant 9 : i32
        %parallel_loop3A_556 = arith.addi %parallel_loop3A_554, %parallel_loop3A_555 : i32
        %parallel_loop3A_557 = arith.index_cast %parallel_loop3A_556 : i32 to index
        %parallel_loop3A_558 = arith.constant 0 : index
        %parallel_loop3A_559 = tpu.vector_load %arg17[%parallel_loop3A_557, %parallel_loop3A_558] {strides = array<i32>} : memref<320x128xf32, #tpu.memory_space<vmem>>, vector<16xf32>,
        %parallel_loop3A_560 = arith.constant 20 : i32
        %parallel_loop3A_561 = arith.muli %parallel_loop3A_127, %parallel_loop3A_560 : i32
        %parallel_loop3A_562 = arith.constant 9 : i32
        %parallel_loop3A_563 = arith.addi %parallel_loop3A_561, %parallel_loop3A_562 : i32
        %parallel_loop3A_564 = arith.index_cast %parallel_loop3A_563 : i32 to index
        %parallel_loop3A_565 = arith.constant 16 : index
        %parallel_loop3A_566 = tpu.vector_load %arg17[%parallel_loop3A_564, %parallel_loop3A_565] {strides = array<i32>} : memref<320x128xf32, #tpu.memory_space<vmem>>, vector<16xf32>,
        %parallel_loop3A_567 = arith.constant 20 : i32
        %parallel_loop3A_568 = arith.muli %parallel_loop3A_127, %parallel_loop3A_567 : i32
        %parallel_loop3A_569 = arith.constant 9 : i32
        %parallel_loop3A_570 = arith.addi %parallel_loop3A_568, %parallel_loop3A_569 : i32
        %parallel_loop3A_571 = arith.index_cast %parallel_loop3A_570 : i32 to index
        %parallel_loop3A_572 = arith.constant 32 : index
        %parallel_loop3A_573 = tpu.vector_load %arg17[%parallel_loop3A_571, %parallel_loop3A_572] {strides = array<i32>} : memref<320x128xf32, #tpu.memory_space<vmem>>, vector<16xf32>,
        %parallel_loop3A_574 = arith.constant 20 : i32
        %parallel_loop3A_575 = arith.muli %parallel_loop3A_127, %parallel_loop3A_574 : i32
        %parallel_loop3A_576 = arith.constant 9 : i32
        %parallel_loop3A_577 = arith.addi %parallel_loop3A_575, %parallel_loop3A_576 : i32
        %parallel_loop3A_578 = arith.index_cast %parallel_loop3A_577 : i32 to index
        %parallel_loop3A_579 = arith.constant 48 : index
        %parallel_loop3A_580 = tpu.vector_load %arg17[%parallel_loop3A_578, %parallel_loop3A_579] {strides = array<i32>} : memref<320x128xf32, #tpu.memory_space<vmem>>, vector<16xf32>,
        %parallel_loop3A_581 = arith.mulf %parallel_loop3A_130, %parallel_loop3A_559 : vector<16xf32>
        %parallel_loop3A_582 = arith.mulf %parallel_loop3A_133, %parallel_loop3A_566 : vector<16xf32>
        %parallel_loop3A_583 = arith.addf %parallel_loop3A_581, %parallel_loop3A_582 : vector<16xf32>
        %parallel_loop3A_584 = arith.mulf %parallel_loop3A_136, %parallel_loop3A_573 : vector<16xf32>
        %parallel_loop3A_585 = arith.mulf %parallel_loop3A_139, %parallel_loop3A_580 : vector<16xf32>
        %parallel_loop3A_586 = arith.addf %parallel_loop3A_584, %parallel_loop3A_585 : vector<16xf32>
        %parallel_loop3A_587 = arith.addf %parallel_loop3A_583, %parallel_loop3A_586 : vector<16xf32>
        %parallel_loop3A_588 = arith.constant true
        %parallel_loop3A_589 = vector.broadcast %parallel_loop3A_588 : i1 to vector<16xi1>
        %parallel_loop3A_590 = tpu.scan <sum>, %parallel_loop3A_587 masked %parallel_loop3A_589 : vector<16xf32>, vector<16xi1> -> vector<16xf32>
        %parallel_loop3A_591 = arith.constant 20 : i32
        %parallel_loop3A_592 = arith.muli %parallel_loop3A_164, %parallel_loop3A_591 : i32
        %parallel_loop3A_593 = arith.constant 9 : i32
        %parallel_loop3A_594 = arith.addi %parallel_loop3A_592, %parallel_loop3A_593 : i32
        %parallel_loop3A_595 = vector.broadcast %parallel_loop3A_594 : i32 to vector<16xi32>
        tpu.vector_store_idx %arg19[%parallel_loop3A_595], %parallel_loop3A_590 masked %eq3A_4 : memref<10240xf32, #tpu.memory_space<vmem>>[vector<16xi32>], vector<16xf32>, vector<16xi1>
        %parallel_loop3A_596 = arith.constant 20 : i32
        %parallel_loop3A_597 = arith.muli %parallel_loop3A_127, %parallel_loop3A_596 : i32
        %parallel_loop3A_598 = arith.constant 10 : i32
        %parallel_loop3A_599 = arith.addi %parallel_loop3A_597, %parallel_loop3A_598 : i32
        %parallel_loop3A_600 = arith.index_cast %parallel_loop3A_599 : i32 to index
        %parallel_loop3A_601 = arith.constant 0 : index
        %parallel_loop3A_602 = tpu.vector_load %arg17[%parallel_loop3A_600, %parallel_loop3A_601] {strides = array<i32>} : memref<320x128xf32, #tpu.memory_space<vmem>>, vector<16xf32>,
        %parallel_loop3A_603 = arith.constant 20 : i32
        %parallel_loop3A_604 = arith.muli %parallel_loop3A_127, %parallel_loop3A_603 : i32
        %parallel_loop3A_605 = arith.constant 10 : i32
        %parallel_loop3A_606 = arith.addi %parallel_loop3A_604, %parallel_loop3A_605 : i32
        %parallel_loop3A_607 = arith.index_cast %parallel_loop3A_606 : i32 to index
        %parallel_loop3A_608 = arith.constant 16 : index
        %parallel_loop3A_609 = tpu.vector_load %arg17[%parallel_loop3A_607, %parallel_loop3A_608] {strides = array<i32>} : memref<320x128xf32, #tpu.memory_space<vmem>>, vector<16xf32>,
        %parallel_loop3A_610 = arith.constant 20 : i32
        %parallel_loop3A_611 = arith.muli %parallel_loop3A_127, %parallel_loop3A_610 : i32
        %parallel_loop3A_612 = arith.constant 10 : i32
        %parallel_loop3A_613 = arith.addi %parallel_loop3A_611, %parallel_loop3A_612 : i32
        %parallel_loop3A_614 = arith.index_cast %parallel_loop3A_613 : i32 to index
        %parallel_loop3A_615 = arith.constant 32 : index
        %parallel_loop3A_616 = tpu.vector_load %arg17[%parallel_loop3A_614, %parallel_loop3A_615] {strides = array<i32>} : memref<320x128xf32, #tpu.memory_space<vmem>>, vector<16xf32>,
        %parallel_loop3A_617 = arith.constant 20 : i32
        %parallel_loop3A_618 = arith.muli %parallel_loop3A_127, %parallel_loop3A_617 : i32
        %parallel_loop3A_619 = arith.constant 10 : i32
        %parallel_loop3A_620 = arith.addi %parallel_loop3A_618, %parallel_loop3A_619 : i32
        %parallel_loop3A_621 = arith.index_cast %parallel_loop3A_620 : i32 to index
        %parallel_loop3A_622 = arith.constant 48 : index
        %parallel_loop3A_623 = tpu.vector_load %arg17[%parallel_loop3A_621, %parallel_loop3A_622] {strides = array<i32>} : memref<320x128xf32, #tpu.memory_space<vmem>>, vector<16xf32>,
        %parallel_loop3A_624 = arith.mulf %parallel_loop3A_130, %parallel_loop3A_602 : vector<16xf32>
        %parallel_loop3A_625 = arith.mulf %parallel_loop3A_133, %parallel_loop3A_609 : vector<16xf32>
        %parallel_loop3A_626 = arith.addf %parallel_loop3A_624, %parallel_loop3A_625 : vector<16xf32>
        %parallel_loop3A_627 = arith.mulf %parallel_loop3A_136, %parallel_loop3A_616 : vector<16xf32>
        %parallel_loop3A_628 = arith.mulf %parallel_loop3A_139, %parallel_loop3A_623 : vector<16xf32>
        %parallel_loop3A_629 = arith.addf %parallel_loop3A_627, %parallel_loop3A_628 : vector<16xf32>
        %parallel_loop3A_630 = arith.addf %parallel_loop3A_626, %parallel_loop3A_629 : vector<16xf32>
        %parallel_loop3A_631 = arith.constant true
        %parallel_loop3A_632 = vector.broadcast %parallel_loop3A_631 : i1 to vector<16xi1>
        %parallel_loop3A_633 = tpu.scan <sum>, %parallel_loop3A_630 masked %parallel_loop3A_632 : vector<16xf32>, vector<16xi1> -> vector<16xf32>
        %parallel_loop3A_634 = arith.constant 20 : i32
        %parallel_loop3A_635 = arith.muli %parallel_loop3A_164, %parallel_loop3A_634 : i32
        %parallel_loop3A_636 = arith.constant 10 : i32
        %parallel_loop3A_637 = arith.addi %parallel_loop3A_635, %parallel_loop3A_636 : i32
        %parallel_loop3A_638 = vector.broadcast %parallel_loop3A_637 : i32 to vector<16xi32>
        tpu.vector_store_idx %arg19[%parallel_loop3A_638], %parallel_loop3A_633 masked %eq3A_4 : memref<10240xf32, #tpu.memory_space<vmem>>[vector<16xi32>], vector<16xf32>, vector<16xi1>
        %parallel_loop3A_639 = arith.constant 20 : i32
        %parallel_loop3A_640 = arith.muli %parallel_loop3A_127, %parallel_loop3A_639 : i32
        %parallel_loop3A_641 = arith.constant 11 : i32
        %parallel_loop3A_642 = arith.addi %parallel_loop3A_640, %parallel_loop3A_641 : i32
        %parallel_loop3A_643 = arith.index_cast %parallel_loop3A_642 : i32 to index
        %parallel_loop3A_644 = arith.constant 0 : index
        %parallel_loop3A_645 = tpu.vector_load %arg17[%parallel_loop3A_643, %parallel_loop3A_644] {strides = array<i32>} : memref<320x128xf32, #tpu.memory_space<vmem>>, vector<16xf32>,
        %parallel_loop3A_646 = arith.constant 20 : i32
        %parallel_loop3A_647 = arith.muli %parallel_loop3A_127, %parallel_loop3A_646 : i32
        %parallel_loop3A_648 = arith.constant 11 : i32
        %parallel_loop3A_649 = arith.addi %parallel_loop3A_647, %parallel_loop3A_648 : i32
        %parallel_loop3A_650 = arith.index_cast %parallel_loop3A_649 : i32 to index
        %parallel_loop3A_651 = arith.constant 16 : index
        %parallel_loop3A_652 = tpu.vector_load %arg17[%parallel_loop3A_650, %parallel_loop3A_651] {strides = array<i32>} : memref<320x128xf32, #tpu.memory_space<vmem>>, vector<16xf32>,
        %parallel_loop3A_653 = arith.constant 20 : i32
        %parallel_loop3A_654 = arith.muli %parallel_loop3A_127, %parallel_loop3A_653 : i32
        %parallel_loop3A_655 = arith.constant 11 : i32
        %parallel_loop3A_656 = arith.addi %parallel_loop3A_654, %parallel_loop3A_655 : i32
        %parallel_loop3A_657 = arith.index_cast %parallel_loop3A_656 : i32 to index
        %parallel_loop3A_658 = arith.constant 32 : index
        %parallel_loop3A_659 = tpu.vector_load %arg17[%parallel_loop3A_657, %parallel_loop3A_658] {strides = array<i32>} : memref<320x128xf32, #tpu.memory_space<vmem>>, vector<16xf32>,
        %parallel_loop3A_660 = arith.constant 20 : i32
        %parallel_loop3A_661 = arith.muli %parallel_loop3A_127, %parallel_loop3A_660 : i32
        %parallel_loop3A_662 = arith.constant 11 : i32
        %parallel_loop3A_663 = arith.addi %parallel_loop3A_661, %parallel_loop3A_662 : i32
        %parallel_loop3A_664 = arith.index_cast %parallel_loop3A_663 : i32 to index
        %parallel_loop3A_665 = arith.constant 48 : index
        %parallel_loop3A_666 = tpu.vector_load %arg17[%parallel_loop3A_664, %parallel_loop3A_665] {strides = array<i32>} : memref<320x128xf32, #tpu.memory_space<vmem>>, vector<16xf32>,
        %parallel_loop3A_667 = arith.mulf %parallel_loop3A_130, %parallel_loop3A_645 : vector<16xf32>
        %parallel_loop3A_668 = arith.mulf %parallel_loop3A_133, %parallel_loop3A_652 : vector<16xf32>
        %parallel_loop3A_669 = arith.addf %parallel_loop3A_667, %parallel_loop3A_668 : vector<16xf32>
        %parallel_loop3A_670 = arith.mulf %parallel_loop3A_136, %parallel_loop3A_659 : vector<16xf32>
        %parallel_loop3A_671 = arith.mulf %parallel_loop3A_139, %parallel_loop3A_666 : vector<16xf32>
        %parallel_loop3A_672 = arith.addf %parallel_loop3A_670, %parallel_loop3A_671 : vector<16xf32>
        %parallel_loop3A_673 = arith.addf %parallel_loop3A_669, %parallel_loop3A_672 : vector<16xf32>
        %parallel_loop3A_674 = arith.constant true
        %parallel_loop3A_675 = vector.broadcast %parallel_loop3A_674 : i1 to vector<16xi1>
        %parallel_loop3A_676 = tpu.scan <sum>, %parallel_loop3A_673 masked %parallel_loop3A_675 : vector<16xf32>, vector<16xi1> -> vector<16xf32>
        %parallel_loop3A_677 = arith.constant 20 : i32
        %parallel_loop3A_678 = arith.muli %parallel_loop3A_164, %parallel_loop3A_677 : i32
        %parallel_loop3A_679 = arith.constant 11 : i32
        %parallel_loop3A_680 = arith.addi %parallel_loop3A_678, %parallel_loop3A_679 : i32
        %parallel_loop3A_681 = vector.broadcast %parallel_loop3A_680 : i32 to vector<16xi32>
        tpu.vector_store_idx %arg19[%parallel_loop3A_681], %parallel_loop3A_676 masked %eq3A_4 : memref<10240xf32, #tpu.memory_space<vmem>>[vector<16xi32>], vector<16xf32>, vector<16xi1>
        %parallel_loop3A_682 = arith.constant 20 : i32
        %parallel_loop3A_683 = arith.muli %parallel_loop3A_127, %parallel_loop3A_682 : i32
        %parallel_loop3A_684 = arith.constant 12 : i32
        %parallel_loop3A_685 = arith.addi %parallel_loop3A_683, %parallel_loop3A_684 : i32
        %parallel_loop3A_686 = arith.index_cast %parallel_loop3A_685 : i32 to index
        %parallel_loop3A_687 = arith.constant 0 : index
        %parallel_loop3A_688 = tpu.vector_load %arg17[%parallel_loop3A_686, %parallel_loop3A_687] {strides = array<i32>} : memref<320x128xf32, #tpu.memory_space<vmem>>, vector<16xf32>,
        %parallel_loop3A_689 = arith.constant 20 : i32
        %parallel_loop3A_690 = arith.muli %parallel_loop3A_127, %parallel_loop3A_689 : i32
        %parallel_loop3A_691 = arith.constant 12 : i32
        %parallel_loop3A_692 = arith.addi %parallel_loop3A_690, %parallel_loop3A_691 : i32
        %parallel_loop3A_693 = arith.index_cast %parallel_loop3A_692 : i32 to index
        %parallel_loop3A_694 = arith.constant 16 : index
        %parallel_loop3A_695 = tpu.vector_load %arg17[%parallel_loop3A_693, %parallel_loop3A_694] {strides = array<i32>} : memref<320x128xf32, #tpu.memory_space<vmem>>, vector<16xf32>,
        %parallel_loop3A_696 = arith.constant 20 : i32
        %parallel_loop3A_697 = arith.muli %parallel_loop3A_127, %parallel_loop3A_696 : i32
        %parallel_loop3A_698 = arith.constant 12 : i32
        %parallel_loop3A_699 = arith.addi %parallel_loop3A_697, %parallel_loop3A_698 : i32
        %parallel_loop3A_700 = arith.index_cast %parallel_loop3A_699 : i32 to index
        %parallel_loop3A_701 = arith.constant 32 : index
        %parallel_loop3A_702 = tpu.vector_load %arg17[%parallel_loop3A_700, %parallel_loop3A_701] {strides = array<i32>} : memref<320x128xf32, #tpu.memory_space<vmem>>, vector<16xf32>,
        %parallel_loop3A_703 = arith.constant 20 : i32
        %parallel_loop3A_704 = arith.muli %parallel_loop3A_127, %parallel_loop3A_703 : i32
        %parallel_loop3A_705 = arith.constant 12 : i32
        %parallel_loop3A_706 = arith.addi %parallel_loop3A_704, %parallel_loop3A_705 : i32
        %parallel_loop3A_707 = arith.index_cast %parallel_loop3A_706 : i32 to index
        %parallel_loop3A_708 = arith.constant 48 : index
        %parallel_loop3A_709 = tpu.vector_load %arg17[%parallel_loop3A_707, %parallel_loop3A_708] {strides = array<i32>} : memref<320x128xf32, #tpu.memory_space<vmem>>, vector<16xf32>,
        %parallel_loop3A_710 = arith.mulf %parallel_loop3A_130, %parallel_loop3A_688 : vector<16xf32>
        %parallel_loop3A_711 = arith.mulf %parallel_loop3A_133, %parallel_loop3A_695 : vector<16xf32>
        %parallel_loop3A_712 = arith.addf %parallel_loop3A_710, %parallel_loop3A_711 : vector<16xf32>
        %parallel_loop3A_713 = arith.mulf %parallel_loop3A_136, %parallel_loop3A_702 : vector<16xf32>
        %parallel_loop3A_714 = arith.mulf %parallel_loop3A_139, %parallel_loop3A_709 : vector<16xf32>
        %parallel_loop3A_715 = arith.addf %parallel_loop3A_713, %parallel_loop3A_714 : vector<16xf32>
        %parallel_loop3A_716 = arith.addf %parallel_loop3A_712, %parallel_loop3A_715 : vector<16xf32>
        %parallel_loop3A_717 = arith.constant true
        %parallel_loop3A_718 = vector.broadcast %parallel_loop3A_717 : i1 to vector<16xi1>
        %parallel_loop3A_719 = tpu.scan <sum>, %parallel_loop3A_716 masked %parallel_loop3A_718 : vector<16xf32>, vector<16xi1> -> vector<16xf32>
        %parallel_loop3A_720 = arith.constant 20 : i32
        %parallel_loop3A_721 = arith.muli %parallel_loop3A_164, %parallel_loop3A_720 : i32
        %parallel_loop3A_722 = arith.constant 12 : i32
        %parallel_loop3A_723 = arith.addi %parallel_loop3A_721, %parallel_loop3A_722 : i32
        %parallel_loop3A_724 = vector.broadcast %parallel_loop3A_723 : i32 to vector<16xi32>
        tpu.vector_store_idx %arg19[%parallel_loop3A_724], %parallel_loop3A_719 masked %eq3A_4 : memref<10240xf32, #tpu.memory_space<vmem>>[vector<16xi32>], vector<16xf32>, vector<16xi1>
        %parallel_loop3A_725 = arith.constant 20 : i32
        %parallel_loop3A_726 = arith.muli %parallel_loop3A_127, %parallel_loop3A_725 : i32
        %parallel_loop3A_727 = arith.constant 13 : i32
        %parallel_loop3A_728 = arith.addi %parallel_loop3A_726, %parallel_loop3A_727 : i32
        %parallel_loop3A_729 = arith.index_cast %parallel_loop3A_728 : i32 to index
        %parallel_loop3A_730 = arith.constant 0 : index
        %parallel_loop3A_731 = tpu.vector_load %arg17[%parallel_loop3A_729, %parallel_loop3A_730] {strides = array<i32>} : memref<320x128xf32, #tpu.memory_space<vmem>>, vector<16xf32>,
        %parallel_loop3A_732 = arith.constant 20 : i32
        %parallel_loop3A_733 = arith.muli %parallel_loop3A_127, %parallel_loop3A_732 : i32
        %parallel_loop3A_734 = arith.constant 13 : i32
        %parallel_loop3A_735 = arith.addi %parallel_loop3A_733, %parallel_loop3A_734 : i32
        %parallel_loop3A_736 = arith.index_cast %parallel_loop3A_735 : i32 to index
        %parallel_loop3A_737 = arith.constant 16 : index
        %parallel_loop3A_738 = tpu.vector_load %arg17[%parallel_loop3A_736, %parallel_loop3A_737] {strides = array<i32>} : memref<320x128xf32, #tpu.memory_space<vmem>>, vector<16xf32>,
        %parallel_loop3A_739 = arith.constant 20 : i32
        %parallel_loop3A_740 = arith.muli %parallel_loop3A_127, %parallel_loop3A_739 : i32
        %parallel_loop3A_741 = arith.constant 13 : i32
        %parallel_loop3A_742 = arith.addi %parallel_loop3A_740, %parallel_loop3A_741 : i32
        %parallel_loop3A_743 = arith.index_cast %parallel_loop3A_742 : i32 to index
        %parallel_loop3A_744 = arith.constant 32 : index
        %parallel_loop3A_745 = tpu.vector_load %arg17[%parallel_loop3A_743, %parallel_loop3A_744] {strides = array<i32>} : memref<320x128xf32, #tpu.memory_space<vmem>>, vector<16xf32>,
        %parallel_loop3A_746 = arith.constant 20 : i32
        %parallel_loop3A_747 = arith.muli %parallel_loop3A_127, %parallel_loop3A_746 : i32
        %parallel_loop3A_748 = arith.constant 13 : i32
        %parallel_loop3A_749 = arith.addi %parallel_loop3A_747, %parallel_loop3A_748 : i32
        %parallel_loop3A_750 = arith.index_cast %parallel_loop3A_749 : i32 to index
        %parallel_loop3A_751 = arith.constant 48 : index
        %parallel_loop3A_752 = tpu.vector_load %arg17[%parallel_loop3A_750, %parallel_loop3A_751] {strides = array<i32>} : memref<320x128xf32, #tpu.memory_space<vmem>>, vector<16xf32>,
        %parallel_loop3A_753 = arith.mulf %parallel_loop3A_130, %parallel_loop3A_731 : vector<16xf32>
        %parallel_loop3A_754 = arith.mulf %parallel_loop3A_133, %parallel_loop3A_738 : vector<16xf32>
        %parallel_loop3A_755 = arith.addf %parallel_loop3A_753, %parallel_loop3A_754 : vector<16xf32>
        %parallel_loop3A_756 = arith.mulf %parallel_loop3A_136, %parallel_loop3A_745 : vector<16xf32>
        %parallel_loop3A_757 = arith.mulf %parallel_loop3A_139, %parallel_loop3A_752 : vector<16xf32>
        %parallel_loop3A_758 = arith.addf %parallel_loop3A_756, %parallel_loop3A_757 : vector<16xf32>
        %parallel_loop3A_759 = arith.addf %parallel_loop3A_755, %parallel_loop3A_758 : vector<16xf32>
        %parallel_loop3A_760 = arith.constant true
        %parallel_loop3A_761 = vector.broadcast %parallel_loop3A_760 : i1 to vector<16xi1>
        %parallel_loop3A_762 = tpu.scan <sum>, %parallel_loop3A_759 masked %parallel_loop3A_761 : vector<16xf32>, vector<16xi1> -> vector<16xf32>
        %parallel_loop3A_763 = arith.constant 20 : i32
        %parallel_loop3A_764 = arith.muli %parallel_loop3A_164, %parallel_loop3A_763 : i32
        %parallel_loop3A_765 = arith.constant 13 : i32
        %parallel_loop3A_766 = arith.addi %parallel_loop3A_764, %parallel_loop3A_765 : i32
        %parallel_loop3A_767 = vector.broadcast %parallel_loop3A_766 : i32 to vector<16xi32>
        tpu.vector_store_idx %arg19[%parallel_loop3A_767], %parallel_loop3A_762 masked %eq3A_4 : memref<10240xf32, #tpu.memory_space<vmem>>[vector<16xi32>], vector<16xf32>, vector<16xi1>
        %parallel_loop3A_768 = arith.constant 20 : i32
        %parallel_loop3A_769 = arith.muli %parallel_loop3A_127, %parallel_loop3A_768 : i32
        %parallel_loop3A_770 = arith.constant 14 : i32
        %parallel_loop3A_771 = arith.addi %parallel_loop3A_769, %parallel_loop3A_770 : i32
        %parallel_loop3A_772 = arith.index_cast %parallel_loop3A_771 : i32 to index
        %parallel_loop3A_773 = arith.constant 0 : index
        %parallel_loop3A_774 = tpu.vector_load %arg17[%parallel_loop3A_772, %parallel_loop3A_773] {strides = array<i32>} : memref<320x128xf32, #tpu.memory_space<vmem>>, vector<16xf32>,
        %parallel_loop3A_775 = arith.constant 20 : i32
        %parallel_loop3A_776 = arith.muli %parallel_loop3A_127, %parallel_loop3A_775 : i32
        %parallel_loop3A_777 = arith.constant 14 : i32
        %parallel_loop3A_778 = arith.addi %parallel_loop3A_776, %parallel_loop3A_777 : i32
        %parallel_loop3A_779 = arith.index_cast %parallel_loop3A_778 : i32 to index
        %parallel_loop3A_780 = arith.constant 16 : index
        %parallel_loop3A_781 = tpu.vector_load %arg17[%parallel_loop3A_779, %parallel_loop3A_780] {strides = array<i32>} : memref<320x128xf32, #tpu.memory_space<vmem>>, vector<16xf32>,
        %parallel_loop3A_782 = arith.constant 20 : i32
        %parallel_loop3A_783 = arith.muli %parallel_loop3A_127, %parallel_loop3A_782 : i32
        %parallel_loop3A_784 = arith.constant 14 : i32
        %parallel_loop3A_785 = arith.addi %parallel_loop3A_783, %parallel_loop3A_784 : i32
        %parallel_loop3A_786 = arith.index_cast %parallel_loop3A_785 : i32 to index
        %parallel_loop3A_787 = arith.constant 32 : index
        %parallel_loop3A_788 = tpu.vector_load %arg17[%parallel_loop3A_786, %parallel_loop3A_787] {strides = array<i32>} : memref<320x128xf32, #tpu.memory_space<vmem>>, vector<16xf32>,
        %parallel_loop3A_789 = arith.constant 20 : i32
        %parallel_loop3A_790 = arith.muli %parallel_loop3A_127, %parallel_loop3A_789 : i32
        %parallel_loop3A_791 = arith.constant 14 : i32
        %parallel_loop3A_792 = arith.addi %parallel_loop3A_790, %parallel_loop3A_791 : i32
        %parallel_loop3A_793 = arith.index_cast %parallel_loop3A_792 : i32 to index
        %parallel_loop3A_794 = arith.constant 48 : index
        %parallel_loop3A_795 = tpu.vector_load %arg17[%parallel_loop3A_793, %parallel_loop3A_794] {strides = array<i32>} : memref<320x128xf32, #tpu.memory_space<vmem>>, vector<16xf32>,
        %parallel_loop3A_796 = arith.mulf %parallel_loop3A_130, %parallel_loop3A_774 : vector<16xf32>
        %parallel_loop3A_797 = arith.mulf %parallel_loop3A_133, %parallel_loop3A_781 : vector<16xf32>
        %parallel_loop3A_798 = arith.addf %parallel_loop3A_796, %parallel_loop3A_797 : vector<16xf32>
        %parallel_loop3A_799 = arith.mulf %parallel_loop3A_136, %parallel_loop3A_788 : vector<16xf32>
        %parallel_loop3A_800 = arith.mulf %parallel_loop3A_139, %parallel_loop3A_795 : vector<16xf32>
        %parallel_loop3A_801 = arith.addf %parallel_loop3A_799, %parallel_loop3A_800 : vector<16xf32>
        %parallel_loop3A_802 = arith.addf %parallel_loop3A_798, %parallel_loop3A_801 : vector<16xf32>
        %parallel_loop3A_803 = arith.constant true
        %parallel_loop3A_804 = vector.broadcast %parallel_loop3A_803 : i1 to vector<16xi1>
        %parallel_loop3A_805 = tpu.scan <sum>, %parallel_loop3A_802 masked %parallel_loop3A_804 : vector<16xf32>, vector<16xi1> -> vector<16xf32>
        %parallel_loop3A_806 = arith.constant 20 : i32
        %parallel_loop3A_807 = arith.muli %parallel_loop3A_164, %parallel_loop3A_806 : i32
        %parallel_loop3A_808 = arith.constant 14 : i32
        %parallel_loop3A_809 = arith.addi %parallel_loop3A_807, %parallel_loop3A_808 : i32
        %parallel_loop3A_810 = vector.broadcast %parallel_loop3A_809 : i32 to vector<16xi32>
        tpu.vector_store_idx %arg19[%parallel_loop3A_810], %parallel_loop3A_805 masked %eq3A_4 : memref<10240xf32, #tpu.memory_space<vmem>>[vector<16xi32>], vector<16xf32>, vector<16xi1>
        %parallel_loop3A_811 = arith.constant 20 : i32
        %parallel_loop3A_812 = arith.muli %parallel_loop3A_127, %parallel_loop3A_811 : i32
        %parallel_loop3A_813 = arith.constant 15 : i32
        %parallel_loop3A_814 = arith.addi %parallel_loop3A_812, %parallel_loop3A_813 : i32
        %parallel_loop3A_815 = arith.index_cast %parallel_loop3A_814 : i32 to index
        %parallel_loop3A_816 = arith.constant 0 : index
        %parallel_loop3A_817 = tpu.vector_load %arg17[%parallel_loop3A_815, %parallel_loop3A_816] {strides = array<i32>} : memref<320x128xf32, #tpu.memory_space<vmem>>, vector<16xf32>,
        %parallel_loop3A_818 = arith.constant 20 : i32
        %parallel_loop3A_819 = arith.muli %parallel_loop3A_127, %parallel_loop3A_818 : i32
        %parallel_loop3A_820 = arith.constant 15 : i32
        %parallel_loop3A_821 = arith.addi %parallel_loop3A_819, %parallel_loop3A_820 : i32
        %parallel_loop3A_822 = arith.index_cast %parallel_loop3A_821 : i32 to index
        %parallel_loop3A_823 = arith.constant 16 : index
        %parallel_loop3A_824 = tpu.vector_load %arg17[%parallel_loop3A_822, %parallel_loop3A_823] {strides = array<i32>} : memref<320x128xf32, #tpu.memory_space<vmem>>, vector<16xf32>,
        %parallel_loop3A_825 = arith.constant 20 : i32
        %parallel_loop3A_826 = arith.muli %parallel_loop3A_127, %parallel_loop3A_825 : i32
        %parallel_loop3A_827 = arith.constant 15 : i32
        %parallel_loop3A_828 = arith.addi %parallel_loop3A_826, %parallel_loop3A_827 : i32
        %parallel_loop3A_829 = arith.index_cast %parallel_loop3A_828 : i32 to index
        %parallel_loop3A_830 = arith.constant 32 : index
        %parallel_loop3A_831 = tpu.vector_load %arg17[%parallel_loop3A_829, %parallel_loop3A_830] {strides = array<i32>} : memref<320x128xf32, #tpu.memory_space<vmem>>, vector<16xf32>,
        %parallel_loop3A_832 = arith.constant 20 : i32
        %parallel_loop3A_833 = arith.muli %parallel_loop3A_127, %parallel_loop3A_832 : i32
        %parallel_loop3A_834 = arith.constant 15 : i32
        %parallel_loop3A_835 = arith.addi %parallel_loop3A_833, %parallel_loop3A_834 : i32
        %parallel_loop3A_836 = arith.index_cast %parallel_loop3A_835 : i32 to index
        %parallel_loop3A_837 = arith.constant 48 : index
        %parallel_loop3A_838 = tpu.vector_load %arg17[%parallel_loop3A_836, %parallel_loop3A_837] {strides = array<i32>} : memref<320x128xf32, #tpu.memory_space<vmem>>, vector<16xf32>,
        %parallel_loop3A_839 = arith.mulf %parallel_loop3A_130, %parallel_loop3A_817 : vector<16xf32>
        %parallel_loop3A_840 = arith.mulf %parallel_loop3A_133, %parallel_loop3A_824 : vector<16xf32>
        %parallel_loop3A_841 = arith.addf %parallel_loop3A_839, %parallel_loop3A_840 : vector<16xf32>
        %parallel_loop3A_842 = arith.mulf %parallel_loop3A_136, %parallel_loop3A_831 : vector<16xf32>
        %parallel_loop3A_843 = arith.mulf %parallel_loop3A_139, %parallel_loop3A_838 : vector<16xf32>
        %parallel_loop3A_844 = arith.addf %parallel_loop3A_842, %parallel_loop3A_843 : vector<16xf32>
        %parallel_loop3A_845 = arith.addf %parallel_loop3A_841, %parallel_loop3A_844 : vector<16xf32>
        %parallel_loop3A_846 = arith.constant true
        %parallel_loop3A_847 = vector.broadcast %parallel_loop3A_846 : i1 to vector<16xi1>
        %parallel_loop3A_848 = tpu.scan <sum>, %parallel_loop3A_845 masked %parallel_loop3A_847 : vector<16xf32>, vector<16xi1> -> vector<16xf32>
        %parallel_loop3A_849 = arith.constant 20 : i32
        %parallel_loop3A_850 = arith.muli %parallel_loop3A_164, %parallel_loop3A_849 : i32
        %parallel_loop3A_851 = arith.constant 15 : i32
        %parallel_loop3A_852 = arith.addi %parallel_loop3A_850, %parallel_loop3A_851 : i32
        %parallel_loop3A_853 = vector.broadcast %parallel_loop3A_852 : i32 to vector<16xi32>
        tpu.vector_store_idx %arg19[%parallel_loop3A_853], %parallel_loop3A_848 masked %eq3A_4 : memref<10240xf32, #tpu.memory_space<vmem>>[vector<16xi32>], vector<16xf32>, vector<16xi1>
        %parallel_loop3A_854 = arith.constant 20 : i32
        %parallel_loop3A_855 = arith.muli %parallel_loop3A_127, %parallel_loop3A_854 : i32
        %parallel_loop3A_856 = arith.constant 16 : i32
        %parallel_loop3A_857 = arith.addi %parallel_loop3A_855, %parallel_loop3A_856 : i32
        %parallel_loop3A_858 = arith.index_cast %parallel_loop3A_857 : i32 to index
        %parallel_loop3A_859 = arith.constant 0 : index
        %parallel_loop3A_860 = tpu.vector_load %arg17[%parallel_loop3A_858, %parallel_loop3A_859] {strides = array<i32>} : memref<320x128xf32, #tpu.memory_space<vmem>>, vector<16xf32>,
        %parallel_loop3A_861 = arith.constant 20 : i32
        %parallel_loop3A_862 = arith.muli %parallel_loop3A_127, %parallel_loop3A_861 : i32
        %parallel_loop3A_863 = arith.constant 16 : i32
        %parallel_loop3A_864 = arith.addi %parallel_loop3A_862, %parallel_loop3A_863 : i32
        %parallel_loop3A_865 = arith.index_cast %parallel_loop3A_864 : i32 to index
        %parallel_loop3A_866 = arith.constant 16 : index
        %parallel_loop3A_867 = tpu.vector_load %arg17[%parallel_loop3A_865, %parallel_loop3A_866] {strides = array<i32>} : memref<320x128xf32, #tpu.memory_space<vmem>>, vector<16xf32>,
        %parallel_loop3A_868 = arith.constant 20 : i32
        %parallel_loop3A_869 = arith.muli %parallel_loop3A_127, %parallel_loop3A_868 : i32
        %parallel_loop3A_870 = arith.constant 16 : i32
        %parallel_loop3A_871 = arith.addi %parallel_loop3A_869, %parallel_loop3A_870 : i32
        %parallel_loop3A_872 = arith.index_cast %parallel_loop3A_871 : i32 to index
        %parallel_loop3A_873 = arith.constant 32 : index
        %parallel_loop3A_874 = tpu.vector_load %arg17[%parallel_loop3A_872, %parallel_loop3A_873] {strides = array<i32>} : memref<320x128xf32, #tpu.memory_space<vmem>>, vector<16xf32>,
        %parallel_loop3A_875 = arith.constant 20 : i32
        %parallel_loop3A_876 = arith.muli %parallel_loop3A_127, %parallel_loop3A_875 : i32
        %parallel_loop3A_877 = arith.constant 16 : i32
        %parallel_loop3A_878 = arith.addi %parallel_loop3A_876, %parallel_loop3A_877 : i32
        %parallel_loop3A_879 = arith.index_cast %parallel_loop3A_878 : i32 to index
        %parallel_loop3A_880 = arith.constant 48 : index
        %parallel_loop3A_881 = tpu.vector_load %arg17[%parallel_loop3A_879, %parallel_loop3A_880] {strides = array<i32>} : memref<320x128xf32, #tpu.memory_space<vmem>>, vector<16xf32>,
        %parallel_loop3A_882 = arith.mulf %parallel_loop3A_130, %parallel_loop3A_860 : vector<16xf32>
        %parallel_loop3A_883 = arith.mulf %parallel_loop3A_133, %parallel_loop3A_867 : vector<16xf32>
        %parallel_loop3A_884 = arith.addf %parallel_loop3A_882, %parallel_loop3A_883 : vector<16xf32>
        %parallel_loop3A_885 = arith.mulf %parallel_loop3A_136, %parallel_loop3A_874 : vector<16xf32>
        %parallel_loop3A_886 = arith.mulf %parallel_loop3A_139, %parallel_loop3A_881 : vector<16xf32>
        %parallel_loop3A_887 = arith.addf %parallel_loop3A_885, %parallel_loop3A_886 : vector<16xf32>
        %parallel_loop3A_888 = arith.addf %parallel_loop3A_884, %parallel_loop3A_887 : vector<16xf32>
        %parallel_loop3A_889 = arith.constant true
        %parallel_loop3A_890 = vector.broadcast %parallel_loop3A_889 : i1 to vector<16xi1>
        %parallel_loop3A_891 = tpu.scan <sum>, %parallel_loop3A_888 masked %parallel_loop3A_890 : vector<16xf32>, vector<16xi1> -> vector<16xf32>
        %parallel_loop3A_892 = arith.constant 20 : i32
        %parallel_loop3A_893 = arith.muli %parallel_loop3A_164, %parallel_loop3A_892 : i32
        %parallel_loop3A_894 = arith.constant 16 : i32
        %parallel_loop3A_895 = arith.addi %parallel_loop3A_893, %parallel_loop3A_894 : i32
        %parallel_loop3A_896 = vector.broadcast %parallel_loop3A_895 : i32 to vector<16xi32>
        tpu.vector_store_idx %arg19[%parallel_loop3A_896], %parallel_loop3A_891 masked %eq3A_4 : memref<10240xf32, #tpu.memory_space<vmem>>[vector<16xi32>], vector<16xf32>, vector<16xi1>
        %parallel_loop3A_897 = arith.constant 20 : i32
        %parallel_loop3A_898 = arith.muli %parallel_loop3A_127, %parallel_loop3A_897 : i32
        %parallel_loop3A_899 = arith.constant 17 : i32
        %parallel_loop3A_900 = arith.addi %parallel_loop3A_898, %parallel_loop3A_899 : i32
        %parallel_loop3A_901 = arith.index_cast %parallel_loop3A_900 : i32 to index
        %parallel_loop3A_902 = arith.constant 0 : index
        %parallel_loop3A_903 = tpu.vector_load %arg17[%parallel_loop3A_901, %parallel_loop3A_902] {strides = array<i32>} : memref<320x128xf32, #tpu.memory_space<vmem>>, vector<16xf32>,
        %parallel_loop3A_904 = arith.constant 20 : i32
        %parallel_loop3A_905 = arith.muli %parallel_loop3A_127, %parallel_loop3A_904 : i32
        %parallel_loop3A_906 = arith.constant 17 : i32
        %parallel_loop3A_907 = arith.addi %parallel_loop3A_905, %parallel_loop3A_906 : i32
        %parallel_loop3A_908 = arith.index_cast %parallel_loop3A_907 : i32 to index
        %parallel_loop3A_909 = arith.constant 16 : index
        %parallel_loop3A_910 = tpu.vector_load %arg17[%parallel_loop3A_908, %parallel_loop3A_909] {strides = array<i32>} : memref<320x128xf32, #tpu.memory_space<vmem>>, vector<16xf32>,
        %parallel_loop3A_911 = arith.constant 20 : i32
        %parallel_loop3A_912 = arith.muli %parallel_loop3A_127, %parallel_loop3A_911 : i32
        %parallel_loop3A_913 = arith.constant 17 : i32
        %parallel_loop3A_914 = arith.addi %parallel_loop3A_912, %parallel_loop3A_913 : i32
        %parallel_loop3A_915 = arith.index_cast %parallel_loop3A_914 : i32 to index
        %parallel_loop3A_916 = arith.constant 32 : index
        %parallel_loop3A_917 = tpu.vector_load %arg17[%parallel_loop3A_915, %parallel_loop3A_916] {strides = array<i32>} : memref<320x128xf32, #tpu.memory_space<vmem>>, vector<16xf32>,
        %parallel_loop3A_918 = arith.constant 20 : i32
        %parallel_loop3A_919 = arith.muli %parallel_loop3A_127, %parallel_loop3A_918 : i32
        %parallel_loop3A_920 = arith.constant 17 : i32
        %parallel_loop3A_921 = arith.addi %parallel_loop3A_919, %parallel_loop3A_920 : i32
        %parallel_loop3A_922 = arith.index_cast %parallel_loop3A_921 : i32 to index
        %parallel_loop3A_923 = arith.constant 48 : index
        %parallel_loop3A_924 = tpu.vector_load %arg17[%parallel_loop3A_922, %parallel_loop3A_923] {strides = array<i32>} : memref<320x128xf32, #tpu.memory_space<vmem>>, vector<16xf32>,
        %parallel_loop3A_925 = arith.mulf %parallel_loop3A_130, %parallel_loop3A_903 : vector<16xf32>
        %parallel_loop3A_926 = arith.mulf %parallel_loop3A_133, %parallel_loop3A_910 : vector<16xf32>
        %parallel_loop3A_927 = arith.addf %parallel_loop3A_925, %parallel_loop3A_926 : vector<16xf32>
        %parallel_loop3A_928 = arith.mulf %parallel_loop3A_136, %parallel_loop3A_917 : vector<16xf32>
        %parallel_loop3A_929 = arith.mulf %parallel_loop3A_139, %parallel_loop3A_924 : vector<16xf32>
        %parallel_loop3A_930 = arith.addf %parallel_loop3A_928, %parallel_loop3A_929 : vector<16xf32>
        %parallel_loop3A_931 = arith.addf %parallel_loop3A_927, %parallel_loop3A_930 : vector<16xf32>
        %parallel_loop3A_932 = arith.constant true
        %parallel_loop3A_933 = vector.broadcast %parallel_loop3A_932 : i1 to vector<16xi1>
        %parallel_loop3A_934 = tpu.scan <sum>, %parallel_loop3A_931 masked %parallel_loop3A_933 : vector<16xf32>, vector<16xi1> -> vector<16xf32>
        %parallel_loop3A_935 = arith.constant 20 : i32
        %parallel_loop3A_936 = arith.muli %parallel_loop3A_164, %parallel_loop3A_935 : i32
        %parallel_loop3A_937 = arith.constant 17 : i32
        %parallel_loop3A_938 = arith.addi %parallel_loop3A_936, %parallel_loop3A_937 : i32
        %parallel_loop3A_939 = vector.broadcast %parallel_loop3A_938 : i32 to vector<16xi32>
        tpu.vector_store_idx %arg19[%parallel_loop3A_939], %parallel_loop3A_934 masked %eq3A_4 : memref<10240xf32, #tpu.memory_space<vmem>>[vector<16xi32>], vector<16xf32>, vector<16xi1>
        %parallel_loop3A_940 = arith.constant 20 : i32
        %parallel_loop3A_941 = arith.muli %parallel_loop3A_127, %parallel_loop3A_940 : i32
        %parallel_loop3A_942 = arith.constant 18 : i32
        %parallel_loop3A_943 = arith.addi %parallel_loop3A_941, %parallel_loop3A_942 : i32
        %parallel_loop3A_944 = arith.index_cast %parallel_loop3A_943 : i32 to index
        %parallel_loop3A_945 = arith.constant 0 : index
        %parallel_loop3A_946 = tpu.vector_load %arg17[%parallel_loop3A_944, %parallel_loop3A_945] {strides = array<i32>} : memref<320x128xf32, #tpu.memory_space<vmem>>, vector<16xf32>,
        %parallel_loop3A_947 = arith.constant 20 : i32
        %parallel_loop3A_948 = arith.muli %parallel_loop3A_127, %parallel_loop3A_947 : i32
        %parallel_loop3A_949 = arith.constant 18 : i32
        %parallel_loop3A_950 = arith.addi %parallel_loop3A_948, %parallel_loop3A_949 : i32
        %parallel_loop3A_951 = arith.index_cast %parallel_loop3A_950 : i32 to index
        %parallel_loop3A_952 = arith.constant 16 : index
        %parallel_loop3A_953 = tpu.vector_load %arg17[%parallel_loop3A_951, %parallel_loop3A_952] {strides = array<i32>} : memref<320x128xf32, #tpu.memory_space<vmem>>, vector<16xf32>,
        %parallel_loop3A_954 = arith.constant 20 : i32
        %parallel_loop3A_955 = arith.muli %parallel_loop3A_127, %parallel_loop3A_954 : i32
        %parallel_loop3A_956 = arith.constant 18 : i32
        %parallel_loop3A_957 = arith.addi %parallel_loop3A_955, %parallel_loop3A_956 : i32
        %parallel_loop3A_958 = arith.index_cast %parallel_loop3A_957 : i32 to index
        %parallel_loop3A_959 = arith.constant 32 : index
        %parallel_loop3A_960 = tpu.vector_load %arg17[%parallel_loop3A_958, %parallel_loop3A_959] {strides = array<i32>} : memref<320x128xf32, #tpu.memory_space<vmem>>, vector<16xf32>,
        %parallel_loop3A_961 = arith.constant 20 : i32
        %parallel_loop3A_962 = arith.muli %parallel_loop3A_127, %parallel_loop3A_961 : i32
        %parallel_loop3A_963 = arith.constant 18 : i32
        %parallel_loop3A_964 = arith.addi %parallel_loop3A_962, %parallel_loop3A_963 : i32
        %parallel_loop3A_965 = arith.index_cast %parallel_loop3A_964 : i32 to index
        %parallel_loop3A_966 = arith.constant 48 : index
        %parallel_loop3A_967 = tpu.vector_load %arg17[%parallel_loop3A_965, %parallel_loop3A_966] {strides = array<i32>} : memref<320x128xf32, #tpu.memory_space<vmem>>, vector<16xf32>,
        %parallel_loop3A_968 = arith.mulf %parallel_loop3A_130, %parallel_loop3A_946 : vector<16xf32>
        %parallel_loop3A_969 = arith.mulf %parallel_loop3A_133, %parallel_loop3A_953 : vector<16xf32>
        %parallel_loop3A_970 = arith.addf %parallel_loop3A_968, %parallel_loop3A_969 : vector<16xf32>
        %parallel_loop3A_971 = arith.mulf %parallel_loop3A_136, %parallel_loop3A_960 : vector<16xf32>
        %parallel_loop3A_972 = arith.mulf %parallel_loop3A_139, %parallel_loop3A_967 : vector<16xf32>
        %parallel_loop3A_973 = arith.addf %parallel_loop3A_971, %parallel_loop3A_972 : vector<16xf32>
        %parallel_loop3A_974 = arith.addf %parallel_loop3A_970, %parallel_loop3A_973 : vector<16xf32>
        %parallel_loop3A_975 = arith.constant true
        %parallel_loop3A_976 = vector.broadcast %parallel_loop3A_975 : i1 to vector<16xi1>
        %parallel_loop3A_977 = tpu.scan <sum>, %parallel_loop3A_974 masked %parallel_loop3A_976 : vector<16xf32>, vector<16xi1> -> vector<16xf32>
        %parallel_loop3A_978 = arith.constant 20 : i32
        %parallel_loop3A_979 = arith.muli %parallel_loop3A_164, %parallel_loop3A_978 : i32
        %parallel_loop3A_980 = arith.constant 18 : i32
        %parallel_loop3A_981 = arith.addi %parallel_loop3A_979, %parallel_loop3A_980 : i32
        %parallel_loop3A_982 = vector.broadcast %parallel_loop3A_981 : i32 to vector<16xi32>
        tpu.vector_store_idx %arg19[%parallel_loop3A_982], %parallel_loop3A_977 masked %eq3A_4 : memref<10240xf32, #tpu.memory_space<vmem>>[vector<16xi32>], vector<16xf32>, vector<16xi1>
        %parallel_loop3A_983 = arith.constant 20 : i32
        %parallel_loop3A_984 = arith.muli %parallel_loop3A_127, %parallel_loop3A_983 : i32
        %parallel_loop3A_985 = arith.constant 19 : i32
        %parallel_loop3A_986 = arith.addi %parallel_loop3A_984, %parallel_loop3A_985 : i32
        %parallel_loop3A_987 = arith.index_cast %parallel_loop3A_986 : i32 to index
        %parallel_loop3A_988 = arith.constant 0 : index
        %parallel_loop3A_989 = tpu.vector_load %arg17[%parallel_loop3A_987, %parallel_loop3A_988] {strides = array<i32>} : memref<320x128xf32, #tpu.memory_space<vmem>>, vector<16xf32>,
        %parallel_loop3A_990 = arith.constant 20 : i32
        %parallel_loop3A_991 = arith.muli %parallel_loop3A_127, %parallel_loop3A_990 : i32
        %parallel_loop3A_992 = arith.constant 19 : i32
        %parallel_loop3A_993 = arith.addi %parallel_loop3A_991, %parallel_loop3A_992 : i32
        %parallel_loop3A_994 = arith.index_cast %parallel_loop3A_993 : i32 to index
        %parallel_loop3A_995 = arith.constant 16 : index
        %parallel_loop3A_996 = tpu.vector_load %arg17[%parallel_loop3A_994, %parallel_loop3A_995] {strides = array<i32>} : memref<320x128xf32, #tpu.memory_space<vmem>>, vector<16xf32>,
        %parallel_loop3A_997 = arith.constant 20 : i32
        %parallel_loop3A_998 = arith.muli %parallel_loop3A_127, %parallel_loop3A_997 : i32
        %parallel_loop3A_999 = arith.constant 19 : i32
        %parallel_loop3A_1000 = arith.addi %parallel_loop3A_998, %parallel_loop3A_999 : i32
        %parallel_loop3A_1001 = arith.index_cast %parallel_loop3A_1000 : i32 to index
        %parallel_loop3A_1002 = arith.constant 32 : index
        %parallel_loop3A_1003 = tpu.vector_load %arg17[%parallel_loop3A_1001, %parallel_loop3A_1002] {strides = array<i32>} : memref<320x128xf32, #tpu.memory_space<vmem>>, vector<16xf32>,
        %parallel_loop3A_1004 = arith.constant 20 : i32
        %parallel_loop3A_1005 = arith.muli %parallel_loop3A_127, %parallel_loop3A_1004 : i32
        %parallel_loop3A_1006 = arith.constant 19 : i32
        %parallel_loop3A_1007 = arith.addi %parallel_loop3A_1005, %parallel_loop3A_1006 : i32
        %parallel_loop3A_1008 = arith.index_cast %parallel_loop3A_1007 : i32 to index
        %parallel_loop3A_1009 = arith.constant 48 : index
        %parallel_loop3A_1010 = tpu.vector_load %arg17[%parallel_loop3A_1008, %parallel_loop3A_1009] {strides = array<i32>} : memref<320x128xf32, #tpu.memory_space<vmem>>, vector<16xf32>,
        %parallel_loop3A_1011 = arith.mulf %parallel_loop3A_130, %parallel_loop3A_989 : vector<16xf32>
        %parallel_loop3A_1012 = arith.mulf %parallel_loop3A_133, %parallel_loop3A_996 : vector<16xf32>
        %parallel_loop3A_1013 = arith.addf %parallel_loop3A_1011, %parallel_loop3A_1012 : vector<16xf32>
        %parallel_loop3A_1014 = arith.mulf %parallel_loop3A_136, %parallel_loop3A_1003 : vector<16xf32>
        %parallel_loop3A_1015 = arith.mulf %parallel_loop3A_139, %parallel_loop3A_1010 : vector<16xf32>
        %parallel_loop3A_1016 = arith.addf %parallel_loop3A_1014, %parallel_loop3A_1015 : vector<16xf32>
        %parallel_loop3A_1017 = arith.addf %parallel_loop3A_1013, %parallel_loop3A_1016 : vector<16xf32>
        %parallel_loop3A_1018 = arith.constant true
        %parallel_loop3A_1019 = vector.broadcast %parallel_loop3A_1018 : i1 to vector<16xi1>
        %parallel_loop3A_1020 = tpu.scan <sum>, %parallel_loop3A_1017 masked %parallel_loop3A_1019 : vector<16xf32>, vector<16xi1> -> vector<16xf32>
        %parallel_loop3A_1021 = arith.constant 20 : i32
        %parallel_loop3A_1022 = arith.muli %parallel_loop3A_164, %parallel_loop3A_1021 : i32
        %parallel_loop3A_1023 = arith.constant 19 : i32
        %parallel_loop3A_1024 = arith.addi %parallel_loop3A_1022, %parallel_loop3A_1023 : i32
        %parallel_loop3A_1025 = vector.broadcast %parallel_loop3A_1024 : i32 to vector<16xi32>
        tpu.vector_store_idx %arg19[%parallel_loop3A_1025], %parallel_loop3A_1020 masked %eq3A_4 : memref<10240xf32, #tpu.memory_space<vmem>>[vector<16xi32>], vector<16xf32>, vector<16xi1>
      } {sc.loop_unroll_factor = 2 : i64, sc.parallel_access}
    }
    %scan3A_25 = arith.constant 16 : i32
    %dma_wait3A = arith.constant 0 : i32
    %dma_wait3A_26 = tpu.memref_slice %arg9[%dma_wait3A] : memref<512xi32, #tpu.memory_space<vmem>> -> memref<16xi32, #tpu.memory_space<vmem>>
    %dma_wait3A_27 = arith.constant 0 : i32
    %dma_wait3A_28 = arith.constant 0 : i32
    %dma_wait3A_29 = tpu.memref_slice %arg5[%dma_wait3A_27, %dma_wait3A_28] : memref<1000000x128xf32, #tpu.memory_space<hbm>> -> memref<1000000x128xf32, #tpu.memory_space<hbm>>
    tpu.wait_indirect_dma semaphore(%arg20 : memref<!tpu.dma_semaphore, #tpu.memory_space<semaphore_mem>>) src(%dma_wait3A_29 : memref<1000000x128xf32, #tpu.memory_space<hbm>>) dst(%arg12 : memref<16x128xf32, #tpu.memory_space<vmem>>)
    %dma_wait3A_30 = arith.constant 0 : i32
    %dma_wait3A_31 = tpu.memref_slice %arg10[%dma_wait3A_30] : memref<512xi32, #tpu.memory_space<vmem>> -> memref<16xi32, #tpu.memory_space<vmem>>
    %dma_wait3A_32 = arith.constant 0 : i32
    %dma_wait3A_33 = arith.constant 0 : i32
    %dma_wait3A_34 = tpu.memref_slice %arg6[%dma_wait3A_32, %dma_wait3A_33] : memref<1000000x128xf32, #tpu.memory_space<hbm>> -> memref<1000000x128xf32, #tpu.memory_space<hbm>>
    tpu.wait_indirect_dma semaphore(%arg20 : memref<!tpu.dma_semaphore, #tpu.memory_space<semaphore_mem>>) src(%dma_wait3A_34 : memref<1000000x128xf32, #tpu.memory_space<hbm>>) dst(%arg14 : memref<16x128xf32, #tpu.memory_space<vmem>>)
    %dma_wait3A_35 = arith.constant 0 : i32
    %dma_wait3A_36 = tpu.memref_slice %arg11[%dma_wait3A_35] : memref<10240xi32, #tpu.memory_space<vmem>> -> memref<320xi32, #tpu.memory_space<vmem>>
    %dma_wait3A_37 = arith.constant 0 : i32
    %dma_wait3A_38 = arith.constant 0 : i32
    %dma_wait3A_39 = tpu.memref_slice %arg6[%dma_wait3A_37, %dma_wait3A_38] : memref<1000000x128xf32, #tpu.memory_space<hbm>> -> memref<1000000x128xf32, #tpu.memory_space<hbm>>
    tpu.wait_indirect_dma semaphore(%arg20 : memref<!tpu.dma_semaphore, #tpu.memory_space<semaphore_mem>>) src(%dma_wait3A_39 : memref<1000000x128xf32, #tpu.memory_space<hbm>>) dst(%arg16 : memref<320x128xf32, #tpu.memory_space<vmem>>)
    "tpu.region"() ({
      %run_scoped3A = tpu.sem_alloc : memref<!tpu.dma_semaphore, #tpu.memory_space<semaphore_mem>>
      %dma_start3A_42 = tpu.memref_slice %arg7[%mul3A_2] : memref<16384xf32, #tpu.memory_space<hbm>> -> memref<512xf32, #tpu.memory_space<hbm>>
      %dma_start3A_43 = tpu.memref_slice %arg7[%mul3A_2] : memref<16384xf32, #tpu.memory_space<hbm>> -> memref<512xf32, #tpu.memory_space<hbm>>
      tpu.enqueue_dma source(%arg18 : memref<512xf32, #tpu.memory_space<vmem>>) target(%dma_start3A_43 : memref<512xf32, #tpu.memory_space<hbm>>) target_semaphore(%run_scoped3A : memref<!tpu.dma_semaphore, #tpu.memory_space<semaphore_mem>>)
      %dma_wait3A_44 = tpu.memref_slice %arg7[%mul3A_2] : memref<16384xf32, #tpu.memory_space<hbm>> -> memref<512xf32, #tpu.memory_space<hbm>>
      %dma_wait3A_45 = tpu.memref_slice %arg7[%mul3A_2] : memref<16384xf32, #tpu.memory_space<hbm>> -> memref<512xf32, #tpu.memory_space<hbm>>
      tpu.wait_dma2 semaphore(%run_scoped3A : memref<!tpu.dma_semaphore, #tpu.memory_space<semaphore_mem>>) src(%arg18 : memref<512xf32, #tpu.memory_space<vmem>>) dst(%dma_wait3A_45 : memref<512xf32, #tpu.memory_space<hbm>>)
      tpu.yield
    }) : () -> ()
    %mul3A_40 = arith.constant 20 : i32
    %mul3A_41 = arith.muli %mul3A_2, %mul3A_40 : i32
    "tpu.region"() ({
      %run_scoped3A = tpu.sem_alloc : memref<!tpu.dma_semaphore, #tpu.memory_space<semaphore_mem>>
      %dma_start3A_42 = tpu.memref_slice %arg8[%mul3A_41] : memref<327680xf32, #tpu.memory_space<hbm>> -> memref<10240xf32, #tpu.memory_space<hbm>>
      %dma_start3A_43 = tpu.memref_slice %arg8[%mul3A_41] : memref<327680xf32, #tpu.memory_space<hbm>> -> memref<10240xf32, #tpu.memory_space<hbm>>
      tpu.enqueue_dma source(%arg19 : memref<10240xf32, #tpu.memory_space<vmem>>) target(%dma_start3A_43 : memref<10240xf32, #tpu.memory_space<hbm>>) target_semaphore(%run_scoped3A : memref<!tpu.dma_semaphore, #tpu.memory_space<semaphore_mem>>)
      %dma_wait3A_44 = tpu.memref_slice %arg8[%mul3A_41] : memref<327680xf32, #tpu.memory_space<hbm>> -> memref<10240xf32, #tpu.memory_space<hbm>>
      %dma_wait3A_45 = tpu.memref_slice %arg8[%mul3A_41] : memref<327680xf32, #tpu.memory_space<hbm>> -> memref<10240xf32, #tpu.memory_space<hbm>>
      tpu.wait_dma2 semaphore(%run_scoped3A : memref<!tpu.dma_semaphore, #tpu.memory_space<semaphore_mem>>) src(%arg19 : memref<10240xf32, #tpu.memory_space<vmem>>) dst(%dma_wait3A_45 : memref<10240xf32, #tpu.memory_space<hbm>>)
      tpu.yield
    }) : () -> ()
    return
  }
}

</mosaic_0001>

<sc_bundles>
// kernel: kernel.3.cloned.1.call-start
scs
__scs_entry_jumppad:
0x0: {  	(pc) =	sbr.rel $0x88, $3  }
0x1: {  	(tag) =	ssettag $0x0;
	lr =	simm.s32 $0x1  }
0x2: {  	[smem:$0x3F9C] =	sst lr;
	_ =	strace $0xD0000000  }
0x3: {  	_ = 	snop  }
0x4: {  	_ = 	snop  }
0x5: {  	_ = 	snop  }
0x6: {  	_ = 	snop  }
0x7: {  	_ = 	snop  }
__scs_overlays_trampoline_lowered:
0x8: {  	[smem:$0x3FAB] =	sst s0  }
0x9: {  	[smem:$0x3FAC] =	sst s1  }
0xa: {  	[smem:$0x3FAD] =	sst s2  }
0xb: {  	[smem:$0x3FAE] =	sst s3  }
0xc: {  	[smem:$0x3FAF] =	sst s4  }
0xd: {  	[smem:$0x3FB0] =	sst s5  }
0xe: {  	[smem:$0x3FB1] =	sst s6  }
0xf: {  	[smem:$0x3FB2] =	sst s7  }
0x10: {  	[smem:$0x3FB3] =	sst s8  }
0x11: {  	[smem:$0x3FB4] =	sst s9;
	s0 =	simm.s32 @!p0 $0x0  }
0x12: {  	s1 =	sld [smem:$0x3F9A];
	s0 =	simm.s32 @p0 $0x1  }
0x13: {  	[smem:$0x3FB5] =	sst s0;
	s0 =	simm.s32 @!p1 $0x0  }
0x14: {  	s2 =	sld [smem:$0x3F99];
	s0 =	simm.s32 @p1 $0x1  }
0x15: {  	[smem:$0x3FB6] =	sst s0;
	s0 =	simm.s32 @!p2 $0x0  }
0x16: {  	s3 =	sld [smem:$0x3FDB];
	s0 =	simm.s32 @p2 $0x1  }
0x17: {  	s4 =	simm.s32 $0x1BF5;
	[smem:$0x3FB8] =	sst s0  }
0x18: {  	s0 =	sld [smem:$0x3F9B];
	_ =	swait.ge [sflag:s4], $0x0  }
0x19: {  	s7 =	sld [smem:$0x3F9C]  }
0x1a: {  	s8 =	sadd.s32 $0xFFFFE003, lr  }
0x1b: {  	s9 =	sadd.s32 $0xFFFFFEF7, lr;
	s5 =	simm.s32 $0xFFFFFFFF;
	p2 =	slt.u32 s8, $0xFFFFF086  }
0x1c: {  	p1 =	slt.u32 s9, $0xF7A;
	s5 =	simm.s32 @!p2 $0x0  }
0x1d: {  	s5 =	simm.s32 @p1 $0x1;
	p0 =	seq.s32 s7, s2  }
0x1e: {  	s7 =	smul.u32 @!p0 $0xF7A, s2;
	p2 =	seq.s32 @!p0 s5, $0x0  }
0x1f: {  	s9 =	smul.u32 $0xF7A, s1;
	s8 =	simm.s32 @!p0 $0x1BF5;
	p2 =	por !p2, p0  }
0x20: {  	[sflag:s8] =	ssyncset.s32 @!p0 $0xFFFFF086;
	s6 =	sadd.s32 @!p0 s3, s7;
	s7 =	simm.s32 @!p0 $0x108  }
0x21: {  	s3 =	sadd.s32 s3, s9;
	s6 =	sadd.s32 @!p0 $0x88, s6;
	s7 =	simm.s32 @p2 $0x1082  }
0x22: {  	[simem:s7], [sflag:s8] =	dma.local @!p0 [hbm:s6], $0xF7A  }
0x23: {  	s9 =	sor.u32 $0xD0000000, s2;
	s6 =	simm.s32 $0x108;
	_ =	swait.ge @!p0 [sflag:s8], $0x0  }
0x24: {  	s3 =	sadd.s32 $0x88, s3;
	s6 =	simm.s32 @!p1 $0x1082;
	[sflag:s4] =	ssyncset.s32 $0xFFFFF086  }
0x25: {  	[simem:s6], [sflag:s4] =	dma.local [hbm:s3], $0xF7A  }
0x26: {  	[smem:$0x3F9C] =	sst s1;
	(tag) =	ssettag s2;
	_ =	strace s9  }
0x27: {  	s1 =	sld [smem:$0x3FAC]  }
0x28: {  	s2 =	sld [smem:$0x3FAD]  }
0x29: {  	s4 =	sld [smem:$0x3FAF]  }
0x2a: {  	p0 =	seq.s32 s5, $0x0;
	s5 =	sld [smem:$0x3FB0]  }
0x2b: {  	s6 =	sld [smem:$0x3FB1]  }
0x2c: {  	s7 =	sld [smem:$0x3FB2]  }
0x2d: {  	s3 =	simm.s32 $0x108;
	s8 =	sld [smem:$0x3FB3]  }
0x2e: {  	s3 =	simm.s32 @!p0 $0x1082;
	s9 =	sld [smem:$0x3FB4]  }
0x2f: {  	lr =	sadd.s32 s0, s3;
	s0 =	sld [smem:$0x3FAB]  }
0x30: {  	s3 =	sld [smem:$0x3FAE]  }
0x31: {  	[smem:$0x3FB7] =	sst s10  }
0x32: {  	s10 =	sld [smem:$0x3FB5];
	_ =	sdelay $0x3  }
0x33: {  	p0 =	seq.s32 s10, $0x1;
	s10 =	sld [smem:$0x3FB7];
	_ =	sdelay $0x3  }
0x34: {  	[smem:$0x3FB7] =	sst s10  }
0x35: {  	s10 =	sld [smem:$0x3FB6];
	_ =	sdelay $0x3  }
0x36: {  	p1 =	seq.s32 s10, $0x1;
	s10 =	sld [smem:$0x3FB7];
	_ =	sdelay $0x3  }
0x37: {  	[smem:$0x3FB7] =	sst s10  }
0x38: {  	s10 =	sld [smem:$0x3FB8]  }
0x39: {  	_ = 	snop;
	(pc) =	sbr.ind lr, $3  }
0x3a: {  	_ = 	snop  }
0x3b: {  	_ = 	snop  }
0x3c: {  	p2 =	seq.s32 s10, $0x1;
	s10 =	sld [smem:$0x3FB7]  }
0x3d: {  	_ =	shalt  }
0x3e: {  	_ =	shalt  }
0x3f: {  	_ =	shalt  }
0x40: {  	_ =	shalt  }
0x41: {  	_ =	shalt  }
0x42: {  	_ =	shalt  }
0x43: {  	_ =	shalt  }
0x44: {  	_ =	shalt  }
0x45: {  	_ =	shalt  }
0x46: {  	_ =	shalt  }
0x47: {  	_ =	shalt  }
0x48: {  	_ =	shalt  }
0x49: {  	_ =	shalt  }
0x4a: {  	_ =	shalt  }
0x4b: {  	_ =	shalt  }
0x4c: {  	_ =	shalt  }
0x4d: {  	_ =	shalt  }
0x4e: {  	_ =	shalt  }
0x4f: {  	_ =	shalt  }
0x50: {  	_ =	shalt  }
0x51: {  	_ =	shalt  }
0x52: {  	_ =	shalt  }
0x53: {  	_ =	shalt  }
0x54: {  	_ =	shalt  }
0x55: {  	_ =	shalt  }
0x56: {  	_ =	shalt  }
0x57: {  	_ =	shalt  }
0x58: {  	_ =	shalt  }
0x59: {  	_ =	shalt  }
0x5a: {  	_ =	shalt  }
0x5b: {  	_ =	shalt  }
0x5c: {  	_ =	shalt  }
0x5d: {  	_ =	shalt  }
0x5e: {  	_ =	shalt  }
0x5f: {  	_ =	shalt  }
0x60: {  	_ =	shalt  }
0x61: {  	_ =	shalt  }
0x62: {  	_ =	shalt  }
0x63: {  	_ =	shalt  }
0x64: {  	_ =	shalt  }
0x65: {  	_ =	shalt  }
0x66: {  	_ =	shalt  }
0x67: {  	_ =	shalt  }
0x68: {  	_ =	shalt  }
0x69: {  	_ =	shalt  }
0x6a: {  	_ =	shalt  }
0x6b: {  	_ =	shalt  }
0x6c: {  	_ =	shalt  }
0x6d: {  	_ =	shalt  }
0x6e: {  	_ =	shalt  }
0x6f: {  	_ =	shalt  }
0x70: {  	_ =	shalt  }
0x71: {  	_ =	shalt  }
0x72: {  	_ =	shalt  }
0x73: {  	_ =	shalt  }
0x74: {  	_ =	shalt  }
0x75: {  	_ =	shalt  }
0x76: {  	_ =	shalt  }
0x77: {  	_ =	shalt  }
0x78: {  	_ =	shalt  }
0x79: {  	_ =	shalt  }
0x7a: {  	_ =	shalt  }
0x7b: {  	_ =	shalt  }
0x7c: {  	_ =	shalt  }
0x7d: {  	_ =	shalt  }
0x7e: {  	_ =	shalt  }
0x7f: {  	_ =	shalt  }
0x80: {  	_ =	shalt  }
0x81: {  	_ =	shalt  }
0x82: {  	_ =	shalt  }
0x83: {  	_ =	shalt  }
0x84: {  	_ =	shalt  }
0x85: {  	_ =	shalt  }
0x86: {  	_ =	shalt  }
0x87: {  	_ =	shalt  }
.Lfunc_end0:
.L_simem_size_0:
called_computation_lowered:
.L_overlay_start_0:
0x88: {  	s2 =	sld [smem:$0x3FD9]  }
0x89: {  	s3 =	sld [smem:$0x3FFE];
	_ =	sdelay $0x1  }
0x8a: {  	s1 =	srdreg.scid  }
0x8b: {  	s0 =	sand.u32 $0x1, s1  }
0x8c: {  	s14 =	sshll.u32 s0, $0xA;
	s2 =	sadd.s32 s3, s2  }
0x8d: {  	s2 =	sadd.s32 s2, s14  }
0x8e: {  	[smem:$0x3FC3] =	sst s2  }
0x8f: {  	_ = 	snop  }
0x90: {  	s2 =	sld [smem:$0x3FD0];
	_ =	sdelay $0x1  }
0x91: {  	s15 =	sld [smem:$0x3FC9]  }
0x92: {  	s5 =	simm.s32 $0xA;
	s6 =	simm.s32 $0x10;
	s4 =	sld [smem:$0x3FC8]  }
0x93: {  	[smem:s6], [sflag:s5] =	dma.local [hbm:s2], $0x1  }
0x94: {  	_ =	swait.eq [sflag:s5], $0x1  }
0x95: {  	[sflag:s5] =	ssyncset.done $0x0  }
0x96: {  	s16 =	sld [smem:$0x10];
	[sflag:s5] =	ssyncadd.s32 $0xFFFFFFFF  }
0x97: {  	s17 =	sld [smem:$0x11];
	(tm) =	ssettm $0x1  }
0x98: {  	s18 =	sld [smem:$0x3FFB];
	_ =	sdelay $0x3  }
0x99: {  	_ =	strace s18  }
0x9a: {  	s6 =	sld [smem:$0x3FFC];
	_ =	sdelay $0x3  }
0x9b: {  	_ =	strace s6  }
0x9c: {  	s6 =	sld [smem:$0x3FFD];
	_ =	sdelay $0x3  }
0x9d: {  	_ =	strace s6  }
0x9e: {  	_ =	strace $0x8FFFFFFF  }
0x9f: {  	s19 =	sld [smem:$0x3FDB];
	_ =	sdelay $0x1  }
0xa0: {  	s7 =	simm.s32 $_scs_section_size  }
0xa1: {  	s8 =	simm.s32 $_size__tile_overlayer_lowered;
	s9 =	simm.s32 $_tile_overlayer_lowered  }
0xa2: {  	s22 =	simm.s32 $0x1BFF;
	s21 =	sshll.u32 s9, $0x1;
	s6 =	sadd.s32 s7, s19  }
0xa3: {  	s10 =	simm.s32 $0x0;
	s20 =	sshll.u32 s8, $0x1;
	s8 =	sadd.s32 s21, s6  }
0xa4: {  	[timem:s10], [sflag:s22] =	dma.local [hbm:s8], s20  }
0xa5: {  	_ =	swait.ge [sflag:s22], s20  }
0xa6: {  	s7 =	ssub.s32 $0x0, s20;
	[sflag:s22] =	ssyncset.done $0x0  }
0xa7: {  	[sflag:s22] =	ssyncadd.s32 s7;
	_ =	sdelay $0x1  }
0xa8: {  	s23 =	simm.s32 $0x1B8B  }
0xa9: {  	_ =	swait.ge [sflag:s23], $0x1  }
0xaa: {  	[sflag:s23] =	ssyncset.done $0x0  }
0xab: {  	s25 =	simm.s32 $0x1B8E;
	s24 =	sld [smem:$0x3FFE];
	[sflag:s23] =	ssyncadd.s32 $0xFFFFFFFF  }
0xac: {  	s26 =	simm.s32 $execute0_lowered;
	[smem:$0x3FD2] =	sst s25  }
0xad: {  	s8 =	sshll.u32 s26, $0x1;
	_ =	strace $0x80000046;
	[dreg:$0x1] =	wrdreg $0xFFFFFFFF  }
0xae: {  	s28 =	simm.s32 $_size_execute0_lowered;
	s6 =	sadd.s32 s6, s8;
	[dreg:$0x0] =	wrdreg $0x0  }
0xaf: {  	s8 =	sshll.u32 s28, $0x1;
	[dreg:$0x2] =	wrdreg s6  }
0xb0: {  	[dreg:$0x3] =	wrdreg s8  }
0xb1: {  	[dreg:$0x4] =	wrdreg $0xC0  }
0xb2: {  	_ =	task [dreg:s10], $0x5FFFF  }
0xb3: {  	[dreg:$0x1] =	wrdreg $0xFFFFFFFF  }
0xb4: {  	[dreg:$0x0] =	wrdreg $0x60  }
0xb5: {  	[dreg:$0x2] =	wrdreg s15  }
0xb6: {  	[dreg:$0x3] =	wrdreg s4  }
0xb7: {  	[dreg:$0x4] =	wrdreg s17  }
0xb8: {  	[dreg:$0x5] =	wrdreg s24  }
0xb9: {  	[dreg:$0x6] =	wrdreg s16  }
0xba: {  	[dreg:$0x7] =	wrdreg $0x9  }
0xbb: {  	_ =	task.clear_ibuf [dreg:s10], $0x8FFFF;
	_ =	strace $0x90000046  }
0xbc: {  	s29 =	simm.s32 $0x9;
	_ =	strace $0x80000048  }
0xbd: {  	_ =	swait.ge [sflag:s29], $0x1  }
0xbe: {  	[sflag:s29] =	ssyncadd.s32 $0xFFFFFFFF  }
0xbf: {  	_ =	strace $0x90000048  }
0xc0: {  	_ =	sfence  }
0xc1: {  	s30 =	sld [smem:$0x0];
	_ =	sdelay $0x2  }
0xc2: {  	s31 =	sshll.u32 s1, $0xD;
	s1 =	sshrl.u32 s1, $0x2  }
0xc3: {  	s3 =	sand.u32 $0x4000, s31;
	s1 =	sadd.s32 s1, s30  }
0xc4: {  	s0 =	sor.u32 s3, s0;
	s1 =	sshll.u32 s1, $0x11  }
0xc5: {  	s0 =	sor.u32 s1, s0  }
0xc6: {  	s0 =	sadd.s32 $0x8F2B, s0  }
0xc7: {  	[sflag:s0] =	ssyncadd.remote.s32 $0x1  }
0xc8: {  	_ =	sfence.sel $0xFFFF  }
0xc9: {  	[dreg:$0x0] =	wrdreg $0xFFFFFFFF;
	(pc) =	sbr.abs _section_cstart, $3  }
0xca: {  	[dreg:$0x1] =	wrdreg $0xFFFFFFFF  }
0xcb: {  	_ =	task.clear_ibuf [dreg:s10], $0x2FFFF;
	_ =	strace $0x9FFFFFFF  }
0xcc: {  	(tm) =	ssettm $0x7FFFFFFF  }
0xcd: {  	_ =	shalt  }
tec
execute0_lowered:
.L_overlay_start_1:
0x0: {  	(tag) =	ssettag $0x1  }
0x1: {  	s0 =	rddreg [dreg:$0x0]  }
0x2: {  	s1 =	rddreg [dreg:$0x1]  }
0x3: {  	s7 =	rddreg [dreg:$0x2]  }
0x4: {  	s5 =	rddreg [dreg:$0x3]  }
0x5: {  	s8 =	rddreg [dreg:$0x4];
	s2 =	simm.s32 $0x0  }
0x6: {  	s3 =	srdreg.scid;
	s6 =	stileid.u32;
	s14 =	simm.s32 $0x10  }
0x7: {  	s15 =	simm.s32 $0x2C00;
	s16 =	simm.s32 $0x3C00;
	s17 =	simm.s32 $0x140  }
0x8: {  	s18 =	simm.s32 $0x4C00;
	s19 =	simm.s32 $0x3400;
	s20 =	simm.s32 $0x4400  }
0x9: {  	s21 =	simm.s32 $0xEC00;
	s22 =	simm.s32 $0x1;
	s23 =	simm.s32 $0x18C00  }
0xa: {  	s24 =	simm.s32 $0x18E00;
	s25 =	simm.s32 $0x2;
	s26 =	simm.s32 $0x0  }
0xb: {  	[smem:$0x7FF] =	sst s2;
	s4 =	sand.u32 $0x1, s3;
	s31 =	sshll.u32 s6, $0x1  }
0xc: {  	s3 =	sadd.s32 $0xA00, s5;
	_ =	strace $0x80000047;
	s10 =	ssub.s32 $0x2, s4  }
0xd: {  	s6 =	sor.u32 s4, s31;
	s4 =	sadd.s32 $0x1E85200, s5;
	s11 =	sshrl.u32 s10, $0x1  }
0xe: {  	s9 =	smul.u32 $0x500, s6;
	s12 =	sshll.u32 s6, $0x6;
	s10 =	ssub.s32 s10, s11  }
0xf: {  	s0 =	sadd.s32 s0, s12;
	s6 =	sadd.s32 s1, s12;
	s8 =	sadd.s32 s8, s12  }
0x10: {  	v0 =	vimm.s32 $0x0;
	vm1 =	vcmask $0x300;
	s11 =	simm.s32 $0x3;
	s13 =	sadd.s32 s9, s5;
	[dreg:$0x6] =	wrdreg s0  }
0x11: {  	vm0 =	vcmask $0x3F3C;
	v0 =	vsel vm1, $0x3, v0;
	s7 =	sadd.s32 s7, s9;
	s10 =	smax.u32 s10, $0x1;
	s9 =	sadd.s32 $0xF42E00, s13  }
.LBB2_1:
0x12: {  	s0 =	rddreg [dreg:$0x6]  }
0x13: {  	[tilespmem:s2], [sflag:$0x3] =	stream.linear.gather [hbm4b:s0+s2], $0x200, $0x38;
	[tilespmem:$0x1B600] =	vst v63  }
0x14: {  	_ =	swait.ge [sflag:s11], $0x200  }
0x15: {  	[sflag:s11] =	ssyncset.done $0x0  }
0x16: {  	s31 =	simm.s32 $0x200;
	[sflag:s11] =	ssyncadd.s32 $0xFFFFFE00  }
0x17: {  	[tilespmem:s31], [sflag:$0x3] =	stream.linear.gather [hbm4b:s6+s2], $0x200, $0x38;
	[tilespmem:$0x1B600] =	vst v63  }
0x18: {  	_ =	swait.ge [sflag:s11], $0x200  }
0x19: {  	[sflag:s11] =	ssyncset.done $0x0  }
0x1a: {  	s1 =	simm.s32 $0x400;
	[sflag:s11] =	ssyncadd.s32 $0xFFFFFE00  }
0x1b: {  	[tilespmem:s1], [sflag:$0x3] =	stream.linear.gather [hbm4b:s7+s2], $0x2800, $0x38;
	[tilespmem:$0x1B600] =	vst v63  }
0x1c: {  	_ =	swait.ge [sflag:s11], $0x2800  }
0x1d: {  	[sflag:s11] =	ssyncset.done $0x0  }
0x1e: {  	[sflag:s11] =	ssyncadd.s32 $0xFFFFD800  }
0x1f: {  	[tilespmem:s15], [sflag:$0x1] =	stream.indirect.gather [hbm4b:s3+s14], $0x80, s2, s14, $0xb8;
	[tilespmem:$0x1B600] =	vst v63  }
0x20: {  	_ = 	snop  }
0x21: {  	[tilespmem:s16], [sflag:$0x1] =	stream.indirect.gather [hbm4b:s4+s14], $0x80, s31, s14, $0xb8;
	[tilespmem:$0x1B600] =	vst v63  }
0x22: {  	s28 =	simm.s32 $0x0  }
0x23: {  	[tilespmem:s18], [sflag:$0x1] =	stream.indirect.gather [hbm4b:s4+s17], $0x80, s1, s17, $0xb8;
	[tilespmem:$0x1B600] =	vst v63  }
.LBB2_2:
0x24: {  	s0 =	sshllo.u32 s28, $0x1  }
0x25: {  	s29 =	sshll.u32 s0, $0x4;
	s0 =	smul.u32 $0x500, s0  }
0x26: {  	[tilespmem:s19], [sflag:$0x2] =	stream.indirect.gather [hbm4b:s3+s14], $0x80, s29, s14, $0xb8;
	[tilespmem:$0x1B600] =	vst v63  }
0x27: {  	s1 =	sadd.s32 $0x200, s29;
	s0 =	sshra.s32 s0, $0x2  }
0x28: {  	[tilespmem:s20], [sflag:$0x2] =	stream.indirect.gather [hbm4b:s4+s14], $0x80, s1, s14, $0xb8;
	[tilespmem:$0x1B600] =	vst v63  }
0x29: {  	s0 =	sadd.s32 $0x400, s0  }
0x2a: {  	[tilespmem:s21], [sflag:$0x2] =	stream.indirect.gather [hbm4b:s4+s17], $0x80, s0, s17, $0xb8;
	[tilespmem:$0x1B600] =	vst v63  }
0x2b: {  	_ =	swait.ge [sflag:s22], $0x800  }
0x2c: {  	[sflag:s22] =	ssyncset.done $0x0  }
0x2d: {  	[sflag:s22] =	ssyncadd.s32 $0xFFFFF800  }
0x2e: {  	_ =	swait.ge [sflag:s22], $0x800  }
0x2f: {  	[sflag:s22] =	ssyncset.done $0x0  }
0x30: {  	[sflag:s22] =	ssyncadd.s32 $0xFFFFF800  }
0x31: {  	_ =	swait.ge [sflag:s22], $0xA000  }
0x32: {  	s30 =	sshll.u32 s28, $0x1;
	[sflag:s22] =	ssyncset.done $0x0  }
0x33: {  	s31 =	sshll.u32 s28, $0x5;
	s0 =	simm.s32 $0x0;
	[sflag:s22] =	ssyncadd.s32 $0xFFFF6000  }
.LBB2_3:
0x34: {  	s1 =	sshll.u32 s0, $0x7  }
0x35: {  	v5 =	vld [tilespmem:s1+$0x2C00]  }
0x36: {  	v6 =	vld [tilespmem:s1+$0x2C10]  }
0x37: {  	v7 =	vld [tilespmem:s1+$0x2C20]  }
0x38: {  	v8 =	vld [tilespmem:s1+$0x2C30]  }
0x39: {  	v1 =	vld [tilespmem:s1+$0x3C00]  }
0x3a: {  	v2 =	vld [tilespmem:s1+$0x3C10]  }
0x3b: {  	v3 =	vld [tilespmem:s1+$0x3C20]  }
0x3c: {  	v4 =	vld [tilespmem:s1+$0x3C30];
	_ =	sdelay $0x3  }
0x3d: {  	v1 =	vmul.f32 v1, v5;
	v2 =	vmul.f32 v2, v6  }
0x3e: {  	v3 =	vmul.f32 v3, v7;
	v4 =	vmul.f32 v4, v8;
	_ =	sdelay $0x1  }
0x3f: {  	v1 =	vadd.f32 v2, v1;
	v2 =	vadd.f32 v4, v3;
	_ =	sdelay $0x1  }
0x40: {  	v1 =	vadd.f32 v2, v1;
	_ =	sdelay $0x1  }
0x41: {  	(xrf2) =	vadd.scan.msk.f32 $0xffff, v1;
	_ =	sdelay $0x1  }
0x42: {  	s13 =	sor.u32 s31, s0  }
0x43: {  	v1 =	vmov s13  }
0x44: {  	v1 =	vand.u32 $0xFFFFFFFE, v1  }
0x45: {  	v1 =	vbroadcast v1, $0x0;
	_ =	sdelay $0x3  }
0x46: {  	s12 =	smul.u32 $0x2800, s0  }
0x47: {  	v2, _, _ =	vpop (xrf2)  }
0x48: {  	s12 =	sshra.s32 s12, $0x2;
	[tilespmem:v1+s23+$0x0] =	vst.idx.msk vm0, v2  }
0x49: {  	v1 =	vld [tilespmem:s12+$0x4C00]  }
0x4a: {  	v2 =	vld [tilespmem:s12+$0x4C10]  }
0x4b: {  	v3 =	vld [tilespmem:s12+$0x4C20]  }
0x4c: {  	v35 =	vld [tilespmem:s12+$0x4C30];
	_ =	sdelay $0x3  }
0x4d: {  	v1 =	vmul.f32 v1, v5;
	v2 =	vmul.f32 v2, v6  }
0x4e: {  	v3 =	vmul.f32 v3, v7;
	v4 =	vmul.f32 v35, v8;
	_ =	sdelay $0x1  }
0x4f: {  	v1 =	vadd.f32 v2, v1;
	v2 =	vadd.f32 v4, v3;
	_ =	sdelay $0x1  }
0x50: {  	v1 =	vadd.f32 v2, v1;
	_ =	sdelay $0x1  }
0x51: {  	s1 =	smul.u32 $0x14, s13;
	(xrf2) =	vadd.scan.msk.f32 $0xffff, v1;
	_ =	sdelay $0x1  }
0x52: {  	v1 =	vmov s1  }
0x53: {  	v1 =	vshrl.u32 v1, $0x3  }
0x54: {  	v1 =	vshll.u32 v1, v0  }
0x55: {  	v2 =	vbroadcast v1, $0x0;
	_ =	sdelay $0x4  }
0x56: {  	v3, _, _ =	vpop (xrf2)  }
0x57: {  	[tilespmem:v2+s24+$0x0] =	vst.idx.msk vm0, v3  }
0x58: {  	v2 =	vld [tilespmem:s12+$0x4C80]  }
0x59: {  	v3 =	vld [tilespmem:s12+$0x4C90]  }
0x5a: {  	v36 =	vld [tilespmem:s12+$0x4CA0]  }
0x5b: {  	v9 =	vld [tilespmem:s12+$0x4CB0];
	_ =	sdelay $0x3  }
0x5c: {  	v2 =	vmul.f32 v2, v5;
	v3 =	vmul.f32 v3, v6  }
0x5d: {  	v4 =	vmul.f32 v36, v7;
	v9 =	vmul.f32 v9, v8;
	_ =	sdelay $0x1  }
0x5e: {  	v2 =	vadd.f32 v3, v2;
	v3 =	vadd.f32 v9, v4;
	_ =	sdelay $0x1  }
0x5f: {  	v2 =	vadd.f32 v3, v2;
	_ =	sdelay $0x1  }
0x60: {  	(xrf2) =	vadd.scan.msk.f32 $0xffff, v2;
	_ =	sdelay $0x3  }
0x61: {  	v2 =	vadd.s32 $0x1, v1  }
0x62: {  	v2 =	vbroadcast v2, $0x0;
	_ =	sdelay $0x4  }
0x63: {  	v3, _, _ =	vpop (xrf2)  }
0x64: {  	[tilespmem:v2+s24+$0x0] =	vst.idx.msk vm0, v3  }
0x65: {  	v2 =	vld [tilespmem:s12+$0x4D00]  }
0x66: {  	v3 =	vld [tilespmem:s12+$0x4D10]  }
0x67: {  	v37 =	vld [tilespmem:s12+$0x4D20]  }
0x68: {  	v38 =	vld [tilespmem:s12+$0x4D30];
	_ =	sdelay $0x3  }
0x69: {  	v2 =	vmul.f32 v2, v5;
	v3 =	vmul.f32 v3, v6  }
0x6a: {  	v4 =	vmul.f32 v37, v7;
	v9 =	vmul.f32 v38, v8;
	_ =	sdelay $0x1  }
0x6b: {  	v2 =	vadd.f32 v3, v2;
	v3 =	vadd.f32 v9, v4;
	_ =	sdelay $0x1  }
0x6c: {  	v2 =	vadd.f32 v3, v2;
	_ =	sdelay $0x1  }
0x6d: {  	(xrf2) =	vadd.scan.msk.f32 $0xffff, v2;
	_ =	sdelay $0x3  }
0x6e: {  	v2 =	vadd.s32 $0x2, v1  }
0x6f: {  	v2 =	vbroadcast v2, $0x0;
	_ =	sdelay $0x4  }
0x70: {  	v3, _, _ =	vpop (xrf2)  }
0x71: {  	[tilespmem:v2+s24+$0x0] =	vst.idx.msk vm0, v3  }
0x72: {  	v2 =	vld [tilespmem:s12+$0x4D80]  }
0x73: {  	v3 =	vld [tilespmem:s12+$0x4D90]  }
0x74: {  	v39 =	vld [tilespmem:s12+$0x4DA0]  }
0x75: {  	v40 =	vld [tilespmem:s12+$0x4DB0];
	_ =	sdelay $0x3  }
0x76: {  	v2 =	vmul.f32 v2, v5;
	v3 =	vmul.f32 v3, v6  }
0x77: {  	v4 =	vmul.f32 v39, v7;
	v9 =	vmul.f32 v40, v8;
	_ =	sdelay $0x1  }
0x78: {  	v2 =	vadd.f32 v3, v2;
	v3 =	vadd.f32 v9, v4;
	_ =	sdelay $0x1  }
0x79: {  	v2 =	vadd.f32 v3, v2;
	_ =	sdelay $0x1  }
0x7a: {  	(xrf2) =	vadd.scan.msk.f32 $0xffff, v2;
	_ =	sdelay $0x3  }
0x7b: {  	v2 =	vadd.s32 $0x3, v1  }
0x7c: {  	v2 =	vbroadcast v2, $0x0;
	_ =	sdelay $0x4  }
0x7d: {  	v3, _, _ =	vpop (xrf2)  }
0x7e: {  	[tilespmem:v2+s24+$0x0] =	vst.idx.msk vm0, v3  }
0x7f: {  	v2 =	vld [tilespmem:s12+$0x4E00]  }
0x80: {  	v3 =	vld [tilespmem:s12+$0x4E10]  }
0x81: {  	v41 =	vld [tilespmem:s12+$0x4E20]  }
0x82: {  	v42 =	vld [tilespmem:s12+$0x4E30];
	_ =	sdelay $0x3  }
0x83: {  	v2 =	vmul.f32 v2, v5;
	v3 =	vmul.f32 v3, v6  }
0x84: {  	v4 =	vmul.f32 v41, v7;
	v9 =	vmul.f32 v42, v8;
	_ =	sdelay $0x1  }
0x85: {  	v2 =	vadd.f32 v3, v2;
	v3 =	vadd.f32 v9, v4;
	_ =	sdelay $0x1  }
0x86: {  	v2 =	vadd.f32 v3, v2;
	_ =	sdelay $0x1  }
0x87: {  	(xrf2) =	vadd.scan.msk.f32 $0xffff, v2;
	_ =	sdelay $0x3  }
0x88: {  	v2 =	vadd.s32 $0x4, v1  }
0x89: {  	v2 =	vbroadcast v2, $0x0;
	_ =	sdelay $0x4  }
0x8a: {  	v3, _, _ =	vpop (xrf2)  }
0x8b: {  	[tilespmem:v2+s24+$0x0] =	vst.idx.msk vm0, v3  }
0x8c: {  	v2 =	vld [tilespmem:s12+$0x4E80]  }
0x8d: {  	v3 =	vld [tilespmem:s12+$0x4E90]  }
0x8e: {  	v43 =	vld [tilespmem:s12+$0x4EA0]  }
0x8f: {  	v44 =	vld [tilespmem:s12+$0x4EB0];
	_ =	sdelay $0x3  }
0x90: {  	v2 =	vmul.f32 v2, v5;
	v3 =	vmul.f32 v3, v6  }
0x91: {  	v4 =	vmul.f32 v43, v7;
	v9 =	vmul.f32 v44, v8;
	_ =	sdelay $0x1  }
0x92: {  	v2 =	vadd.f32 v3, v2;
	v3 =	vadd.f32 v9, v4;
	_ =	sdelay $0x1  }
0x93: {  	v2 =	vadd.f32 v3, v2;
	_ =	sdelay $0x1  }
0x94: {  	(xrf2) =	vadd.scan.msk.f32 $0xffff, v2;
	_ =	sdelay $0x3  }
0x95: {  	v2 =	vadd.s32 $0x5, v1  }
0x96: {  	v2 =	vbroadcast v2, $0x0;
	_ =	sdelay $0x4  }
0x97: {  	v3, _, _ =	vpop (xrf2)  }
0x98: {  	[tilespmem:v2+s24+$0x0] =	vst.idx.msk vm0, v3  }
0x99: {  	v2 =	vld [tilespmem:s12+$0x4F00]  }
0x9a: {  	v3 =	vld [tilespmem:s12+$0x4F10]  }
0x9b: {  	v45 =	vld [tilespmem:s12+$0x4F20]  }
0x9c: {  	v46 =	vld [tilespmem:s12+$0x4F30];
	_ =	sdelay $0x3  }
0x9d: {  	v2 =	vmul.f32 v2, v5;
	v3 =	vmul.f32 v3, v6  }
0x9e: {  	v4 =	vmul.f32 v45, v7;
	v9 =	vmul.f32 v46, v8;
	_ =	sdelay $0x1  }
0x9f: {  	v2 =	vadd.f32 v3, v2;
	v3 =	vadd.f32 v9, v4;
	_ =	sdelay $0x1  }
0xa0: {  	v2 =	vadd.f32 v3, v2;
	_ =	sdelay $0x1  }
0xa1: {  	(xrf2) =	vadd.scan.msk.f32 $0xffff, v2;
	_ =	sdelay $0x3  }
0xa2: {  	v2 =	vadd.s32 $0x6, v1  }
0xa3: {  	v2 =	vbroadcast v2, $0x0;
	_ =	sdelay $0x4  }
0xa4: {  	v3, _, _ =	vpop (xrf2)  }
0xa5: {  	[tilespmem:v2+s24+$0x0] =	vst.idx.msk vm0, v3  }
0xa6: {  	v2 =	vld [tilespmem:s12+$0x4F80]  }
0xa7: {  	v3 =	vld [tilespmem:s12+$0x4F90]  }
0xa8: {  	v47 =	vld [tilespmem:s12+$0x4FA0]  }
0xa9: {  	v48 =	vld [tilespmem:s12+$0x4FB0];
	_ =	sdelay $0x3  }
0xaa: {  	v2 =	vmul.f32 v2, v5;
	v3 =	vmul.f32 v3, v6  }
0xab: {  	v4 =	vmul.f32 v47, v7;
	v9 =	vmul.f32 v48, v8;
	_ =	sdelay $0x1  }
0xac: {  	v2 =	vadd.f32 v3, v2;
	v3 =	vadd.f32 v9, v4;
	_ =	sdelay $0x1  }
0xad: {  	v2 =	vadd.f32 v3, v2;
	_ =	sdelay $0x1  }
0xae: {  	(xrf2) =	vadd.scan.msk.f32 $0xffff, v2;
	_ =	sdelay $0x3  }
0xaf: {  	v1 =	vadd.s32 $0x7, v1  }
0xb0: {  	v1 =	vbroadcast v1, $0x0;
	_ =	sdelay $0x4  }
0xb1: {  	v2, _, _ =	vpop (xrf2)  }
0xb2: {  	[tilespmem:v1+s24+$0x0] =	vst.idx.msk vm0, v2  }
0xb3: {  	v1 =	vld [tilespmem:s12+$0x5000]  }
0xb4: {  	v2 =	vld [tilespmem:s12+$0x5010]  }
0xb5: {  	v3 =	vld [tilespmem:s12+$0x5020]  }
0xb6: {  	v49 =	vld [tilespmem:s12+$0x5030];
	_ =	sdelay $0x3  }
0xb7: {  	v1 =	vmul.f32 v1, v5;
	v2 =	vmul.f32 v2, v6  }
0xb8: {  	v3 =	vmul.f32 v3, v7;
	v4 =	vmul.f32 v49, v8;
	_ =	sdelay $0x1  }
0xb9: {  	v1 =	vadd.f32 v2, v1;
	v2 =	vadd.f32 v4, v3;
	_ =	sdelay $0x1  }
0xba: {  	v1 =	vadd.f32 v2, v1;
	_ =	sdelay $0x1  }
0xbb: {  	(xrf2) =	vadd.scan.msk.f32 $0xffff, v1  }
0xbc: {  	s13 =	sadd.s32 $0x8, s1  }
0xbd: {  	v1 =	vmov s13  }
0xbe: {  	v1 =	vshrl.u32 v1, $0x3  }
0xbf: {  	v1 =	vshll.u32 v1, v0  }
0xc0: {  	v1 =	vbroadcast v1, $0x0;
	_ =	sdelay $0x4  }
0xc1: {  	v2, _, _ =	vpop (xrf2)  }
0xc2: {  	[tilespmem:v1+s24+$0x0] =	vst.idx.msk vm0, v2  }
0xc3: {  	v1 =	vld [tilespmem:s12+$0x5080]  }
0xc4: {  	v2 =	vld [tilespmem:s12+$0x5090]  }
0xc5: {  	v3 =	vld [tilespmem:s12+$0x50A0]  }
0xc6: {  	v50 =	vld [tilespmem:s12+$0x50B0];
	_ =	sdelay $0x3  }
0xc7: {  	v1 =	vmul.f32 v1, v5;
	v2 =	vmul.f32 v2, v6  }
0xc8: {  	v3 =	vmul.f32 v3, v7;
	v4 =	vmul.f32 v50, v8;
	_ =	sdelay $0x1  }
0xc9: {  	v1 =	vadd.f32 v2, v1;
	v2 =	vadd.f32 v4, v3;
	_ =	sdelay $0x1  }
0xca: {  	v1 =	vadd.f32 v2, v1;
	_ =	sdelay $0x1  }
0xcb: {  	s5 =	sadd.s32 $0x9, s1;
	(xrf2) =	vadd.scan.msk.f32 $0xffff, v1  }
0xcc: {  	v1 =	vmov s5  }
0xcd: {  	v1 =	vshrl.u32 v1, $0x3  }
0xce: {  	v1 =	vshll.u32 v1, v0  }
0xcf: {  	v1 =	vadd.s32 $0x1, v1  }
0xd0: {  	v1 =	vbroadcast v1, $0x0;
	_ =	sdelay $0x4  }
0xd1: {  	v2, _, _ =	vpop (xrf2)  }
0xd2: {  	[tilespmem:v1+s24+$0x0] =	vst.idx.msk vm0, v2  }
0xd3: {  	v1 =	vld [tilespmem:s12+$0x5100]  }
0xd4: {  	v2 =	vld [tilespmem:s12+$0x5110]  }
0xd5: {  	v3 =	vld [tilespmem:s12+$0x5120]  }
0xd6: {  	v51 =	vld [tilespmem:s12+$0x5130];
	_ =	sdelay $0x3  }
0xd7: {  	v1 =	vmul.f32 v1, v5;
	v2 =	vmul.f32 v2, v6  }
0xd8: {  	v3 =	vmul.f32 v3, v7;
	v4 =	vmul.f32 v51, v8;
	_ =	sdelay $0x1  }
0xd9: {  	v1 =	vadd.f32 v2, v1;
	v2 =	vadd.f32 v4, v3;
	_ =	sdelay $0x1  }
0xda: {  	v1 =	vadd.f32 v2, v1;
	_ =	sdelay $0x1  }
0xdb: {  	s5 =	sadd.s32 $0xA, s1;
	(xrf2) =	vadd.scan.msk.f32 $0xffff, v1  }
0xdc: {  	v1 =	vmov s5  }
0xdd: {  	v1 =	vshrl.u32 v1, $0x3  }
0xde: {  	v1 =	vshll.u32 v1, v0  }
0xdf: {  	v1 =	vadd.s32 $0x2, v1  }
0xe0: {  	v1 =	vbroadcast v1, $0x0;
	_ =	sdelay $0x4  }
0xe1: {  	v2, _, _ =	vpop (xrf2)  }
0xe2: {  	[tilespmem:v1+s24+$0x0] =	vst.idx.msk vm0, v2  }
0xe3: {  	v1 =	vld [tilespmem:s12+$0x5180]  }
0xe4: {  	v2 =	vld [tilespmem:s12+$0x5190]  }
0xe5: {  	v3 =	vld [tilespmem:s12+$0x51A0]  }
0xe6: {  	v52 =	vld [tilespmem:s12+$0x51B0];
	_ =	sdelay $0x3  }
0xe7: {  	v1 =	vmul.f32 v1, v5;
	v2 =	vmul.f32 v2, v6  }
0xe8: {  	v3 =	vmul.f32 v3, v7;
	v4 =	vmul.f32 v52, v8;
	_ =	sdelay $0x1  }
0xe9: {  	v1 =	vadd.f32 v2, v1;
	v2 =	vadd.f32 v4, v3;
	_ =	sdelay $0x1  }
0xea: {  	v1 =	vadd.f32 v2, v1;
	_ =	sdelay $0x1  }
0xeb: {  	s5 =	sadd.s32 $0xB, s1;
	(xrf2) =	vadd.scan.msk.f32 $0xffff, v1  }
0xec: {  	v1 =	vmov s5  }
0xed: {  	v1 =	vshrl.u32 v1, $0x3  }
0xee: {  	v1 =	vshll.u32 v1, v0  }
0xef: {  	v1 =	vadd.s32 $0x3, v1  }
0xf0: {  	v1 =	vbroadcast v1, $0x0;
	_ =	sdelay $0x4  }
0xf1: {  	v2, _, _ =	vpop (xrf2)  }
0xf2: {  	[tilespmem:v1+s24+$0x0] =	vst.idx.msk vm0, v2  }
0xf3: {  	v1 =	vld [tilespmem:s12+$0x5200]  }
0xf4: {  	v2 =	vld [tilespmem:s12+$0x5210]  }
0xf5: {  	v3 =	vld [tilespmem:s12+$0x5220]  }
0xf6: {  	v53 =	vld [tilespmem:s12+$0x5230];
	_ =	sdelay $0x3  }
0xf7: {  	v1 =	vmul.f32 v1, v5;
	v2 =	vmul.f32 v2, v6  }
0xf8: {  	v3 =	vmul.f32 v3, v7;
	v4 =	vmul.f32 v53, v8;
	_ =	sdelay $0x1  }
0xf9: {  	v1 =	vadd.f32 v2, v1;
	v2 =	vadd.f32 v4, v3;
	_ =	sdelay $0x1  }
0xfa: {  	v1 =	vadd.f32 v2, v1;
	_ =	sdelay $0x1  }
0xfb: {  	s5 =	sadd.s32 $0xC, s1;
	(xrf2) =	vadd.scan.msk.f32 $0xffff, v1  }
0xfc: {  	v1 =	vmov s5  }
0xfd: {  	v1 =	vshrl.u32 v1, $0x3  }
0xfe: {  	v1 =	vshll.u32 v1, v0  }
0xff: {  	v1 =	vadd.s32 $0x4, v1  }
0x100: {  	v1 =	vbroadcast v1, $0x0;
	_ =	sdelay $0x4  }
0x101: {  	v2, _, _ =	vpop (xrf2)  }
0x102: {  	[tilespmem:v1+s24+$0x0] =	vst.idx.msk vm0, v2  }
0x103: {  	v1 =	vld [tilespmem:s12+$0x5280]  }
0x104: {  	v2 =	vld [tilespmem:s12+$0x5290]  }
0x105: {  	v3 =	vld [tilespmem:s12+$0x52A0]  }
0x106: {  	v54 =	vld [tilespmem:s12+$0x52B0];
	_ =	sdelay $0x3  }
0x107: {  	v1 =	vmul.f32 v1, v5;
	v2 =	vmul.f32 v2, v6  }
0x108: {  	v3 =	vmul.f32 v3, v7;
	v4 =	vmul.f32 v54, v8;
	_ =	sdelay $0x1  }
0x109: {  	v1 =	vadd.f32 v2, v1;
	v2 =	vadd.f32 v4, v3;
	_ =	sdelay $0x1  }
0x10a: {  	v1 =	vadd.f32 v2, v1;
	_ =	sdelay $0x1  }
0x10b: {  	s5 =	sadd.s32 $0xD, s1;
	(xrf2) =	vadd.scan.msk.f32 $0xffff, v1  }
0x10c: {  	v1 =	vmov s5  }
0x10d: {  	v1 =	vshrl.u32 v1, $0x3  }
0x10e: {  	v1 =	vshll.u32 v1, v0  }
0x10f: {  	v1 =	vadd.s32 $0x5, v1  }
0x110: {  	v1 =	vbroadcast v1, $0x0;
	_ =	sdelay $0x4  }
0x111: {  	v2, _, _ =	vpop (xrf2)  }
0x112: {  	[tilespmem:v1+s24+$0x0] =	vst.idx.msk vm0, v2  }
0x113: {  	v1 =	vld [tilespmem:s12+$0x5300]  }
0x114: {  	v2 =	vld [tilespmem:s12+$0x5310]  }
0x115: {  	v3 =	vld [tilespmem:s12+$0x5320]  }
0x116: {  	v55 =	vld [tilespmem:s12+$0x5330];
	_ =	sdelay $0x3  }
0x117: {  	v1 =	vmul.f32 v1, v5;
	v2 =	vmul.f32 v2, v6  }
0x118: {  	v3 =	vmul.f32 v3, v7;
	v4 =	vmul.f32 v55, v8;
	_ =	sdelay $0x1  }
0x119: {  	v1 =	vadd.f32 v2, v1;
	v2 =	vadd.f32 v4, v3;
	_ =	sdelay $0x1  }
0x11a: {  	v1 =	vadd.f32 v2, v1;
	_ =	sdelay $0x1  }
0x11b: {  	s5 =	sadd.s32 $0xE, s1;
	(xrf2) =	vadd.scan.msk.f32 $0xffff, v1  }
0x11c: {  	v1 =	vmov s5  }
0x11d: {  	v1 =	vshrl.u32 v1, $0x3  }
0x11e: {  	v1 =	vshll.u32 v1, v0  }
0x11f: {  	v1 =	vadd.s32 $0x6, v1  }
0x120: {  	v1 =	vbroadcast v1, $0x0;
	_ =	sdelay $0x4  }
0x121: {  	v2, _, _ =	vpop (xrf2)  }
0x122: {  	[tilespmem:v1+s24+$0x0] =	vst.idx.msk vm0, v2  }
0x123: {  	v1 =	vld [tilespmem:s12+$0x5380]  }
0x124: {  	v2 =	vld [tilespmem:s12+$0x5390]  }
0x125: {  	v3 =	vld [tilespmem:s12+$0x53A0]  }
0x126: {  	v56 =	vld [tilespmem:s12+$0x53B0];
	_ =	sdelay $0x3  }
0x127: {  	v1 =	vmul.f32 v1, v5;
	v2 =	vmul.f32 v2, v6  }
0x128: {  	v3 =	vmul.f32 v3, v7;
	v4 =	vmul.f32 v56, v8;
	_ =	sdelay $0x1  }
0x129: {  	v1 =	vadd.f32 v2, v1;
	v2 =	vadd.f32 v4, v3;
	_ =	sdelay $0x1  }
0x12a: {  	v1 =	vadd.f32 v2, v1;
	_ =	sdelay $0x1  }
0x12b: {  	s5 =	sadd.s32 $0xF, s1;
	(xrf2) =	vadd.scan.msk.f32 $0xffff, v1  }
0x12c: {  	v1 =	vmov s5  }
0x12d: {  	v1 =	vshrl.u32 v1, $0x3  }
0x12e: {  	v1 =	vshll.u32 v1, v0  }
0x12f: {  	v1 =	vadd.s32 $0x7, v1  }
0x130: {  	v1 =	vbroadcast v1, $0x0;
	_ =	sdelay $0x4  }
0x131: {  	v2, _, _ =	vpop (xrf2)  }
0x132: {  	[tilespmem:v1+s24+$0x0] =	vst.idx.msk vm0, v2  }
0x133: {  	v1 =	vld [tilespmem:s12+$0x5400]  }
0x134: {  	v2 =	vld [tilespmem:s12+$0x5410]  }
0x135: {  	v3 =	vld [tilespmem:s12+$0x5420]  }
0x136: {  	v57 =	vld [tilespmem:s12+$0x5430];
	_ =	sdelay $0x3  }
0x137: {  	v1 =	vmul.f32 v1, v5;
	v2 =	vmul.f32 v2, v6  }
0x138: {  	v3 =	vmul.f32 v3, v7;
	v4 =	vmul.f32 v57, v8;
	_ =	sdelay $0x1  }
0x139: {  	v1 =	vadd.f32 v2, v1;
	v2 =	vadd.f32 v4, v3;
	_ =	sdelay $0x1  }
0x13a: {  	v1 =	vadd.f32 v2, v1;
	_ =	sdelay $0x1  }
0x13b: {  	(xrf2) =	vadd.scan.msk.f32 $0xffff, v1  }
0x13c: {  	s5 =	sadd.s32 $0x10, s1  }
0x13d: {  	v1 =	vmov s5  }
0x13e: {  	v1 =	vshrl.u32 v1, $0x3  }
0x13f: {  	v1 =	vshll.u32 v1, v0  }
0x140: {  	v1 =	vbroadcast v1, $0x0;
	_ =	sdelay $0x4  }
0x141: {  	v2, _, _ =	vpop (xrf2)  }
0x142: {  	[tilespmem:v1+s24+$0x0] =	vst.idx.msk vm0, v2  }
0x143: {  	v1 =	vld [tilespmem:s12+$0x5480]  }
0x144: {  	v2 =	vld [tilespmem:s12+$0x5490]  }
0x145: {  	v3 =	vld [tilespmem:s12+$0x54A0]  }
0x146: {  	v58 =	vld [tilespmem:s12+$0x54B0];
	_ =	sdelay $0x3  }
0x147: {  	v1 =	vmul.f32 v1, v5;
	v2 =	vmul.f32 v2, v6  }
0x148: {  	v3 =	vmul.f32 v3, v7;
	v4 =	vmul.f32 v58, v8;
	_ =	sdelay $0x1  }
0x149: {  	v1 =	vadd.f32 v2, v1;
	v2 =	vadd.f32 v4, v3;
	_ =	sdelay $0x1  }
0x14a: {  	v1 =	vadd.f32 v2, v1;
	_ =	sdelay $0x1  }
0x14b: {  	s5 =	sadd.s32 $0x11, s1;
	(xrf2) =	vadd.scan.msk.f32 $0xffff, v1  }
0x14c: {  	v1 =	vmov s5  }
0x14d: {  	v1 =	vshrl.u32 v1, $0x3  }
0x14e: {  	v1 =	vshll.u32 v1, v0  }
0x14f: {  	v1 =	vadd.s32 $0x1, v1  }
0x150: {  	v1 =	vbroadcast v1, $0x0;
	_ =	sdelay $0x4  }
0x151: {  	v2, _, _ =	vpop (xrf2)  }
0x152: {  	[tilespmem:v1+s24+$0x0] =	vst.idx.msk vm0, v2  }
0x153: {  	v1 =	vld [tilespmem:s12+$0x5500]  }
0x154: {  	v2 =	vld [tilespmem:s12+$0x5510]  }
0x155: {  	v3 =	vld [tilespmem:s12+$0x5520]  }
0x156: {  	v59 =	vld [tilespmem:s12+$0x5530];
	_ =	sdelay $0x3  }
0x157: {  	v1 =	vmul.f32 v1, v5;
	v2 =	vmul.f32 v2, v6  }
0x158: {  	v3 =	vmul.f32 v3, v7;
	v4 =	vmul.f32 v59, v8;
	_ =	sdelay $0x1  }
0x159: {  	v1 =	vadd.f32 v2, v1;
	v2 =	vadd.f32 v4, v3;
	_ =	sdelay $0x1  }
0x15a: {  	v1 =	vadd.f32 v2, v1;
	_ =	sdelay $0x1  }
0x15b: {  	s5 =	sadd.s32 $0x12, s1;
	(xrf2) =	vadd.scan.msk.f32 $0xffff, v1  }
0x15c: {  	v1 =	vmov s5  }
0x15d: {  	v1 =	vshrl.u32 v1, $0x3  }
0x15e: {  	s13 =	sor.u32 $0x1, s0;
	v1 =	vshll.u32 v1, v0  }
0x15f: {  	s5 =	sshll.u32 s13, $0x7;
	v1 =	vadd.s32 $0x2, v1  }
0x160: {  	v3 =	vld [tilespmem:s5+$0x2C20];
	v1 =	vbroadcast v1, $0x0  }
0x161: {  	v4 =	vld [tilespmem:s5+$0x2C30]  }
0x162: {  	v13 =	vld [tilespmem:s5+$0x3C00]  }
0x163: {  	v14 =	vld [tilespmem:s5+$0x3C10]  }
0x164: {  	v15 =	vld [tilespmem:s5+$0x3C20]  }
0x165: {  	v16 =	vld [tilespmem:s5+$0x3C30];
	v2, _, _ =	vpop (xrf2)  }
0x166: {  	[tilespmem:v1+s24+$0x0] =	vst.idx.msk vm0, v2;
	v1 =	vld [tilespmem:s5+$0x2C00]  }
0x167: {  	v60 =	vld [tilespmem:s12+$0x5580]  }
0x168: {  	v10 =	vld [tilespmem:s12+$0x5590]  }
0x169: {  	v11 =	vld [tilespmem:s12+$0x55A0]  }
0x16a: {  	v12 =	vld [tilespmem:s12+$0x55B0]  }
0x16b: {  	v2 =	vld [tilespmem:s5+$0x2C10];
	_ =	sdelay $0x1  }
0x16c: {  	v63 =	vmul.f32 v15, v3;
	v16 =	vmul.f32 v16, v4  }
0x16d: {  	v5 =	vmul.f32 v60, v5;
	v6 =	vmul.f32 v10, v6  }
0x16e: {  	v7 =	vmul.f32 v11, v7;
	v8 =	vmul.f32 v12, v8  }
0x16f: {  	v61 =	vmul.f32 v13, v1;
	v62 =	vmul.f32 v14, v2  }
0x170: {  	v5 =	vadd.f32 v6, v5;
	v17 =	vadd.f32 v8, v7  }
0x171: {  	v19 =	vadd.f32 v16, v63;
	v18 =	vadd.f32 v62, v61  }
0x172: {  	v5 =	vadd.f32 v17, v5  }
0x173: {  	v20 =	vadd.f32 v19, v18  }
0x174: {  	(xrf2) =	vadd.scan.msk.f32 $0xffff, v5  }
0x175: {  	(xrf2) =	vadd.scan.msk.f32 $0xffff, v20;
	_ =	sdelay $0x4  }
0x176: {  	s5 =	sor.u32 s31, s13  }
0x177: {  	v21 =	vmov s5;
	_ =	sdelay $0x2  }
0x178: {  	s13 =	smul.u32 $0x2800, s13;
	v5, _, _ =	vpop (xrf2)  }
0x179: {  	v22, _, _ =	vpop (xrf2)  }
0x17a: {  	s12 =	sshra.s32 s13, $0x2;
	[tilespmem:v21+s23+$0x0] =	vst.idx.msk vm0, v22  }
0x17b: {  	v6 =	vld [tilespmem:s12+$0x4C00]  }
0x17c: {  	v7 =	vld [tilespmem:s12+$0x4C10]  }
0x17d: {  	v23 =	vld [tilespmem:s12+$0x4C20]  }
0x17e: {  	v24 =	vld [tilespmem:s12+$0x4C30];
	_ =	sdelay $0x3  }
0x17f: {  	v6 =	vmul.f32 v6, v1;
	v7 =	vmul.f32 v7, v2  }
0x180: {  	v8 =	vmul.f32 v23, v3;
	v9 =	vmul.f32 v24, v4;
	_ =	sdelay $0x1  }
0x181: {  	v6 =	vadd.f32 v7, v6;
	v25 =	vadd.f32 v9, v8;
	_ =	sdelay $0x1  }
0x182: {  	v6 =	vadd.f32 v25, v6  }
0x183: {  	s13 =	smul.u32 $0x14, s5  }
0x184: {  	(xrf2) =	vadd.scan.msk.f32 $0xffff, v6  }
0x185: {  	v26 =	vmov s13  }
0x186: {  	v6 =	vshrl.u32 v26, $0x3  }
0x187: {  	v6 =	vshll.u32 v6, v0  }
0x188: {  	v27 =	vadd.s32 $0x4, v6  }
0x189: {  	v7 =	vbroadcast v27, $0x0;
	_ =	sdelay $0x4  }
0x18a: {  	v28, _, _ =	vpop (xrf2)  }
0x18b: {  	[tilespmem:v7+s24+$0x0] =	vst.idx.msk vm0, v28  }
0x18c: {  	v7 =	vld [tilespmem:s12+$0x4C80]  }
0x18d: {  	v8 =	vld [tilespmem:s12+$0x4C90]  }
0x18e: {  	v29 =	vld [tilespmem:s12+$0x4CA0]  }
0x18f: {  	v30 =	vld [tilespmem:s12+$0x4CB0];
	_ =	sdelay $0x3  }
0x190: {  	v7 =	vmul.f32 v7, v1;
	v8 =	vmul.f32 v8, v2  }
0x191: {  	v9 =	vmul.f32 v29, v3;
	v10 =	vmul.f32 v30, v4;
	_ =	sdelay $0x1  }
0x192: {  	v7 =	vadd.f32 v8, v7;
	v31 =	vadd.f32 v10, v9;
	_ =	sdelay $0x1  }
0x193: {  	v7 =	vadd.f32 v31, v7;
	_ =	sdelay $0x1  }
0x194: {  	(xrf2) =	vadd.scan.msk.f32 $0xffff, v7;
	_ =	sdelay $0x3  }
0x195: {  	v32 =	vadd.s32 $0x5, v6  }
0x196: {  	v7 =	vbroadcast v32, $0x0;
	_ =	sdelay $0x4  }
0x197: {  	v33, _, _ =	vpop (xrf2)  }
0x198: {  	[tilespmem:v7+s24+$0x0] =	vst.idx.msk vm0, v33  }
0x199: {  	v7 =	vld [tilespmem:s12+$0x4D00]  }
0x19a: {  	v8 =	vld [tilespmem:s12+$0x4D10]  }
0x19b: {  	v34 =	vld [tilespmem:s12+$0x4D20]  }
0x19c: {  	v35 =	vld [tilespmem:s12+$0x4D30];
	_ =	sdelay $0x3  }
0x19d: {  	v7 =	vmul.f32 v7, v1;
	v8 =	vmul.f32 v8, v2  }
0x19e: {  	v9 =	vmul.f32 v34, v3;
	v10 =	vmul.f32 v35, v4;
	_ =	sdelay $0x1  }
0x19f: {  	v7 =	vadd.f32 v8, v7;
	v36 =	vadd.f32 v10, v9;
	_ =	sdelay $0x1  }
0x1a0: {  	v7 =	vadd.f32 v36, v7;
	_ =	sdelay $0x1  }
0x1a1: {  	(xrf2) =	vadd.scan.msk.f32 $0xffff, v7;
	_ =	sdelay $0x3  }
0x1a2: {  	v37 =	vadd.s32 $0x6, v6  }
0x1a3: {  	v7 =	vbroadcast v37, $0x0;
	_ =	sdelay $0x4  }
0x1a4: {  	v38, _, _ =	vpop (xrf2)  }
0x1a5: {  	[tilespmem:v7+s24+$0x0] =	vst.idx.msk vm0, v38  }
0x1a6: {  	v7 =	vld [tilespmem:s12+$0x4D80]  }
0x1a7: {  	v8 =	vld [tilespmem:s12+$0x4D90]  }
0x1a8: {  	v39 =	vld [tilespmem:s12+$0x4DA0]  }
0x1a9: {  	v40 =	vld [tilespmem:s12+$0x4DB0];
	_ =	sdelay $0x3  }
0x1aa: {  	v7 =	vmul.f32 v7, v1;
	v8 =	vmul.f32 v8, v2  }
0x1ab: {  	v9 =	vmul.f32 v39, v3;
	v10 =	vmul.f32 v40, v4;
	_ =	sdelay $0x1  }
0x1ac: {  	v7 =	vadd.f32 v8, v7;
	v41 =	vadd.f32 v10, v9;
	_ =	sdelay $0x1  }
0x1ad: {  	v7 =	vadd.f32 v41, v7;
	_ =	sdelay $0x1  }
0x1ae: {  	(xrf2) =	vadd.scan.msk.f32 $0xffff, v7;
	_ =	sdelay $0x3  }
0x1af: {  	v6 =	vadd.s32 $0x7, v6  }
0x1b0: {  	v6 =	vbroadcast v6, $0x0;
	_ =	sdelay $0x4  }
0x1b1: {  	v7, _, _ =	vpop (xrf2)  }
0x1b2: {  	[tilespmem:v6+s24+$0x0] =	vst.idx.msk vm0, v7  }
0x1b3: {  	v6 =	vld [tilespmem:s12+$0x4E00]  }
0x1b4: {  	v7 =	vld [tilespmem:s12+$0x4E10]  }
0x1b5: {  	v42 =	vld [tilespmem:s12+$0x4E20]  }
0x1b6: {  	v43 =	vld [tilespmem:s12+$0x4E30];
	_ =	sdelay $0x3  }
0x1b7: {  	v6 =	vmul.f32 v6, v1;
	v7 =	vmul.f32 v7, v2  }
0x1b8: {  	v8 =	vmul.f32 v42, v3;
	v9 =	vmul.f32 v43, v4;
	_ =	sdelay $0x1  }
0x1b9: {  	v6 =	vadd.f32 v7, v6;
	v44 =	vadd.f32 v9, v8;
	_ =	sdelay $0x1  }
0x1ba: {  	v6 =	vadd.f32 v44, v6;
	_ =	sdelay $0x1  }
0x1bb: {  	(xrf2) =	vadd.scan.msk.f32 $0xffff, v6  }
0x1bc: {  	s5 =	sadd.s32 $0x4, s13  }
0x1bd: {  	v45 =	vmov s5  }
0x1be: {  	v6 =	vshrl.u32 v45, $0x3  }
0x1bf: {  	v6 =	vshll.u32 v6, v0  }
0x1c0: {  	v6 =	vbroadcast v6, $0x0;
	_ =	sdelay $0x4  }
0x1c1: {  	v46, _, _ =	vpop (xrf2)  }
0x1c2: {  	[tilespmem:v6+s24+$0x0] =	vst.idx.msk vm0, v46  }
0x1c3: {  	v6 =	vld [tilespmem:s12+$0x4E80]  }
0x1c4: {  	v7 =	vld [tilespmem:s12+$0x4E90]  }
0x1c5: {  	v47 =	vld [tilespmem:s12+$0x4EA0]  }
0x1c6: {  	v48 =	vld [tilespmem:s12+$0x4EB0];
	_ =	sdelay $0x3  }
0x1c7: {  	v6 =	vmul.f32 v6, v1;
	v7 =	vmul.f32 v7, v2  }
0x1c8: {  	v8 =	vmul.f32 v47, v3;
	v9 =	vmul.f32 v48, v4;
	_ =	sdelay $0x1  }
0x1c9: {  	v6 =	vadd.f32 v7, v6;
	v49 =	vadd.f32 v9, v8;
	_ =	sdelay $0x1  }
0x1ca: {  	v6 =	vadd.f32 v49, v6;
	_ =	sdelay $0x1  }
0x1cb: {  	s5 =	sadd.s32 $0x5, s13;
	(xrf2) =	vadd.scan.msk.f32 $0xffff, v6  }
0x1cc: {  	v50 =	vmov s5  }
0x1cd: {  	v6 =	vshrl.u32 v50, $0x3  }
0x1ce: {  	v6 =	vshll.u32 v6, v0  }
0x1cf: {  	v6 =	vadd.s32 $0x1, v6  }
0x1d0: {  	v6 =	vbroadcast v6, $0x0;
	_ =	sdelay $0x4  }
0x1d1: {  	v51, _, _ =	vpop (xrf2)  }
0x1d2: {  	[tilespmem:v6+s24+$0x0] =	vst.idx.msk vm0, v51  }
0x1d3: {  	v6 =	vld [tilespmem:s12+$0x4F00]  }
0x1d4: {  	v7 =	vld [tilespmem:s12+$0x4F10]  }
0x1d5: {  	v52 =	vld [tilespmem:s12+$0x4F20]  }
0x1d6: {  	v53 =	vld [tilespmem:s12+$0x4F30];
	_ =	sdelay $0x3  }
0x1d7: {  	v6 =	vmul.f32 v6, v1;
	v7 =	vmul.f32 v7, v2  }
0x1d8: {  	v8 =	vmul.f32 v52, v3;
	v9 =	vmul.f32 v53, v4;
	_ =	sdelay $0x1  }
0x1d9: {  	v6 =	vadd.f32 v7, v6;
	v54 =	vadd.f32 v9, v8;
	_ =	sdelay $0x1  }
0x1da: {  	v6 =	vadd.f32 v54, v6;
	_ =	sdelay $0x1  }
0x1db: {  	s5 =	sadd.s32 $0x6, s13;
	(xrf2) =	vadd.scan.msk.f32 $0xffff, v6  }
0x1dc: {  	v55 =	vmov s5  }
0x1dd: {  	v6 =	vshrl.u32 v55, $0x3  }
0x1de: {  	v6 =	vshll.u32 v6, v0  }
0x1df: {  	v6 =	vadd.s32 $0x2, v6  }
0x1e0: {  	v6 =	vbroadcast v6, $0x0;
	_ =	sdelay $0x4  }
0x1e1: {  	v56, _, _ =	vpop (xrf2)  }
0x1e2: {  	[tilespmem:v6+s24+$0x0] =	vst.idx.msk vm0, v56  }
0x1e3: {  	v6 =	vld [tilespmem:s12+$0x4F80]  }
0x1e4: {  	v7 =	vld [tilespmem:s12+$0x4F90]  }
0x1e5: {  	v57 =	vld [tilespmem:s12+$0x4FA0]  }
0x1e6: {  	v58 =	vld [tilespmem:s12+$0x4FB0];
	_ =	sdelay $0x3  }
0x1e7: {  	v6 =	vmul.f32 v6, v1;
	v7 =	vmul.f32 v7, v2  }
0x1e8: {  	v8 =	vmul.f32 v57, v3;
	v9 =	vmul.f32 v58, v4;
	_ =	sdelay $0x1  }
0x1e9: {  	v6 =	vadd.f32 v7, v6;
	v59 =	vadd.f32 v9, v8;
	_ =	sdelay $0x1  }
0x1ea: {  	v6 =	vadd.f32 v59, v6;
	_ =	sdelay $0x1  }
0x1eb: {  	s5 =	sadd.s32 $0x7, s13;
	(xrf2) =	vadd.scan.msk.f32 $0xffff, v6  }
0x1ec: {  	v60 =	vmov s5  }
0x1ed: {  	v6 =	vshrl.u32 v60, $0x3  }
0x1ee: {  	v6 =	vshll.u32 v6, v0  }
0x1ef: {  	v6 =	vadd.s32 $0x3, v6  }
0x1f0: {  	v6 =	vbroadcast v6, $0x0;
	_ =	sdelay $0x4  }
0x1f1: {  	v61, _, _ =	vpop (xrf2)  }
0x1f2: {  	[tilespmem:v6+s24+$0x0] =	vst.idx.msk vm0, v61  }
0x1f3: {  	v6 =	vld [tilespmem:s12+$0x5000]  }
0x1f4: {  	v7 =	vld [tilespmem:s12+$0x5010]  }
0x1f5: {  	v62 =	vld [tilespmem:s12+$0x5020]  }
0x1f6: {  	v63 =	vld [tilespmem:s12+$0x5030];
	_ =	sdelay $0x3  }
0x1f7: {  	v6 =	vmul.f32 v6, v1;
	v7 =	vmul.f32 v7, v2  }
0x1f8: {  	v8 =	vmul.f32 v62, v3;
	v9 =	vmul.f32 v63, v4;
	_ =	sdelay $0x1  }
0x1f9: {  	v6 =	vadd.f32 v7, v6;
	v9 =	vadd.f32 v9, v8;
	_ =	sdelay $0x1  }
0x1fa: {  	v6 =	vadd.f32 v9, v6;
	_ =	sdelay $0x1  }
0x1fb: {  	s5 =	sadd.s32 $0x8, s13;
	(xrf2) =	vadd.scan.msk.f32 $0xffff, v6  }
0x1fc: {  	v10 =	vmov s5  }
0x1fd: {  	v6 =	vshrl.u32 v10, $0x3  }
0x1fe: {  	v6 =	vshll.u32 v6, v0  }
0x1ff: {  	v6 =	vadd.s32 $0x4, v6  }
0x200: {  	v6 =	vbroadcast v6, $0x0;
	_ =	sdelay $0x4  }
0x201: {  	v11, _, _ =	vpop (xrf2)  }
0x202: {  	[tilespmem:v6+s24+$0x0] =	vst.idx.msk vm0, v11  }
0x203: {  	v6 =	vld [tilespmem:s12+$0x5080]  }
0x204: {  	v7 =	vld [tilespmem:s12+$0x5090]  }
0x205: {  	v12 =	vld [tilespmem:s12+$0x50A0]  }
0x206: {  	v13 =	vld [tilespmem:s12+$0x50B0];
	_ =	sdelay $0x3  }
0x207: {  	v6 =	vmul.f32 v6, v1;
	v7 =	vmul.f32 v7, v2  }
0x208: {  	v8 =	vmul.f32 v12, v3;
	v9 =	vmul.f32 v13, v4;
	_ =	sdelay $0x1  }
0x209: {  	v6 =	vadd.f32 v7, v6;
	v14 =	vadd.f32 v9, v8;
	_ =	sdelay $0x1  }
0x20a: {  	v6 =	vadd.f32 v14, v6;
	_ =	sdelay $0x1  }
0x20b: {  	s5 =	sadd.s32 $0x9, s13;
	(xrf2) =	vadd.scan.msk.f32 $0xffff, v6  }
0x20c: {  	v15 =	vmov s5  }
0x20d: {  	v6 =	vshrl.u32 v15, $0x3  }
0x20e: {  	v6 =	vshll.u32 v6, v0  }
0x20f: {  	v6 =	vadd.s32 $0x5, v6  }
0x210: {  	v6 =	vbroadcast v6, $0x0;
	_ =	sdelay $0x4  }
0x211: {  	v16, _, _ =	vpop (xrf2)  }
0x212: {  	[tilespmem:v6+s24+$0x0] =	vst.idx.msk vm0, v16  }
0x213: {  	v6 =	vld [tilespmem:s12+$0x5100]  }
0x214: {  	v7 =	vld [tilespmem:s12+$0x5110]  }
0x215: {  	v17 =	vld [tilespmem:s12+$0x5120]  }
0x216: {  	v18 =	vld [tilespmem:s12+$0x5130];
	_ =	sdelay $0x3  }
0x217: {  	v6 =	vmul.f32 v6, v1;
	v7 =	vmul.f32 v7, v2  }
0x218: {  	v8 =	vmul.f32 v17, v3;
	v9 =	vmul.f32 v18, v4;
	_ =	sdelay $0x1  }
0x219: {  	v6 =	vadd.f32 v7, v6;
	v19 =	vadd.f32 v9, v8;
	_ =	sdelay $0x1  }
0x21a: {  	v6 =	vadd.f32 v19, v6;
	_ =	sdelay $0x1  }
0x21b: {  	s5 =	sadd.s32 $0xA, s13;
	(xrf2) =	vadd.scan.msk.f32 $0xffff, v6  }
0x21c: {  	v20 =	vmov s5  }
0x21d: {  	v6 =	vshrl.u32 v20, $0x3  }
0x21e: {  	v6 =	vshll.u32 v6, v0  }
0x21f: {  	v6 =	vadd.s32 $0x6, v6  }
0x220: {  	v6 =	vbroadcast v6, $0x0;
	_ =	sdelay $0x4  }
0x221: {  	v21, _, _ =	vpop (xrf2)  }
0x222: {  	[tilespmem:v6+s24+$0x0] =	vst.idx.msk vm0, v21  }
0x223: {  	v6 =	vld [tilespmem:s12+$0x5180]  }
0x224: {  	v7 =	vld [tilespmem:s12+$0x5190]  }
0x225: {  	v22 =	vld [tilespmem:s12+$0x51A0]  }
0x226: {  	v23 =	vld [tilespmem:s12+$0x51B0];
	_ =	sdelay $0x3  }
0x227: {  	v6 =	vmul.f32 v6, v1;
	v7 =	vmul.f32 v7, v2  }
0x228: {  	v8 =	vmul.f32 v22, v3;
	v9 =	vmul.f32 v23, v4;
	_ =	sdelay $0x1  }
0x229: {  	v6 =	vadd.f32 v7, v6;
	v24 =	vadd.f32 v9, v8;
	_ =	sdelay $0x1  }
0x22a: {  	v6 =	vadd.f32 v24, v6;
	_ =	sdelay $0x1  }
0x22b: {  	s5 =	sadd.s32 $0xB, s13;
	(xrf2) =	vadd.scan.msk.f32 $0xffff, v6  }
0x22c: {  	v25 =	vmov s5  }
0x22d: {  	v6 =	vshrl.u32 v25, $0x3  }
0x22e: {  	v6 =	vshll.u32 v6, v0  }
0x22f: {  	v6 =	vadd.s32 $0x7, v6  }
0x230: {  	v6 =	vbroadcast v6, $0x0;
	_ =	sdelay $0x4  }
0x231: {  	v26, _, _ =	vpop (xrf2)  }
0x232: {  	[tilespmem:v6+s24+$0x0] =	vst.idx.msk vm0, v26  }
0x233: {  	v6 =	vld [tilespmem:s12+$0x5200]  }
0x234: {  	v7 =	vld [tilespmem:s12+$0x5210]  }
0x235: {  	v27 =	vld [tilespmem:s12+$0x5220]  }
0x236: {  	v28 =	vld [tilespmem:s12+$0x5230];
	_ =	sdelay $0x3  }
0x237: {  	v6 =	vmul.f32 v6, v1;
	v7 =	vmul.f32 v7, v2  }
0x238: {  	v8 =	vmul.f32 v27, v3;
	v9 =	vmul.f32 v28, v4;
	_ =	sdelay $0x1  }
0x239: {  	v6 =	vadd.f32 v7, v6;
	v29 =	vadd.f32 v9, v8;
	_ =	sdelay $0x1  }
0x23a: {  	v6 =	vadd.f32 v29, v6;
	_ =	sdelay $0x1  }
0x23b: {  	(xrf2) =	vadd.scan.msk.f32 $0xffff, v6  }
0x23c: {  	s5 =	sadd.s32 $0xC, s13  }
0x23d: {  	v30 =	vmov s5  }
0x23e: {  	v6 =	vshrl.u32 v30, $0x3  }
0x23f: {  	v6 =	vshll.u32 v6, v0  }
0x240: {  	v6 =	vbroadcast v6, $0x0;
	_ =	sdelay $0x4  }
0x241: {  	v31, _, _ =	vpop (xrf2)  }
0x242: {  	[tilespmem:v6+s24+$0x0] =	vst.idx.msk vm0, v31  }
0x243: {  	v6 =	vld [tilespmem:s12+$0x5280]  }
0x244: {  	v7 =	vld [tilespmem:s12+$0x5290]  }
0x245: {  	v32 =	vld [tilespmem:s12+$0x52A0]  }
0x246: {  	v33 =	vld [tilespmem:s12+$0x52B0];
	_ =	sdelay $0x3  }
0x247: {  	v6 =	vmul.f32 v6, v1;
	v7 =	vmul.f32 v7, v2  }
0x248: {  	v8 =	vmul.f32 v32, v3;
	v9 =	vmul.f32 v33, v4;
	_ =	sdelay $0x1  }
0x249: {  	v6 =	vadd.f32 v7, v6;
	v34 =	vadd.f32 v9, v8;
	_ =	sdelay $0x1  }
0x24a: {  	v6 =	vadd.f32 v34, v6;
	_ =	sdelay $0x1  }
0x24b: {  	s5 =	sadd.s32 $0xD, s13;
	(xrf2) =	vadd.scan.msk.f32 $0xffff, v6  }
0x24c: {  	v35 =	vmov s5  }
0x24d: {  	v6 =	vshrl.u32 v35, $0x3  }
0x24e: {  	v6 =	vshll.u32 v6, v0  }
0x24f: {  	v6 =	vadd.s32 $0x1, v6  }
0x250: {  	v6 =	vbroadcast v6, $0x0;
	_ =	sdelay $0x4  }
0x251: {  	v36, _, _ =	vpop (xrf2)  }
0x252: {  	[tilespmem:v6+s24+$0x0] =	vst.idx.msk vm0, v36  }
0x253: {  	v6 =	vld [tilespmem:s12+$0x5300]  }
0x254: {  	v7 =	vld [tilespmem:s12+$0x5310]  }
0x255: {  	v37 =	vld [tilespmem:s12+$0x5320]  }
0x256: {  	v38 =	vld [tilespmem:s12+$0x5330];
	_ =	sdelay $0x3  }
0x257: {  	v6 =	vmul.f32 v6, v1;
	v7 =	vmul.f32 v7, v2  }
0x258: {  	v8 =	vmul.f32 v37, v3;
	v9 =	vmul.f32 v38, v4;
	_ =	sdelay $0x1  }
0x259: {  	v6 =	vadd.f32 v7, v6;
	v39 =	vadd.f32 v9, v8;
	_ =	sdelay $0x1  }
0x25a: {  	v6 =	vadd.f32 v39, v6;
	_ =	sdelay $0x1  }
0x25b: {  	s5 =	sadd.s32 $0xE, s13;
	(xrf2) =	vadd.scan.msk.f32 $0xffff, v6  }
0x25c: {  	v40 =	vmov s5  }
0x25d: {  	v6 =	vshrl.u32 v40, $0x3  }
0x25e: {  	v6 =	vshll.u32 v6, v0  }
0x25f: {  	v6 =	vadd.s32 $0x2, v6  }
0x260: {  	v6 =	vbroadcast v6, $0x0;
	_ =	sdelay $0x4  }
0x261: {  	v41, _, _ =	vpop (xrf2)  }
0x262: {  	[tilespmem:v6+s24+$0x0] =	vst.idx.msk vm0, v41  }
0x263: {  	v6 =	vld [tilespmem:s12+$0x5380]  }
0x264: {  	v7 =	vld [tilespmem:s12+$0x5390]  }
0x265: {  	v42 =	vld [tilespmem:s12+$0x53A0]  }
0x266: {  	v43 =	vld [tilespmem:s12+$0x53B0];
	_ =	sdelay $0x3  }
0x267: {  	v6 =	vmul.f32 v6, v1;
	v7 =	vmul.f32 v7, v2  }
0x268: {  	v8 =	vmul.f32 v42, v3;
	v9 =	vmul.f32 v43, v4;
	_ =	sdelay $0x1  }
0x269: {  	v6 =	vadd.f32 v7, v6;
	v44 =	vadd.f32 v9, v8;
	_ =	sdelay $0x1  }
0x26a: {  	v6 =	vadd.f32 v44, v6;
	_ =	sdelay $0x1  }
0x26b: {  	s5 =	sadd.s32 $0xF, s13;
	(xrf2) =	vadd.scan.msk.f32 $0xffff, v6  }
0x26c: {  	v45 =	vmov s5  }
0x26d: {  	v6 =	vshrl.u32 v45, $0x3  }
0x26e: {  	v6 =	vshll.u32 v6, v0  }
0x26f: {  	v6 =	vadd.s32 $0x3, v6  }
0x270: {  	v6 =	vbroadcast v6, $0x0;
	_ =	sdelay $0x4  }
0x271: {  	v46, _, _ =	vpop (xrf2)  }
0x272: {  	[tilespmem:v6+s24+$0x0] =	vst.idx.msk vm0, v46  }
0x273: {  	v6 =	vld [tilespmem:s12+$0x5400]  }
0x274: {  	v7 =	vld [tilespmem:s12+$0x5410]  }
0x275: {  	v47 =	vld [tilespmem:s12+$0x5420]  }
0x276: {  	v48 =	vld [tilespmem:s12+$0x5430];
	_ =	sdelay $0x3  }
0x277: {  	v6 =	vmul.f32 v6, v1;
	v7 =	vmul.f32 v7, v2  }
0x278: {  	v8 =	vmul.f32 v47, v3;
	v9 =	vmul.f32 v48, v4;
	_ =	sdelay $0x1  }
0x279: {  	v6 =	vadd.f32 v7, v6;
	v49 =	vadd.f32 v9, v8;
	_ =	sdelay $0x1  }
0x27a: {  	v6 =	vadd.f32 v49, v6;
	_ =	sdelay $0x1  }
0x27b: {  	s5 =	sadd.s32 $0x10, s13;
	(xrf2) =	vadd.scan.msk.f32 $0xffff, v6  }
0x27c: {  	v50 =	vmov s5  }
0x27d: {  	v6 =	vshrl.u32 v50, $0x3  }
0x27e: {  	v6 =	vshll.u32 v6, v0  }
0x27f: {  	v6 =	vadd.s32 $0x4, v6  }
0x280: {  	v6 =	vbroadcast v6, $0x0;
	_ =	sdelay $0x4  }
0x281: {  	v51, _, _ =	vpop (xrf2)  }
0x282: {  	[tilespmem:v6+s24+$0x0] =	vst.idx.msk vm0, v51  }
0x283: {  	v6 =	vld [tilespmem:s12+$0x5480]  }
0x284: {  	v7 =	vld [tilespmem:s12+$0x5490]  }
0x285: {  	v52 =	vld [tilespmem:s12+$0x54A0]  }
0x286: {  	v53 =	vld [tilespmem:s12+$0x54B0];
	_ =	sdelay $0x3  }
0x287: {  	v6 =	vmul.f32 v6, v1;
	v7 =	vmul.f32 v7, v2  }
0x288: {  	v8 =	vmul.f32 v52, v3;
	v9 =	vmul.f32 v53, v4;
	_ =	sdelay $0x1  }
0x289: {  	v6 =	vadd.f32 v7, v6;
	v54 =	vadd.f32 v9, v8;
	_ =	sdelay $0x1  }
0x28a: {  	v6 =	vadd.f32 v54, v6;
	_ =	sdelay $0x1  }
0x28b: {  	s5 =	sadd.s32 $0x11, s13;
	(xrf2) =	vadd.scan.msk.f32 $0xffff, v6  }
0x28c: {  	v55 =	vmov s5  }
0x28d: {  	v6 =	vshrl.u32 v55, $0x3  }
0x28e: {  	v6 =	vshll.u32 v6, v0  }
0x28f: {  	v6 =	vadd.s32 $0x5, v6  }
0x290: {  	v6 =	vbroadcast v6, $0x0;
	_ =	sdelay $0x4  }
0x291: {  	v56, _, _ =	vpop (xrf2)  }
0x292: {  	[tilespmem:v6+s24+$0x0] =	vst.idx.msk vm0, v56  }
0x293: {  	v6 =	vld [tilespmem:s12+$0x5500]  }
0x294: {  	v7 =	vld [tilespmem:s12+$0x5510]  }
0x295: {  	v57 =	vld [tilespmem:s12+$0x5520]  }
0x296: {  	v58 =	vld [tilespmem:s12+$0x5530];
	_ =	sdelay $0x3  }
0x297: {  	v6 =	vmul.f32 v6, v1;
	v7 =	vmul.f32 v7, v2  }
0x298: {  	v8 =	vmul.f32 v57, v3;
	v9 =	vmul.f32 v58, v4;
	_ =	sdelay $0x1  }
0x299: {  	v6 =	vadd.f32 v7, v6;
	v59 =	vadd.f32 v9, v8;
	_ =	sdelay $0x1  }
0x29a: {  	v6 =	vadd.f32 v59, v6;
	_ =	sdelay $0x1  }
0x29b: {  	s5 =	sadd.s32 $0x12, s13;
	(xrf2) =	vadd.scan.msk.f32 $0xffff, v6  }
0x29c: {  	v60 =	vmov s5  }
0x29d: {  	v6 =	vshrl.u32 v60, $0x3  }
0x29e: {  	v6 =	vshll.u32 v6, v0  }
0x29f: {  	v6 =	vadd.s32 $0x6, v6  }
0x2a0: {  	v6 =	vbroadcast v6, $0x0;
	_ =	sdelay $0x4  }
0x2a1: {  	v61, _, _ =	vpop (xrf2)  }
0x2a2: {  	[tilespmem:v6+s24+$0x0] =	vst.idx.msk vm0, v61  }
0x2a3: {  	v6 =	vld [tilespmem:s12+$0x5580]  }
0x2a4: {  	v7 =	vld [tilespmem:s12+$0x5590]  }
0x2a5: {  	v62 =	vld [tilespmem:s12+$0x55A0]  }
0x2a6: {  	v63 =	vld [tilespmem:s12+$0x55B0];
	_ =	sdelay $0x3  }
0x2a7: {  	v1 =	vmul.f32 v6, v1;
	v2 =	vmul.f32 v7, v2  }
0x2a8: {  	v3 =	vmul.f32 v62, v3;
	v4 =	vmul.f32 v63, v4;
	_ =	sdelay $0x1  }
0x2a9: {  	v1 =	vadd.f32 v2, v1;
	v2 =	vadd.f32 v4, v3;
	_ =	sdelay $0x1  }
0x2aa: {  	v1 =	vadd.f32 v2, v1  }
0x2ab: {  	s1 =	sadd.s32 $0x13, s1  }
0x2ac: {  	s12 =	sadd.s32 $0x13, s13;
	v2 =	vmov s1;
	(xrf2) =	vadd.scan.msk.f32 $0xffff, v1  }
0x2ad: {  	v1 =	vshrl.u32 v2, $0x3;
	v2 =	vmov s12  }
0x2ae: {  	v1 =	vshll.u32 v1, v0;
	v2 =	vshrl.u32 v2, $0x3  }
0x2af: {  	v1 =	vadd.s32 $0x3, v1;
	v2 =	vshll.u32 v2, v0  }
0x2b0: {  	v1 =	vbroadcast v1, $0x0;
	v2 =	vadd.s32 $0x7, v2  }
0x2b1: {  	v2 =	vbroadcast v2, $0x0  }
0x2b2: {  	p0 =	slt.u32 s0, $0xE  }
.Ltmp0:
0x2b3: {  	_ = 	snop;
	(pc) =	sbr.rel @p0 .LBB2_3-.Ltmp0, $3  }
0x2b4: {  	_ =	sdelay $0x1  }
0x2b5: {  	s13 =	sadd.s32 $0x2, s0;
	[tilespmem:v1+s24+$0x0] =	vst.idx.msk vm0, v5;
	v1, _, _ =	vpop (xrf2)  }
0x2b6: {  	s0 =	smov.u32 s13;
	[tilespmem:v2+s24+$0x0] =	vst.idx.msk vm0, v1  }
0x2b7: {  	s0 =	smin.u32 s30, $0x1D  }
0x2b8: {  	s0 =	sadd.s32 $0x2, s0  }
0x2b9: {  	s1 =	sshll.u32 s0, $0x4;
	s0 =	smul.u32 $0x500, s0  }
0x2ba: {  	[tilespmem:s15], [sflag:$0x1] =	stream.indirect.gather [hbm4b:s3+s14], $0x80, s1, s14, $0xb8;
	[tilespmem:$0x1B600] =	vst v63  }
0x2bb: {  	s1 =	sadd.s32 $0x200, s1;
	s0 =	sshrl.u32 s0, $0x2  }
0x2bc: {  	[tilespmem:s16], [sflag:$0x1] =	stream.indirect.gather [hbm4b:s4+s14], $0x80, s1, s14, $0xb8;
	[tilespmem:$0x1B600] =	vst v63  }
0x2bd: {  	s0 =	sadd.s32 $0x400, s0  }
0x2be: {  	[tilespmem:s18], [sflag:$0x1] =	stream.indirect.gather [hbm4b:s4+s17], $0x80, s0, s17, $0xb8;
	[tilespmem:$0x1B600] =	vst v63  }
0x2bf: {  	_ =	swait.ge [sflag:s25], $0x800  }
0x2c0: {  	[sflag:s25] =	ssyncset.done $0x0  }
0x2c1: {  	[sflag:s25] =	ssyncadd.s32 $0xFFFFF800  }
0x2c2: {  	_ =	swait.ge [sflag:s25], $0x800  }
0x2c3: {  	[sflag:s25] =	ssyncset.done $0x0  }
0x2c4: {  	[sflag:s25] =	ssyncadd.s32 $0xFFFFF800  }
0x2c5: {  	_ =	swait.ge [sflag:s25], $0xA000  }
0x2c6: {  	[sflag:s25] =	ssyncset.done $0x0  }
0x2c7: {  	s0 =	simm.s32 $0x0;
	[sflag:s25] =	ssyncadd.s32 $0xFFFF6000  }
.LBB2_5:
0x2c8: {  	s1 =	sshll.u32 s0, $0x7  }
0x2c9: {  	v5 =	vld [tilespmem:s1+$0x3400]  }
0x2ca: {  	v6 =	vld [tilespmem:s1+$0x3410]  }
0x2cb: {  	v7 =	vld [tilespmem:s1+$0x3420]  }
0x2cc: {  	v8 =	vld [tilespmem:s1+$0x3430]  }
0x2cd: {  	v1 =	vld [tilespmem:s1+$0x4400]  }
0x2ce: {  	v2 =	vld [tilespmem:s1+$0x4410]  }
0x2cf: {  	v3 =	vld [tilespmem:s1+$0x4420]  }
0x2d0: {  	v4 =	vld [tilespmem:s1+$0x4430];
	_ =	sdelay $0x3  }
0x2d1: {  	v1 =	vmul.f32 v1, v5;
	v2 =	vmul.f32 v2, v6  }
0x2d2: {  	v3 =	vmul.f32 v3, v7;
	v4 =	vmul.f32 v4, v8;
	_ =	sdelay $0x1  }
0x2d3: {  	v1 =	vadd.f32 v2, v1;
	v2 =	vadd.f32 v4, v3;
	_ =	sdelay $0x1  }
0x2d4: {  	v1 =	vadd.f32 v2, v1;
	_ =	sdelay $0x1  }
0x2d5: {  	(xrf2) =	vadd.scan.msk.f32 $0xffff, v1;
	_ =	sdelay $0x1  }
0x2d6: {  	s31 =	sor.u32 s29, s0  }
0x2d7: {  	v1 =	vmov s31  }
0x2d8: {  	v1 =	vand.u32 $0xFFFFFFFE, v1  }
0x2d9: {  	v1 =	vbroadcast v1, $0x0;
	_ =	sdelay $0x3  }
0x2da: {  	s5 =	smul.u32 $0x2800, s0  }
0x2db: {  	v2, _, _ =	vpop (xrf2)  }
0x2dc: {  	s12 =	sshra.s32 s5, $0x2;
	[tilespmem:v1+s23+$0x0] =	vst.idx.msk vm0, v2  }
0x2dd: {  	v1 =	vld [tilespmem:s12+$0xEC00]  }
0x2de: {  	v2 =	vld [tilespmem:s12+$0xEC10]  }
0x2df: {  	v3 =	vld [tilespmem:s12+$0xEC20]  }
0x2e0: {  	v35 =	vld [tilespmem:s12+$0xEC30];
	_ =	sdelay $0x3  }
0x2e1: {  	v1 =	vmul.f32 v1, v5;
	v2 =	vmul.f32 v2, v6  }
0x2e2: {  	v3 =	vmul.f32 v3, v7;
	v4 =	vmul.f32 v35, v8;
	_ =	sdelay $0x1  }
0x2e3: {  	v1 =	vadd.f32 v2, v1;
	v2 =	vadd.f32 v4, v3;
	_ =	sdelay $0x1  }
0x2e4: {  	v1 =	vadd.f32 v2, v1;
	_ =	sdelay $0x1  }
0x2e5: {  	s1 =	smul.u32 $0x14, s31;
	(xrf2) =	vadd.scan.msk.f32 $0xffff, v1;
	_ =	sdelay $0x1  }
0x2e6: {  	v1 =	vmov s1  }
0x2e7: {  	v1 =	vshrl.u32 v1, $0x3  }
0x2e8: {  	v1 =	vshll.u32 v1, v0  }
0x2e9: {  	v2 =	vbroadcast v1, $0x0;
	_ =	sdelay $0x4  }
0x2ea: {  	v3, _, _ =	vpop (xrf2)  }
0x2eb: {  	[tilespmem:v2+s24+$0x0] =	vst.idx.msk vm0, v3  }
0x2ec: {  	v2 =	vld [tilespmem:s12+$0xEC80]  }
0x2ed: {  	v3 =	vld [tilespmem:s12+$0xEC90]  }
0x2ee: {  	v36 =	vld [tilespmem:s12+$0xECA0]  }
0x2ef: {  	v9 =	vld [tilespmem:s12+$0xECB0];
	_ =	sdelay $0x3  }
0x2f0: {  	v2 =	vmul.f32 v2, v5;
	v3 =	vmul.f32 v3, v6  }
0x2f1: {  	v4 =	vmul.f32 v36, v7;
	v9 =	vmul.f32 v9, v8;
	_ =	sdelay $0x1  }
0x2f2: {  	v2 =	vadd.f32 v3, v2;
	v3 =	vadd.f32 v9, v4;
	_ =	sdelay $0x1  }
0x2f3: {  	v2 =	vadd.f32 v3, v2;
	_ =	sdelay $0x1  }
0x2f4: {  	(xrf2) =	vadd.scan.msk.f32 $0xffff, v2;
	_ =	sdelay $0x3  }
0x2f5: {  	v2 =	vadd.s32 $0x1, v1  }
0x2f6: {  	v2 =	vbroadcast v2, $0x0;
	_ =	sdelay $0x4  }
0x2f7: {  	v3, _, _ =	vpop (xrf2)  }
0x2f8: {  	[tilespmem:v2+s24+$0x0] =	vst.idx.msk vm0, v3  }
0x2f9: {  	v2 =	vld [tilespmem:s12+$0xED00]  }
0x2fa: {  	v3 =	vld [tilespmem:s12+$0xED10]  }
0x2fb: {  	v37 =	vld [tilespmem:s12+$0xED20]  }
0x2fc: {  	v38 =	vld [tilespmem:s12+$0xED30];
	_ =	sdelay $0x3  }
0x2fd: {  	v2 =	vmul.f32 v2, v5;
	v3 =	vmul.f32 v3, v6  }
0x2fe: {  	v4 =	vmul.f32 v37, v7;
	v9 =	vmul.f32 v38, v8;
	_ =	sdelay $0x1  }
0x2ff: {  	v2 =	vadd.f32 v3, v2;
	v3 =	vadd.f32 v9, v4;
	_ =	sdelay $0x1  }
0x300: {  	v2 =	vadd.f32 v3, v2;
	_ =	sdelay $0x1  }
0x301: {  	(xrf2) =	vadd.scan.msk.f32 $0xffff, v2;
	_ =	sdelay $0x3  }
0x302: {  	v2 =	vadd.s32 $0x2, v1  }
0x303: {  	v2 =	vbroadcast v2, $0x0;
	_ =	sdelay $0x4  }
0x304: {  	v3, _, _ =	vpop (xrf2)  }
0x305: {  	[tilespmem:v2+s24+$0x0] =	vst.idx.msk vm0, v3  }
0x306: {  	v2 =	vld [tilespmem:s12+$0xED80]  }
0x307: {  	v3 =	vld [tilespmem:s12+$0xED90]  }
0x308: {  	v39 =	vld [tilespmem:s12+$0xEDA0]  }
0x309: {  	v40 =	vld [tilespmem:s12+$0xEDB0];
	_ =	sdelay $0x3  }
0x30a: {  	v2 =	vmul.f32 v2, v5;
	v3 =	vmul.f32 v3, v6  }
0x30b: {  	v4 =	vmul.f32 v39, v7;
	v9 =	vmul.f32 v40, v8;
	_ =	sdelay $0x1  }
0x30c: {  	v2 =	vadd.f32 v3, v2;
	v3 =	vadd.f32 v9, v4;
	_ =	sdelay $0x1  }
0x30d: {  	v2 =	vadd.f32 v3, v2;
	_ =	sdelay $0x1  }
0x30e: {  	(xrf2) =	vadd.scan.msk.f32 $0xffff, v2;
	_ =	sdelay $0x3  }
0x30f: {  	v2 =	vadd.s32 $0x3, v1  }
0x310: {  	v2 =	vbroadcast v2, $0x0;
	_ =	sdelay $0x4  }
0x311: {  	v3, _, _ =	vpop (xrf2)  }
0x312: {  	[tilespmem:v2+s24+$0x0] =	vst.idx.msk vm0, v3  }
0x313: {  	v2 =	vld [tilespmem:s12+$0xEE00]  }
0x314: {  	v3 =	vld [tilespmem:s12+$0xEE10]  }
0x315: {  	v41 =	vld [tilespmem:s12+$0xEE20]  }
0x316: {  	v42 =	vld [tilespmem:s12+$0xEE30];
	_ =	sdelay $0x3  }
0x317: {  	v2 =	vmul.f32 v2, v5;
	v3 =	vmul.f32 v3, v6  }
0x318: {  	v4 =	vmul.f32 v41, v7;
	v9 =	vmul.f32 v42, v8;
	_ =	sdelay $0x1  }
0x319: {  	v2 =	vadd.f32 v3, v2;
	v3 =	vadd.f32 v9, v4;
	_ =	sdelay $0x1  }
0x31a: {  	v2 =	vadd.f32 v3, v2;
	_ =	sdelay $0x1  }
0x31b: {  	(xrf2) =	vadd.scan.msk.f32 $0xffff, v2;
	_ =	sdelay $0x3  }
0x31c: {  	v2 =	vadd.s32 $0x4, v1  }
0x31d: {  	v2 =	vbroadcast v2, $0x0;
	_ =	sdelay $0x4  }
0x31e: {  	v3, _, _ =	vpop (xrf2)  }
0x31f: {  	[tilespmem:v2+s24+$0x0] =	vst.idx.msk vm0, v3  }
0x320: {  	v2 =	vld [tilespmem:s12+$0xEE80]  }
0x321: {  	v3 =	vld [tilespmem:s12+$0xEE90]  }
0x322: {  	v43 =	vld [tilespmem:s12+$0xEEA0]  }
0x323: {  	v44 =	vld [tilespmem:s12+$0xEEB0];
	_ =	sdelay $0x3  }
0x324: {  	v2 =	vmul.f32 v2, v5;
	v3 =	vmul.f32 v3, v6  }
0x325: {  	v4 =	vmul.f32 v43, v7;
	v9 =	vmul.f32 v44, v8;
	_ =	sdelay $0x1  }
0x326: {  	v2 =	vadd.f32 v3, v2;
	v3 =	vadd.f32 v9, v4;
	_ =	sdelay $0x1  }
0x327: {  	v2 =	vadd.f32 v3, v2;
	_ =	sdelay $0x1  }
0x328: {  	(xrf2) =	vadd.scan.msk.f32 $0xffff, v2;
	_ =	sdelay $0x3  }
0x329: {  	v2 =	vadd.s32 $0x5, v1  }
0x32a: {  	v2 =	vbroadcast v2, $0x0;
	_ =	sdelay $0x4  }
0x32b: {  	v3, _, _ =	vpop (xrf2)  }
0x32c: {  	[tilespmem:v2+s24+$0x0] =	vst.idx.msk vm0, v3  }
0x32d: {  	v2 =	vld [tilespmem:s12+$0xEF00]  }
0x32e: {  	v3 =	vld [tilespmem:s12+$0xEF10]  }
0x32f: {  	v45 =	vld [tilespmem:s12+$0xEF20]  }
0x330: {  	v46 =	vld [tilespmem:s12+$0xEF30];
	_ =	sdelay $0x3  }
0x331: {  	v2 =	vmul.f32 v2, v5;
	v3 =	vmul.f32 v3, v6  }
0x332: {  	v4 =	vmul.f32 v45, v7;
	v9 =	vmul.f32 v46, v8;
	_ =	sdelay $0x1  }
0x333: {  	v2 =	vadd.f32 v3, v2;
	v3 =	vadd.f32 v9, v4;
	_ =	sdelay $0x1  }
0x334: {  	v2 =	vadd.f32 v3, v2;
	_ =	sdelay $0x1  }
0x335: {  	(xrf2) =	vadd.scan.msk.f32 $0xffff, v2;
	_ =	sdelay $0x3  }
0x336: {  	v2 =	vadd.s32 $0x6, v1  }
0x337: {  	v2 =	vbroadcast v2, $0x0;
	_ =	sdelay $0x4  }
0x338: {  	v3, _, _ =	vpop (xrf2)  }
0x339: {  	[tilespmem:v2+s24+$0x0] =	vst.idx.msk vm0, v3  }
0x33a: {  	v2 =	vld [tilespmem:s12+$0xEF80]  }
0x33b: {  	v3 =	vld [tilespmem:s12+$0xEF90]  }
0x33c: {  	v47 =	vld [tilespmem:s12+$0xEFA0]  }
0x33d: {  	v48 =	vld [tilespmem:s12+$0xEFB0];
	_ =	sdelay $0x3  }
0x33e: {  	v2 =	vmul.f32 v2, v5;
	v3 =	vmul.f32 v3, v6  }
0x33f: {  	v4 =	vmul.f32 v47, v7;
	v9 =	vmul.f32 v48, v8;
	_ =	sdelay $0x1  }
0x340: {  	v2 =	vadd.f32 v3, v2;
	v3 =	vadd.f32 v9, v4;
	_ =	sdelay $0x1  }
0x341: {  	v2 =	vadd.f32 v3, v2;
	_ =	sdelay $0x1  }
0x342: {  	(xrf2) =	vadd.scan.msk.f32 $0xffff, v2;
	_ =	sdelay $0x3  }
0x343: {  	v1 =	vadd.s32 $0x7, v1  }
0x344: {  	v1 =	vbroadcast v1, $0x0;
	_ =	sdelay $0x4  }
0x345: {  	v2, _, _ =	vpop (xrf2)  }
0x346: {  	[tilespmem:v1+s24+$0x0] =	vst.idx.msk vm0, v2  }
0x347: {  	v1 =	vld [tilespmem:s12+$0xF000]  }
0x348: {  	v2 =	vld [tilespmem:s12+$0xF010]  }
0x349: {  	v3 =	vld [tilespmem:s12+$0xF020]  }
0x34a: {  	v49 =	vld [tilespmem:s12+$0xF030];
	_ =	sdelay $0x3  }
0x34b: {  	v1 =	vmul.f32 v1, v5;
	v2 =	vmul.f32 v2, v6  }
0x34c: {  	v3 =	vmul.f32 v3, v7;
	v4 =	vmul.f32 v49, v8;
	_ =	sdelay $0x1  }
0x34d: {  	v1 =	vadd.f32 v2, v1;
	v2 =	vadd.f32 v4, v3;
	_ =	sdelay $0x1  }
0x34e: {  	v1 =	vadd.f32 v2, v1;
	_ =	sdelay $0x1  }
0x34f: {  	(xrf2) =	vadd.scan.msk.f32 $0xffff, v1  }
0x350: {  	s13 =	sadd.s32 $0x8, s1  }
0x351: {  	v1 =	vmov s13  }
0x352: {  	v1 =	vshrl.u32 v1, $0x3  }
0x353: {  	v1 =	vshll.u32 v1, v0  }
0x354: {  	v1 =	vbroadcast v1, $0x0;
	_ =	sdelay $0x4  }
0x355: {  	v2, _, _ =	vpop (xrf2)  }
0x356: {  	[tilespmem:v1+s24+$0x0] =	vst.idx.msk vm0, v2  }
0x357: {  	v1 =	vld [tilespmem:s12+$0xF080]  }
0x358: {  	v2 =	vld [tilespmem:s12+$0xF090]  }
0x359: {  	v3 =	vld [tilespmem:s12+$0xF0A0]  }
0x35a: {  	v50 =	vld [tilespmem:s12+$0xF0B0];
	_ =	sdelay $0x3  }
0x35b: {  	v1 =	vmul.f32 v1, v5;
	v2 =	vmul.f32 v2, v6  }
0x35c: {  	v3 =	vmul.f32 v3, v7;
	v4 =	vmul.f32 v50, v8;
	_ =	sdelay $0x1  }
0x35d: {  	v1 =	vadd.f32 v2, v1;
	v2 =	vadd.f32 v4, v3;
	_ =	sdelay $0x1  }
0x35e: {  	v1 =	vadd.f32 v2, v1;
	_ =	sdelay $0x1  }
0x35f: {  	s30 =	sadd.s32 $0x9, s1;
	(xrf2) =	vadd.scan.msk.f32 $0xffff, v1  }
0x360: {  	v1 =	vmov s30  }
0x361: {  	v1 =	vshrl.u32 v1, $0x3  }
0x362: {  	v1 =	vshll.u32 v1, v0  }
0x363: {  	v1 =	vadd.s32 $0x1, v1  }
0x364: {  	v1 =	vbroadcast v1, $0x0;
	_ =	sdelay $0x4  }
0x365: {  	v2, _, _ =	vpop (xrf2)  }
0x366: {  	[tilespmem:v1+s24+$0x0] =	vst.idx.msk vm0, v2  }
0x367: {  	v1 =	vld [tilespmem:s12+$0xF100]  }
0x368: {  	v2 =	vld [tilespmem:s12+$0xF110]  }
0x369: {  	v3 =	vld [tilespmem:s12+$0xF120]  }
0x36a: {  	v51 =	vld [tilespmem:s12+$0xF130];
	_ =	sdelay $0x3  }
0x36b: {  	v1 =	vmul.f32 v1, v5;
	v2 =	vmul.f32 v2, v6  }
0x36c: {  	v3 =	vmul.f32 v3, v7;
	v4 =	vmul.f32 v51, v8;
	_ =	sdelay $0x1  }
0x36d: {  	v1 =	vadd.f32 v2, v1;
	v2 =	vadd.f32 v4, v3;
	_ =	sdelay $0x1  }
0x36e: {  	v1 =	vadd.f32 v2, v1;
	_ =	sdelay $0x1  }
0x36f: {  	s31 =	sadd.s32 $0xA, s1;
	(xrf2) =	vadd.scan.msk.f32 $0xffff, v1  }
0x370: {  	v1 =	vmov s31  }
0x371: {  	v1 =	vshrl.u32 v1, $0x3  }
0x372: {  	v1 =	vshll.u32 v1, v0  }
0x373: {  	v1 =	vadd.s32 $0x2, v1  }
0x374: {  	v1 =	vbroadcast v1, $0x0;
	_ =	sdelay $0x4  }
0x375: {  	v2, _, _ =	vpop (xrf2)  }
0x376: {  	[tilespmem:v1+s24+$0x0] =	vst.idx.msk vm0, v2  }
0x377: {  	v1 =	vld [tilespmem:s12+$0xF180]  }
0x378: {  	v2 =	vld [tilespmem:s12+$0xF190]  }
0x379: {  	v3 =	vld [tilespmem:s12+$0xF1A0]  }
0x37a: {  	v52 =	vld [tilespmem:s12+$0xF1B0];
	_ =	sdelay $0x3  }
0x37b: {  	v1 =	vmul.f32 v1, v5;
	v2 =	vmul.f32 v2, v6  }
0x37c: {  	v3 =	vmul.f32 v3, v7;
	v4 =	vmul.f32 v52, v8;
	_ =	sdelay $0x1  }
0x37d: {  	v1 =	vadd.f32 v2, v1;
	v2 =	vadd.f32 v4, v3;
	_ =	sdelay $0x1  }
0x37e: {  	v1 =	vadd.f32 v2, v1;
	_ =	sdelay $0x1  }
0x37f: {  	s13 =	sadd.s32 $0xB, s1;
	(xrf2) =	vadd.scan.msk.f32 $0xffff, v1  }
0x380: {  	v1 =	vmov s13  }
0x381: {  	v1 =	vshrl.u32 v1, $0x3  }
0x382: {  	v1 =	vshll.u32 v1, v0  }
0x383: {  	v1 =	vadd.s32 $0x3, v1  }
0x384: {  	v1 =	vbroadcast v1, $0x0;
	_ =	sdelay $0x4  }
0x385: {  	v2, _, _ =	vpop (xrf2)  }
0x386: {  	[tilespmem:v1+s24+$0x0] =	vst.idx.msk vm0, v2  }
0x387: {  	v1 =	vld [tilespmem:s12+$0xF200]  }
0x388: {  	v2 =	vld [tilespmem:s12+$0xF210]  }
0x389: {  	v3 =	vld [tilespmem:s12+$0xF220]  }
0x38a: {  	v53 =	vld [tilespmem:s12+$0xF230];
	_ =	sdelay $0x3  }
0x38b: {  	v1 =	vmul.f32 v1, v5;
	v2 =	vmul.f32 v2, v6  }
0x38c: {  	v3 =	vmul.f32 v3, v7;
	v4 =	vmul.f32 v53, v8;
	_ =	sdelay $0x1  }
0x38d: {  	v1 =	vadd.f32 v2, v1;
	v2 =	vadd.f32 v4, v3;
	_ =	sdelay $0x1  }
0x38e: {  	v1 =	vadd.f32 v2, v1;
	_ =	sdelay $0x1  }
0x38f: {  	s30 =	sadd.s32 $0xC, s1;
	(xrf2) =	vadd.scan.msk.f32 $0xffff, v1  }
0x390: {  	v1 =	vmov s30  }
0x391: {  	v1 =	vshrl.u32 v1, $0x3  }
0x392: {  	v1 =	vshll.u32 v1, v0  }
0x393: {  	v1 =	vadd.s32 $0x4, v1  }
0x394: {  	v1 =	vbroadcast v1, $0x0;
	_ =	sdelay $0x4  }
0x395: {  	v2, _, _ =	vpop (xrf2)  }
0x396: {  	[tilespmem:v1+s24+$0x0] =	vst.idx.msk vm0, v2  }
0x397: {  	v1 =	vld [tilespmem:s12+$0xF280]  }
0x398: {  	v2 =	vld [tilespmem:s12+$0xF290]  }
0x399: {  	v3 =	vld [tilespmem:s12+$0xF2A0]  }
0x39a: {  	v54 =	vld [tilespmem:s12+$0xF2B0];
	_ =	sdelay $0x3  }
0x39b: {  	v1 =	vmul.f32 v1, v5;
	v2 =	vmul.f32 v2, v6  }
0x39c: {  	v3 =	vmul.f32 v3, v7;
	v4 =	vmul.f32 v54, v8;
	_ =	sdelay $0x1  }
0x39d: {  	v1 =	vadd.f32 v2, v1;
	v2 =	vadd.f32 v4, v3;
	_ =	sdelay $0x1  }
0x39e: {  	v1 =	vadd.f32 v2, v1;
	_ =	sdelay $0x1  }
0x39f: {  	s31 =	sadd.s32 $0xD, s1;
	(xrf2) =	vadd.scan.msk.f32 $0xffff, v1  }
0x3a0: {  	v1 =	vmov s31  }
0x3a1: {  	v1 =	vshrl.u32 v1, $0x3  }
0x3a2: {  	v1 =	vshll.u32 v1, v0  }
0x3a3: {  	v1 =	vadd.s32 $0x5, v1  }
0x3a4: {  	v1 =	vbroadcast v1, $0x0;
	_ =	sdelay $0x4  }
0x3a5: {  	v2, _, _ =	vpop (xrf2)  }
0x3a6: {  	[tilespmem:v1+s24+$0x0] =	vst.idx.msk vm0, v2  }
0x3a7: {  	v1 =	vld [tilespmem:s12+$0xF300]  }
0x3a8: {  	v2 =	vld [tilespmem:s12+$0xF310]  }
0x3a9: {  	v3 =	vld [tilespmem:s12+$0xF320]  }
0x3aa: {  	v55 =	vld [tilespmem:s12+$0xF330];
	_ =	sdelay $0x3  }
0x3ab: {  	v1 =	vmul.f32 v1, v5;
	v2 =	vmul.f32 v2, v6  }
0x3ac: {  	v3 =	vmul.f32 v3, v7;
	v4 =	vmul.f32 v55, v8;
	_ =	sdelay $0x1  }
0x3ad: {  	v1 =	vadd.f32 v2, v1;
	v2 =	vadd.f32 v4, v3;
	_ =	sdelay $0x1  }
0x3ae: {  	v1 =	vadd.f32 v2, v1;
	_ =	sdelay $0x1  }
0x3af: {  	s13 =	sadd.s32 $0xE, s1;
	(xrf2) =	vadd.scan.msk.f32 $0xffff, v1  }
0x3b0: {  	v1 =	vmov s13  }
0x3b1: {  	v1 =	vshrl.u32 v1, $0x3  }
0x3b2: {  	v1 =	vshll.u32 v1, v0  }
0x3b3: {  	v1 =	vadd.s32 $0x6, v1  }
0x3b4: {  	v1 =	vbroadcast v1, $0x0;
	_ =	sdelay $0x4  }
0x3b5: {  	v2, _, _ =	vpop (xrf2)  }
0x3b6: {  	[tilespmem:v1+s24+$0x0] =	vst.idx.msk vm0, v2  }
0x3b7: {  	v1 =	vld [tilespmem:s12+$0xF380]  }
0x3b8: {  	v2 =	vld [tilespmem:s12+$0xF390]  }
0x3b9: {  	v3 =	vld [tilespmem:s12+$0xF3A0]  }
0x3ba: {  	v56 =	vld [tilespmem:s12+$0xF3B0];
	_ =	sdelay $0x3  }
0x3bb: {  	v1 =	vmul.f32 v1, v5;
	v2 =	vmul.f32 v2, v6  }
0x3bc: {  	v3 =	vmul.f32 v3, v7;
	v4 =	vmul.f32 v56, v8;
	_ =	sdelay $0x1  }
0x3bd: {  	v1 =	vadd.f32 v2, v1;
	v2 =	vadd.f32 v4, v3;
	_ =	sdelay $0x1  }
0x3be: {  	v1 =	vadd.f32 v2, v1;
	_ =	sdelay $0x1  }
0x3bf: {  	s30 =	sadd.s32 $0xF, s1;
	(xrf2) =	vadd.scan.msk.f32 $0xffff, v1  }
0x3c0: {  	v1 =	vmov s30  }
0x3c1: {  	v1 =	vshrl.u32 v1, $0x3  }
0x3c2: {  	v1 =	vshll.u32 v1, v0  }
0x3c3: {  	v1 =	vadd.s32 $0x7, v1  }
0x3c4: {  	v1 =	vbroadcast v1, $0x0;
	_ =	sdelay $0x4  }
0x3c5: {  	v2, _, _ =	vpop (xrf2)  }
0x3c6: {  	[tilespmem:v1+s24+$0x0] =	vst.idx.msk vm0, v2  }
0x3c7: {  	v1 =	vld [tilespmem:s12+$0xF400]  }
0x3c8: {  	v2 =	vld [tilespmem:s12+$0xF410]  }
0x3c9: {  	v3 =	vld [tilespmem:s12+$0xF420]  }
0x3ca: {  	v57 =	vld [tilespmem:s12+$0xF430];
	_ =	sdelay $0x3  }
0x3cb: {  	v1 =	vmul.f32 v1, v5;
	v2 =	vmul.f32 v2, v6  }
0x3cc: {  	v3 =	vmul.f32 v3, v7;
	v4 =	vmul.f32 v57, v8;
	_ =	sdelay $0x1  }
0x3cd: {  	v1 =	vadd.f32 v2, v1;
	v2 =	vadd.f32 v4, v3;
	_ =	sdelay $0x1  }
0x3ce: {  	v1 =	vadd.f32 v2, v1;
	_ =	sdelay $0x1  }
0x3cf: {  	(xrf2) =	vadd.scan.msk.f32 $0xffff, v1  }
0x3d0: {  	s31 =	sadd.s32 $0x10, s1  }
0x3d1: {  	v1 =	vmov s31  }
0x3d2: {  	v1 =	vshrl.u32 v1, $0x3  }
0x3d3: {  	v1 =	vshll.u32 v1, v0  }
0x3d4: {  	v1 =	vbroadcast v1, $0x0;
	_ =	sdelay $0x4  }
0x3d5: {  	v2, _, _ =	vpop (xrf2)  }
0x3d6: {  	[tilespmem:v1+s24+$0x0] =	vst.idx.msk vm0, v2  }
0x3d7: {  	v1 =	vld [tilespmem:s12+$0xF480]  }
0x3d8: {  	v2 =	vld [tilespmem:s12+$0xF490]  }
0x3d9: {  	v3 =	vld [tilespmem:s12+$0xF4A0]  }
0x3da: {  	v58 =	vld [tilespmem:s12+$0xF4B0];
	_ =	sdelay $0x3  }
0x3db: {  	v1 =	vmul.f32 v1, v5;
	v2 =	vmul.f32 v2, v6  }
0x3dc: {  	v3 =	vmul.f32 v3, v7;
	v4 =	vmul.f32 v58, v8;
	_ =	sdelay $0x1  }
0x3dd: {  	v1 =	vadd.f32 v2, v1;
	v2 =	vadd.f32 v4, v3;
	_ =	sdelay $0x1  }
0x3de: {  	v1 =	vadd.f32 v2, v1;
	_ =	sdelay $0x1  }
0x3df: {  	s13 =	sadd.s32 $0x11, s1;
	(xrf2) =	vadd.scan.msk.f32 $0xffff, v1  }
0x3e0: {  	v1 =	vmov s13  }
0x3e1: {  	v1 =	vshrl.u32 v1, $0x3  }
0x3e2: {  	v1 =	vshll.u32 v1, v0  }
0x3e3: {  	v1 =	vadd.s32 $0x1, v1  }
0x3e4: {  	v1 =	vbroadcast v1, $0x0;
	_ =	sdelay $0x4  }
0x3e5: {  	v2, _, _ =	vpop (xrf2)  }
0x3e6: {  	[tilespmem:v1+s24+$0x0] =	vst.idx.msk vm0, v2  }
0x3e7: {  	v1 =	vld [tilespmem:s12+$0xF500]  }
0x3e8: {  	v2 =	vld [tilespmem:s12+$0xF510]  }
0x3e9: {  	v3 =	vld [tilespmem:s12+$0xF520]  }
0x3ea: {  	v59 =	vld [tilespmem:s12+$0xF530];
	_ =	sdelay $0x3  }
0x3eb: {  	v1 =	vmul.f32 v1, v5;
	v2 =	vmul.f32 v2, v6  }
0x3ec: {  	v3 =	vmul.f32 v3, v7;
	v4 =	vmul.f32 v59, v8;
	_ =	sdelay $0x1  }
0x3ed: {  	v1 =	vadd.f32 v2, v1;
	v2 =	vadd.f32 v4, v3;
	_ =	sdelay $0x1  }
0x3ee: {  	v1 =	vadd.f32 v2, v1;
	_ =	sdelay $0x1  }
0x3ef: {  	s30 =	sadd.s32 $0x12, s1;
	(xrf2) =	vadd.scan.msk.f32 $0xffff, v1  }
0x3f0: {  	v1 =	vmov s30  }
0x3f1: {  	v1 =	vshrl.u32 v1, $0x3  }
0x3f2: {  	s31 =	sor.u32 $0x1, s0;
	v1 =	vshll.u32 v1, v0  }
0x3f3: {  	s30 =	sshll.u32 s31, $0x7;
	v1 =	vadd.s32 $0x2, v1  }
0x3f4: {  	v3 =	vld [tilespmem:s30+$0x3420];
	v1 =	vbroadcast v1, $0x0  }
0x3f5: {  	v4 =	vld [tilespmem:s30+$0x3430]  }
0x3f6: {  	v13 =	vld [tilespmem:s30+$0x4400]  }
0x3f7: {  	v14 =	vld [tilespmem:s30+$0x4410]  }
0x3f8: {  	v15 =	vld [tilespmem:s30+$0x4420]  }
0x3f9: {  	v16 =	vld [tilespmem:s30+$0x4430];
	v2, _, _ =	vpop (xrf2)  }
0x3fa: {  	[tilespmem:v1+s24+$0x0] =	vst.idx.msk vm0, v2;
	v1 =	vld [tilespmem:s30+$0x3400]  }
0x3fb: {  	v60 =	vld [tilespmem:s12+$0xF580]  }
0x3fc: {  	v10 =	vld [tilespmem:s12+$0xF590]  }
0x3fd: {  	v11 =	vld [tilespmem:s12+$0xF5A0]  }
0x3fe: {  	v12 =	vld [tilespmem:s12+$0xF5B0]  }
0x3ff: {  	v2 =	vld [tilespmem:s30+$0x3410];
	_ =	sdelay $0x1  }
0x400: {  	v63 =	vmul.f32 v15, v3;
	v16 =	vmul.f32 v16, v4  }
0x401: {  	v5 =	vmul.f32 v60, v5;
	v6 =	vmul.f32 v10, v6  }
0x402: {  	v7 =	vmul.f32 v11, v7;
	v8 =	vmul.f32 v12, v8  }
0x403: {  	v61 =	vmul.f32 v13, v1;
	v62 =	vmul.f32 v14, v2  }
0x404: {  	v5 =	vadd.f32 v6, v5;
	v17 =	vadd.f32 v8, v7  }
0x405: {  	v19 =	vadd.f32 v16, v63;
	v18 =	vadd.f32 v62, v61  }
0x406: {  	v5 =	vadd.f32 v17, v5  }
0x407: {  	v20 =	vadd.f32 v19, v18  }
0x408: {  	(xrf2) =	vadd.scan.msk.f32 $0xffff, v5  }
0x409: {  	(xrf2) =	vadd.scan.msk.f32 $0xffff, v20;
	_ =	sdelay $0x4  }
0x40a: {  	s13 =	sor.u32 s29, s31  }
0x40b: {  	v21 =	vmov s13;
	_ =	sdelay $0x2  }
0x40c: {  	s5 =	smul.u32 $0x2800, s31;
	v5, _, _ =	vpop (xrf2)  }
0x40d: {  	v22, _, _ =	vpop (xrf2)  }
0x40e: {  	s12 =	sshra.s32 s5, $0x2;
	[tilespmem:v21+s23+$0x0] =	vst.idx.msk vm0, v22  }
0x40f: {  	v6 =	vld [tilespmem:s12+$0xEC00]  }
0x410: {  	v7 =	vld [tilespmem:s12+$0xEC10]  }
0x411: {  	v23 =	vld [tilespmem:s12+$0xEC20]  }
0x412: {  	v24 =	vld [tilespmem:s12+$0xEC30];
	_ =	sdelay $0x3  }
0x413: {  	v6 =	vmul.f32 v6, v1;
	v7 =	vmul.f32 v7, v2  }
0x414: {  	v8 =	vmul.f32 v23, v3;
	v9 =	vmul.f32 v24, v4;
	_ =	sdelay $0x1  }
0x415: {  	v6 =	vadd.f32 v7, v6;
	v25 =	vadd.f32 v9, v8;
	_ =	sdelay $0x1  }
0x416: {  	v6 =	vadd.f32 v25, v6  }
0x417: {  	s13 =	smul.u32 $0x14, s13  }
0x418: {  	(xrf2) =	vadd.scan.msk.f32 $0xffff, v6  }
0x419: {  	v26 =	vmov s13  }
0x41a: {  	v6 =	vshrl.u32 v26, $0x3  }
0x41b: {  	v6 =	vshll.u32 v6, v0  }
0x41c: {  	v27 =	vadd.s32 $0x4, v6  }
0x41d: {  	v7 =	vbroadcast v27, $0x0;
	_ =	sdelay $0x4  }
0x41e: {  	v28, _, _ =	vpop (xrf2)  }
0x41f: {  	[tilespmem:v7+s24+$0x0] =	vst.idx.msk vm0, v28  }
0x420: {  	v7 =	vld [tilespmem:s12+$0xEC80]  }
0x421: {  	v8 =	vld [tilespmem:s12+$0xEC90]  }
0x422: {  	v29 =	vld [tilespmem:s12+$0xECA0]  }
0x423: {  	v30 =	vld [tilespmem:s12+$0xECB0];
	_ =	sdelay $0x3  }
0x424: {  	v7 =	vmul.f32 v7, v1;
	v8 =	vmul.f32 v8, v2  }
0x425: {  	v9 =	vmul.f32 v29, v3;
	v10 =	vmul.f32 v30, v4;
	_ =	sdelay $0x1  }
0x426: {  	v7 =	vadd.f32 v8, v7;
	v31 =	vadd.f32 v10, v9;
	_ =	sdelay $0x1  }
0x427: {  	v7 =	vadd.f32 v31, v7;
	_ =	sdelay $0x1  }
0x428: {  	(xrf2) =	vadd.scan.msk.f32 $0xffff, v7;
	_ =	sdelay $0x3  }
0x429: {  	v32 =	vadd.s32 $0x5, v6  }
0x42a: {  	v7 =	vbroadcast v32, $0x0;
	_ =	sdelay $0x4  }
0x42b: {  	v33, _, _ =	vpop (xrf2)  }
0x42c: {  	[tilespmem:v7+s24+$0x0] =	vst.idx.msk vm0, v33  }
0x42d: {  	v7 =	vld [tilespmem:s12+$0xED00]  }
0x42e: {  	v8 =	vld [tilespmem:s12+$0xED10]  }
0x42f: {  	v34 =	vld [tilespmem:s12+$0xED20]  }
0x430: {  	v35 =	vld [tilespmem:s12+$0xED30];
	_ =	sdelay $0x3  }
0x431: {  	v7 =	vmul.f32 v7, v1;
	v8 =	vmul.f32 v8, v2  }
0x432: {  	v9 =	vmul.f32 v34, v3;
	v10 =	vmul.f32 v35, v4;
	_ =	sdelay $0x1  }
0x433: {  	v7 =	vadd.f32 v8, v7;
	v36 =	vadd.f32 v10, v9;
	_ =	sdelay $0x1  }
0x434: {  	v7 =	vadd.f32 v36, v7;
	_ =	sdelay $0x1  }
0x435: {  	(xrf2) =	vadd.scan.msk.f32 $0xffff, v7;
	_ =	sdelay $0x3  }
0x436: {  	v37 =	vadd.s32 $0x6, v6  }
0x437: {  	v7 =	vbroadcast v37, $0x0;
	_ =	sdelay $0x4  }
0x438: {  	v38, _, _ =	vpop (xrf2)  }
0x439: {  	[tilespmem:v7+s24+$0x0] =	vst.idx.msk vm0, v38  }
0x43a: {  	v7 =	vld [tilespmem:s12+$0xED80]  }
0x43b: {  	v8 =	vld [tilespmem:s12+$0xED90]  }
0x43c: {  	v39 =	vld [tilespmem:s12+$0xEDA0]  }
0x43d: {  	v40 =	vld [tilespmem:s12+$0xEDB0];
	_ =	sdelay $0x3  }
0x43e: {  	v7 =	vmul.f32 v7, v1;
	v8 =	vmul.f32 v8, v2  }
0x43f: {  	v9 =	vmul.f32 v39, v3;
	v10 =	vmul.f32 v40, v4;
	_ =	sdelay $0x1  }
0x440: {  	v7 =	vadd.f32 v8, v7;
	v41 =	vadd.f32 v10, v9;
	_ =	sdelay $0x1  }
0x441: {  	v7 =	vadd.f32 v41, v7;
	_ =	sdelay $0x1  }
0x442: {  	(xrf2) =	vadd.scan.msk.f32 $0xffff, v7;
	_ =	sdelay $0x3  }
0x443: {  	v6 =	vadd.s32 $0x7, v6  }
0x444: {  	v6 =	vbroadcast v6, $0x0;
	_ =	sdelay $0x4  }
0x445: {  	v7, _, _ =	vpop (xrf2)  }
0x446: {  	[tilespmem:v6+s24+$0x0] =	vst.idx.msk vm0, v7  }
0x447: {  	v6 =	vld [tilespmem:s12+$0xEE00]  }
0x448: {  	v7 =	vld [tilespmem:s12+$0xEE10]  }
0x449: {  	v42 =	vld [tilespmem:s12+$0xEE20]  }
0x44a: {  	v43 =	vld [tilespmem:s12+$0xEE30];
	_ =	sdelay $0x3  }
0x44b: {  	v6 =	vmul.f32 v6, v1;
	v7 =	vmul.f32 v7, v2  }
0x44c: {  	v8 =	vmul.f32 v42, v3;
	v9 =	vmul.f32 v43, v4;
	_ =	sdelay $0x1  }
0x44d: {  	v6 =	vadd.f32 v7, v6;
	v44 =	vadd.f32 v9, v8;
	_ =	sdelay $0x1  }
0x44e: {  	v6 =	vadd.f32 v44, v6;
	_ =	sdelay $0x1  }
0x44f: {  	(xrf2) =	vadd.scan.msk.f32 $0xffff, v6  }
0x450: {  	s31 =	sadd.s32 $0x4, s13  }
0x451: {  	v45 =	vmov s31  }
0x452: {  	v6 =	vshrl.u32 v45, $0x3  }
0x453: {  	v6 =	vshll.u32 v6, v0  }
0x454: {  	v6 =	vbroadcast v6, $0x0;
	_ =	sdelay $0x4  }
0x455: {  	v46, _, _ =	vpop (xrf2)  }
0x456: {  	[tilespmem:v6+s24+$0x0] =	vst.idx.msk vm0, v46  }
0x457: {  	v6 =	vld [tilespmem:s12+$0xEE80]  }
0x458: {  	v7 =	vld [tilespmem:s12+$0xEE90]  }
0x459: {  	v47 =	vld [tilespmem:s12+$0xEEA0]  }
0x45a: {  	v48 =	vld [tilespmem:s12+$0xEEB0];
	_ =	sdelay $0x3  }
0x45b: {  	v6 =	vmul.f32 v6, v1;
	v7 =	vmul.f32 v7, v2  }
0x45c: {  	v8 =	vmul.f32 v47, v3;
	v9 =	vmul.f32 v48, v4;
	_ =	sdelay $0x1  }
0x45d: {  	v6 =	vadd.f32 v7, v6;
	v49 =	vadd.f32 v9, v8;
	_ =	sdelay $0x1  }
0x45e: {  	v6 =	vadd.f32 v49, v6;
	_ =	sdelay $0x1  }
0x45f: {  	s30 =	sadd.s32 $0x5, s13;
	(xrf2) =	vadd.scan.msk.f32 $0xffff, v6  }
0x460: {  	v50 =	vmov s30  }
0x461: {  	v6 =	vshrl.u32 v50, $0x3  }
0x462: {  	v6 =	vshll.u32 v6, v0  }
0x463: {  	v6 =	vadd.s32 $0x1, v6  }
0x464: {  	v6 =	vbroadcast v6, $0x0;
	_ =	sdelay $0x4  }
0x465: {  	v51, _, _ =	vpop (xrf2)  }
0x466: {  	[tilespmem:v6+s24+$0x0] =	vst.idx.msk vm0, v51  }
0x467: {  	v6 =	vld [tilespmem:s12+$0xEF00]  }
0x468: {  	v7 =	vld [tilespmem:s12+$0xEF10]  }
0x469: {  	v52 =	vld [tilespmem:s12+$0xEF20]  }
0x46a: {  	v53 =	vld [tilespmem:s12+$0xEF30];
	_ =	sdelay $0x3  }
0x46b: {  	v6 =	vmul.f32 v6, v1;
	v7 =	vmul.f32 v7, v2  }
0x46c: {  	v8 =	vmul.f32 v52, v3;
	v9 =	vmul.f32 v53, v4;
	_ =	sdelay $0x1  }
0x46d: {  	v6 =	vadd.f32 v7, v6;
	v54 =	vadd.f32 v9, v8;
	_ =	sdelay $0x1  }
0x46e: {  	v6 =	vadd.f32 v54, v6;
	_ =	sdelay $0x1  }
0x46f: {  	s31 =	sadd.s32 $0x6, s13;
	(xrf2) =	vadd.scan.msk.f32 $0xffff, v6  }
0x470: {  	v55 =	vmov s31  }
0x471: {  	v6 =	vshrl.u32 v55, $0x3  }
0x472: {  	v6 =	vshll.u32 v6, v0  }
0x473: {  	v6 =	vadd.s32 $0x2, v6  }
0x474: {  	v6 =	vbroadcast v6, $0x0;
	_ =	sdelay $0x4  }
0x475: {  	v56, _, _ =	vpop (xrf2)  }
0x476: {  	[tilespmem:v6+s24+$0x0] =	vst.idx.msk vm0, v56  }
0x477: {  	v6 =	vld [tilespmem:s12+$0xEF80]  }
0x478: {  	v7 =	vld [tilespmem:s12+$0xEF90]  }
0x479: {  	v57 =	vld [tilespmem:s12+$0xEFA0]  }
0x47a: {  	v58 =	vld [tilespmem:s12+$0xEFB0];
	_ =	sdelay $0x3  }
0x47b: {  	v6 =	vmul.f32 v6, v1;
	v7 =	vmul.f32 v7, v2  }
0x47c: {  	v8 =	vmul.f32 v57, v3;
	v9 =	vmul.f32 v58, v4;
	_ =	sdelay $0x1  }
0x47d: {  	v6 =	vadd.f32 v7, v6;
	v59 =	vadd.f32 v9, v8;
	_ =	sdelay $0x1  }
0x47e: {  	v6 =	vadd.f32 v59, v6;
	_ =	sdelay $0x1  }
0x47f: {  	s30 =	sadd.s32 $0x7, s13;
	(xrf2) =	vadd.scan.msk.f32 $0xffff, v6  }
0x480: {  	v60 =	vmov s30  }
0x481: {  	v6 =	vshrl.u32 v60, $0x3  }
0x482: {  	v6 =	vshll.u32 v6, v0  }
0x483: {  	v6 =	vadd.s32 $0x3, v6  }
0x484: {  	v6 =	vbroadcast v6, $0x0;
	_ =	sdelay $0x4  }
0x485: {  	v61, _, _ =	vpop (xrf2)  }
0x486: {  	[tilespmem:v6+s24+$0x0] =	vst.idx.msk vm0, v61  }
0x487: {  	v6 =	vld [tilespmem:s12+$0xF000]  }
0x488: {  	v7 =	vld [tilespmem:s12+$0xF010]  }
0x489: {  	v62 =	vld [tilespmem:s12+$0xF020]  }
0x48a: {  	v63 =	vld [tilespmem:s12+$0xF030];
	_ =	sdelay $0x3  }
0x48b: {  	v6 =	vmul.f32 v6, v1;
	v7 =	vmul.f32 v7, v2  }
0x48c: {  	v8 =	vmul.f32 v62, v3;
	v9 =	vmul.f32 v63, v4;
	_ =	sdelay $0x1  }
0x48d: {  	v6 =	vadd.f32 v7, v6;
	v9 =	vadd.f32 v9, v8;
	_ =	sdelay $0x1  }
0x48e: {  	v6 =	vadd.f32 v9, v6;
	_ =	sdelay $0x1  }
0x48f: {  	s31 =	sadd.s32 $0x8, s13;
	(xrf2) =	vadd.scan.msk.f32 $0xffff, v6  }
0x490: {  	v10 =	vmov s31  }
0x491: {  	v6 =	vshrl.u32 v10, $0x3  }
0x492: {  	v6 =	vshll.u32 v6, v0  }
0x493: {  	v6 =	vadd.s32 $0x4, v6  }
0x494: {  	v6 =	vbroadcast v6, $0x0;
	_ =	sdelay $0x4  }
0x495: {  	v11, _, _ =	vpop (xrf2)  }
0x496: {  	[tilespmem:v6+s24+$0x0] =	vst.idx.msk vm0, v11  }
0x497: {  	v6 =	vld [tilespmem:s12+$0xF080]  }
0x498: {  	v7 =	vld [tilespmem:s12+$0xF090]  }
0x499: {  	v12 =	vld [tilespmem:s12+$0xF0A0]  }
0x49a: {  	v13 =	vld [tilespmem:s12+$0xF0B0];
	_ =	sdelay $0x3  }
0x49b: {  	v6 =	vmul.f32 v6, v1;
	v7 =	vmul.f32 v7, v2  }
0x49c: {  	v8 =	vmul.f32 v12, v3;
	v9 =	vmul.f32 v13, v4;
	_ =	sdelay $0x1  }
0x49d: {  	v6 =	vadd.f32 v7, v6;
	v14 =	vadd.f32 v9, v8;
	_ =	sdelay $0x1  }
0x49e: {  	v6 =	vadd.f32 v14, v6;
	_ =	sdelay $0x1  }
0x49f: {  	s30 =	sadd.s32 $0x9, s13;
	(xrf2) =	vadd.scan.msk.f32 $0xffff, v6  }
0x4a0: {  	v15 =	vmov s30  }
0x4a1: {  	v6 =	vshrl.u32 v15, $0x3  }
0x4a2: {  	v6 =	vshll.u32 v6, v0  }
0x4a3: {  	v6 =	vadd.s32 $0x5, v6  }
0x4a4: {  	v6 =	vbroadcast v6, $0x0;
	_ =	sdelay $0x4  }
0x4a5: {  	v16, _, _ =	vpop (xrf2)  }
0x4a6: {  	[tilespmem:v6+s24+$0x0] =	vst.idx.msk vm0, v16  }
0x4a7: {  	v6 =	vld [tilespmem:s12+$0xF100]  }
0x4a8: {  	v7 =	vld [tilespmem:s12+$0xF110]  }
0x4a9: {  	v17 =	vld [tilespmem:s12+$0xF120]  }
0x4aa: {  	v18 =	vld [tilespmem:s12+$0xF130];
	_ =	sdelay $0x3  }
0x4ab: {  	v6 =	vmul.f32 v6, v1;
	v7 =	vmul.f32 v7, v2  }
0x4ac: {  	v8 =	vmul.f32 v17, v3;
	v9 =	vmul.f32 v18, v4;
	_ =	sdelay $0x1  }
0x4ad: {  	v6 =	vadd.f32 v7, v6;
	v19 =	vadd.f32 v9, v8;
	_ =	sdelay $0x1  }
0x4ae: {  	v6 =	vadd.f32 v19, v6;
	_ =	sdelay $0x1  }
0x4af: {  	s31 =	sadd.s32 $0xA, s13;
	(xrf2) =	vadd.scan.msk.f32 $0xffff, v6  }
0x4b0: {  	v20 =	vmov s31  }
0x4b1: {  	v6 =	vshrl.u32 v20, $0x3  }
0x4b2: {  	v6 =	vshll.u32 v6, v0  }
0x4b3: {  	v6 =	vadd.s32 $0x6, v6  }
0x4b4: {  	v6 =	vbroadcast v6, $0x0;
	_ =	sdelay $0x4  }
0x4b5: {  	v21, _, _ =	vpop (xrf2)  }
0x4b6: {  	[tilespmem:v6+s24+$0x0] =	vst.idx.msk vm0, v21  }
0x4b7: {  	v6 =	vld [tilespmem:s12+$0xF180]  }
0x4b8: {  	v7 =	vld [tilespmem:s12+$0xF190]  }
0x4b9: {  	v22 =	vld [tilespmem:s12+$0xF1A0]  }
0x4ba: {  	v23 =	vld [tilespmem:s12+$0xF1B0];
	_ =	sdelay $0x3  }
0x4bb: {  	v6 =	vmul.f32 v6, v1;
	v7 =	vmul.f32 v7, v2  }
0x4bc: {  	v8 =	vmul.f32 v22, v3;
	v9 =	vmul.f32 v23, v4;
	_ =	sdelay $0x1  }
0x4bd: {  	v6 =	vadd.f32 v7, v6;
	v24 =	vadd.f32 v9, v8;
	_ =	sdelay $0x1  }
0x4be: {  	v6 =	vadd.f32 v24, v6;
	_ =	sdelay $0x1  }
0x4bf: {  	s30 =	sadd.s32 $0xB, s13;
	(xrf2) =	vadd.scan.msk.f32 $0xffff, v6  }
0x4c0: {  	v25 =	vmov s30  }
0x4c1: {  	v6 =	vshrl.u32 v25, $0x3  }
0x4c2: {  	v6 =	vshll.u32 v6, v0  }
0x4c3: {  	v6 =	vadd.s32 $0x7, v6  }
0x4c4: {  	v6 =	vbroadcast v6, $0x0;
	_ =	sdelay $0x4  }
0x4c5: {  	v26, _, _ =	vpop (xrf2)  }
0x4c6: {  	[tilespmem:v6+s24+$0x0] =	vst.idx.msk vm0, v26  }
0x4c7: {  	v6 =	vld [tilespmem:s12+$0xF200]  }
0x4c8: {  	v7 =	vld [tilespmem:s12+$0xF210]  }
0x4c9: {  	v27 =	vld [tilespmem:s12+$0xF220]  }
0x4ca: {  	v28 =	vld [tilespmem:s12+$0xF230];
	_ =	sdelay $0x3  }
0x4cb: {  	v6 =	vmul.f32 v6, v1;
	v7 =	vmul.f32 v7, v2  }
0x4cc: {  	v8 =	vmul.f32 v27, v3;
	v9 =	vmul.f32 v28, v4;
	_ =	sdelay $0x1  }
0x4cd: {  	v6 =	vadd.f32 v7, v6;
	v29 =	vadd.f32 v9, v8;
	_ =	sdelay $0x1  }
0x4ce: {  	v6 =	vadd.f32 v29, v6;
	_ =	sdelay $0x1  }
0x4cf: {  	(xrf2) =	vadd.scan.msk.f32 $0xffff, v6  }
0x4d0: {  	s31 =	sadd.s32 $0xC, s13  }
0x4d1: {  	v30 =	vmov s31  }
0x4d2: {  	v6 =	vshrl.u32 v30, $0x3  }
0x4d3: {  	v6 =	vshll.u32 v6, v0  }
0x4d4: {  	v6 =	vbroadcast v6, $0x0;
	_ =	sdelay $0x4  }
0x4d5: {  	v31, _, _ =	vpop (xrf2)  }
0x4d6: {  	[tilespmem:v6+s24+$0x0] =	vst.idx.msk vm0, v31  }
0x4d7: {  	v6 =	vld [tilespmem:s12+$0xF280]  }
0x4d8: {  	v7 =	vld [tilespmem:s12+$0xF290]  }
0x4d9: {  	v32 =	vld [tilespmem:s12+$0xF2A0]  }
0x4da: {  	v33 =	vld [tilespmem:s12+$0xF2B0];
	_ =	sdelay $0x3  }
0x4db: {  	v6 =	vmul.f32 v6, v1;
	v7 =	vmul.f32 v7, v2  }
0x4dc: {  	v8 =	vmul.f32 v32, v3;
	v9 =	vmul.f32 v33, v4;
	_ =	sdelay $0x1  }
0x4dd: {  	v6 =	vadd.f32 v7, v6;
	v34 =	vadd.f32 v9, v8;
	_ =	sdelay $0x1  }
0x4de: {  	v6 =	vadd.f32 v34, v6;
	_ =	sdelay $0x1  }
0x4df: {  	s30 =	sadd.s32 $0xD, s13;
	(xrf2) =	vadd.scan.msk.f32 $0xffff, v6  }
0x4e0: {  	v35 =	vmov s30  }
0x4e1: {  	v6 =	vshrl.u32 v35, $0x3  }
0x4e2: {  	v6 =	vshll.u32 v6, v0  }
0x4e3: {  	v6 =	vadd.s32 $0x1, v6  }
0x4e4: {  	v6 =	vbroadcast v6, $0x0;
	_ =	sdelay $0x4  }
0x4e5: {  	v36, _, _ =	vpop (xrf2)  }
0x4e6: {  	[tilespmem:v6+s24+$0x0] =	vst.idx.msk vm0, v36  }
0x4e7: {  	v6 =	vld [tilespmem:s12+$0xF300]  }
0x4e8: {  	v7 =	vld [tilespmem:s12+$0xF310]  }
0x4e9: {  	v37 =	vld [tilespmem:s12+$0xF320]  }
0x4ea: {  	v38 =	vld [tilespmem:s12+$0xF330];
	_ =	sdelay $0x3  }
0x4eb: {  	v6 =	vmul.f32 v6, v1;
	v7 =	vmul.f32 v7, v2  }
0x4ec: {  	v8 =	vmul.f32 v37, v3;
	v9 =	vmul.f32 v38, v4;
	_ =	sdelay $0x1  }
0x4ed: {  	v6 =	vadd.f32 v7, v6;
	v39 =	vadd.f32 v9, v8;
	_ =	sdelay $0x1  }
0x4ee: {  	v6 =	vadd.f32 v39, v6;
	_ =	sdelay $0x1  }
0x4ef: {  	s31 =	sadd.s32 $0xE, s13;
	(xrf2) =	vadd.scan.msk.f32 $0xffff, v6  }
0x4f0: {  	v40 =	vmov s31  }
0x4f1: {  	v6 =	vshrl.u32 v40, $0x3  }
0x4f2: {  	v6 =	vshll.u32 v6, v0  }
0x4f3: {  	v6 =	vadd.s32 $0x2, v6  }
0x4f4: {  	v6 =	vbroadcast v6, $0x0;
	_ =	sdelay $0x4  }
0x4f5: {  	v41, _, _ =	vpop (xrf2)  }
0x4f6: {  	[tilespmem:v6+s24+$0x0] =	vst.idx.msk vm0, v41  }
0x4f7: {  	v6 =	vld [tilespmem:s12+$0xF380]  }
0x4f8: {  	v7 =	vld [tilespmem:s12+$0xF390]  }
0x4f9: {  	v42 =	vld [tilespmem:s12+$0xF3A0]  }
0x4fa: {  	v43 =	vld [tilespmem:s12+$0xF3B0];
	_ =	sdelay $0x3  }
0x4fb: {  	v6 =	vmul.f32 v6, v1;
	v7 =	vmul.f32 v7, v2  }
0x4fc: {  	v8 =	vmul.f32 v42, v3;
	v9 =	vmul.f32 v43, v4;
	_ =	sdelay $0x1  }
0x4fd: {  	v6 =	vadd.f32 v7, v6;
	v44 =	vadd.f32 v9, v8;
	_ =	sdelay $0x1  }
0x4fe: {  	v6 =	vadd.f32 v44, v6;
	_ =	sdelay $0x1  }
0x4ff: {  	s30 =	sadd.s32 $0xF, s13;
	(xrf2) =	vadd.scan.msk.f32 $0xffff, v6  }
0x500: {  	v45 =	vmov s30  }
0x501: {  	v6 =	vshrl.u32 v45, $0x3  }
0x502: {  	v6 =	vshll.u32 v6, v0  }
0x503: {  	v6 =	vadd.s32 $0x3, v6  }
0x504: {  	v6 =	vbroadcast v6, $0x0;
	_ =	sdelay $0x4  }
0x505: {  	v46, _, _ =	vpop (xrf2)  }
0x506: {  	[tilespmem:v6+s24+$0x0] =	vst.idx.msk vm0, v46  }
0x507: {  	v6 =	vld [tilespmem:s12+$0xF400]  }
0x508: {  	v7 =	vld [tilespmem:s12+$0xF410]  }
0x509: {  	v47 =	vld [tilespmem:s12+$0xF420]  }
0x50a: {  	v48 =	vld [tilespmem:s12+$0xF430];
	_ =	sdelay $0x3  }
0x50b: {  	v6 =	vmul.f32 v6, v1;
	v7 =	vmul.f32 v7, v2  }
0x50c: {  	v8 =	vmul.f32 v47, v3;
	v9 =	vmul.f32 v48, v4;
	_ =	sdelay $0x1  }
0x50d: {  	v6 =	vadd.f32 v7, v6;
	v49 =	vadd.f32 v9, v8;
	_ =	sdelay $0x1  }
0x50e: {  	v6 =	vadd.f32 v49, v6;
	_ =	sdelay $0x1  }
0x50f: {  	s31 =	sadd.s32 $0x10, s13;
	(xrf2) =	vadd.scan.msk.f32 $0xffff, v6  }
0x510: {  	v50 =	vmov s31  }
0x511: {  	v6 =	vshrl.u32 v50, $0x3  }
0x512: {  	v6 =	vshll.u32 v6, v0  }
0x513: {  	v6 =	vadd.s32 $0x4, v6  }
0x514: {  	v6 =	vbroadcast v6, $0x0;
	_ =	sdelay $0x4  }
0x515: {  	v51, _, _ =	vpop (xrf2)  }
0x516: {  	[tilespmem:v6+s24+$0x0] =	vst.idx.msk vm0, v51  }
0x517: {  	v6 =	vld [tilespmem:s12+$0xF480]  }
0x518: {  	v7 =	vld [tilespmem:s12+$0xF490]  }
0x519: {  	v52 =	vld [tilespmem:s12+$0xF4A0]  }
0x51a: {  	v53 =	vld [tilespmem:s12+$0xF4B0];
	_ =	sdelay $0x3  }
0x51b: {  	v6 =	vmul.f32 v6, v1;
	v7 =	vmul.f32 v7, v2  }
0x51c: {  	v8 =	vmul.f32 v52, v3;
	v9 =	vmul.f32 v53, v4;
	_ =	sdelay $0x1  }
0x51d: {  	v6 =	vadd.f32 v7, v6;
	v54 =	vadd.f32 v9, v8;
	_ =	sdelay $0x1  }
0x51e: {  	v6 =	vadd.f32 v54, v6;
	_ =	sdelay $0x1  }
0x51f: {  	s30 =	sadd.s32 $0x11, s13;
	(xrf2) =	vadd.scan.msk.f32 $0xffff, v6  }
0x520: {  	v55 =	vmov s30  }
0x521: {  	v6 =	vshrl.u32 v55, $0x3  }
0x522: {  	v6 =	vshll.u32 v6, v0  }
0x523: {  	v6 =	vadd.s32 $0x5, v6  }
0x524: {  	v6 =	vbroadcast v6, $0x0;
	_ =	sdelay $0x4  }
0x525: {  	v56, _, _ =	vpop (xrf2)  }
0x526: {  	[tilespmem:v6+s24+$0x0] =	vst.idx.msk vm0, v56  }
0x527: {  	v6 =	vld [tilespmem:s12+$0xF500]  }
0x528: {  	v7 =	vld [tilespmem:s12+$0xF510]  }
0x529: {  	v57 =	vld [tilespmem:s12+$0xF520]  }
0x52a: {  	v58 =	vld [tilespmem:s12+$0xF530];
	_ =	sdelay $0x3  }
0x52b: {  	v6 =	vmul.f32 v6, v1;
	v7 =	vmul.f32 v7, v2  }
0x52c: {  	v8 =	vmul.f32 v57, v3;
	v9 =	vmul.f32 v58, v4;
	_ =	sdelay $0x1  }
0x52d: {  	v6 =	vadd.f32 v7, v6;
	v59 =	vadd.f32 v9, v8;
	_ =	sdelay $0x1  }
0x52e: {  	v6 =	vadd.f32 v59, v6;
	_ =	sdelay $0x1  }
0x52f: {  	s31 =	sadd.s32 $0x12, s13;
	(xrf2) =	vadd.scan.msk.f32 $0xffff, v6  }
0x530: {  	v60 =	vmov s31  }
0x531: {  	v6 =	vshrl.u32 v60, $0x3  }
0x532: {  	v6 =	vshll.u32 v6, v0  }
0x533: {  	v6 =	vadd.s32 $0x6, v6  }
0x534: {  	v6 =	vbroadcast v6, $0x0;
	_ =	sdelay $0x4  }
0x535: {  	v61, _, _ =	vpop (xrf2)  }
0x536: {  	[tilespmem:v6+s24+$0x0] =	vst.idx.msk vm0, v61  }
0x537: {  	v6 =	vld [tilespmem:s12+$0xF580]  }
0x538: {  	v7 =	vld [tilespmem:s12+$0xF590]  }
0x539: {  	v62 =	vld [tilespmem:s12+$0xF5A0]  }
0x53a: {  	v63 =	vld [tilespmem:s12+$0xF5B0];
	_ =	sdelay $0x3  }
0x53b: {  	v1 =	vmul.f32 v6, v1;
	v2 =	vmul.f32 v7, v2  }
0x53c: {  	v3 =	vmul.f32 v62, v3;
	v4 =	vmul.f32 v63, v4;
	_ =	sdelay $0x1  }
0x53d: {  	v1 =	vadd.f32 v2, v1;
	v2 =	vadd.f32 v4, v3;
	_ =	sdelay $0x1  }
0x53e: {  	v1 =	vadd.f32 v2, v1  }
0x53f: {  	s1 =	sadd.s32 $0x13, s1  }
0x540: {  	s30 =	sadd.s32 $0x13, s13;
	v2 =	vmov s1;
	(xrf2) =	vadd.scan.msk.f32 $0xffff, v1  }
0x541: {  	v1 =	vshrl.u32 v2, $0x3;
	v2 =	vmov s30  }
0x542: {  	v1 =	vshll.u32 v1, v0;
	v2 =	vshrl.u32 v2, $0x3  }
0x543: {  	v1 =	vadd.s32 $0x3, v1;
	v2 =	vshll.u32 v2, v0  }
0x544: {  	v1 =	vbroadcast v1, $0x0;
	v2 =	vadd.s32 $0x7, v2  }
0x545: {  	v2 =	vbroadcast v2, $0x0  }
0x546: {  	p0 =	slt.u32 s0, $0xE  }
.Ltmp1:
0x547: {  	_ = 	snop;
	(pc) =	sbr.rel @p0 .LBB2_5-.Ltmp1, $3  }
0x548: {  	_ =	sdelay $0x1  }
0x549: {  	s31 =	sadd.s32 $0x2, s0;
	[tilespmem:v1+s24+$0x0] =	vst.idx.msk vm0, v5;
	v1, _, _ =	vpop (xrf2)  }
0x54a: {  	s0 =	smov.u32 s31;
	[tilespmem:v2+s24+$0x0] =	vst.idx.msk vm0, v1  }
0x54b: {  	s28 =	sadd.s32 $0x1, s28  }
0x54c: {  	p0 =	sne.s32 s28, $0x10  }
.Ltmp2:
0x54d: {  	_ = 	snop;
	(pc) =	sbr.rel @p0 .LBB2_2-.Ltmp2, $1  }
0x54e: {  	_ =	sdelay $0x3  }
0x54f: {  	_ =	swait.ge [sflag:s22], $0x800  }
0x550: {  	[sflag:s22] =	ssyncset.done $0x0  }
0x551: {  	[sflag:s22] =	ssyncadd.s32 $0xFFFFF800  }
0x552: {  	_ =	swait.ge [sflag:s22], $0x800  }
0x553: {  	[sflag:s22] =	ssyncset.done $0x0  }
0x554: {  	[sflag:s22] =	ssyncadd.s32 $0xFFFFF800  }
0x555: {  	_ =	swait.ge [sflag:s22], $0xA000  }
0x556: {  	[sflag:s22] =	ssyncset.done $0x0  }
0x557: {  	[sflag:s22] =	ssyncadd.s32 $0xFFFF6000  }
0x558: {  	[hbm4b:s8+s2] =	stream.linear.scatter [tilespmem:s23], [sflag:$0x3], $0x200, $0x38;
	[tilespmem:$0x1B600] =	vst v63  }
0x559: {  	s26 =	sadd.s32 $0x1, s26;
	_ =	swait.ge [sflag:s11], $0x200  }
0x55a: {  	p0 =	sne.s32 s26, s10;
	[sflag:s11] =	ssyncset.done $0x0  }
.Ltmp3:
0x55b: {  	[sflag:s11] =	ssyncadd.s32 $0xFFFFFE00;
	(pc) =	sbr.rel @p0 .LBB2_1-.Ltmp3, $4  }
0x55c: {  	[hbm4b:s9+s2] =	stream.linear.scatter [tilespmem:s24], [sflag:$0x3], $0x2800, $0x38;
	[tilespmem:$0x1B600] =	vst v63  }
0x55d: {  	_ =	swait.ge [sflag:s11], $0x2800  }
0x55e: {  	[sflag:s11] =	ssyncset.done $0x0  }
0x55f: {  	[sflag:s11] =	ssyncadd.s32 $0xFFFFD800  }
0x560: {  	_ =	sfence.sel $0x180000  }
0x561: {  	[bflag:$0x0] =	sbarrier.arrive $0xFFFF  }
0x562: {  	_ =	strace $0x90000047  }
0x563: {  	s0 =	stileid.u32;
	[bflag:$0x2] =	sbarrier.arrive $0xFFFF  }
0x564: {  	p0 =	sne.s32 s0, $0x0;
	s0 =	rddreg [dreg:$0x5]  }
0x565: {  	s0 =	sadd.s32 @!p0 $0x100000, s0  }
0x566: {  	[sflag:s0] =	ssyncadd.tile.s32 @!p0 $0x1;
	_ =	shalt  }
.Lfunc_end2:
_tile_overlayer_lowered:
.L_overlay_start_2:
0x567: {  	(tag) =	ssettag $0x2  }
0x568: {  	s0 =	rddreg [dreg:$0x0];
	s2 =	stileid.u32  }
0x569: {  	s1 =	rddreg [dreg:$0x1];
	p0 =	sne.s32 s2, $0x0  }
0x56a: {  	s3 =	rddreg [dreg:$0x2];
	[bflag:$0x3] =	sbarrier.arrive $0xFFFF;
	s2 =	simm.s32 @!p0 $0x1C03  }
0x56b: {  	[timem:s3], [sflag:s2] =	dma.local @!p0 [hbm:s0], s1  }
0x56c: {  	s0 =	simm.s32 @!p0 $0x3  }
0x56d: {  	_ =	swait.ge @!p0 [sflag:s0], s1  }
0x56e: {  	s1 =	ssub.s32 @!p0 $0x0, s1;
	[sflag:s0] =	ssyncset.done @!p0 $0x0  }
0x56f: {  	[sflag:s0] =	ssyncadd.s32 @!p0 s1  }
0x570: {  	[bflag:$0x3] =	sbarrier.arrive $0xFFFF  }
0x571: {  	_ =	shalt  }

</sc_bundles>
